<compile_context>
chip_gen: v7x
topology: tpu7x:2x2x1
jax: 0.10.2.dev20260603
libtpu: 0.0.44.dev20260713+nightly
codegen_flags: <defaults>
</compile_context>

<pallas_src>
import functools

import jax
import jax.numpy as jnp
from jax import lax
from jax.experimental import pallas as pl
from jax.experimental.pallas import tpu as pltpu
from jax.experimental.pallas import tpu_sc as plsc

_N = 10000
_D = 128
_E = 320000
_NW = 32
_NTILE = 16
_CHUNK = 128
_NCH = 80
_NCH2 = _NCH // 2
_KPIPE = 2
_E_PAD = _NW * _NCH * _CHUNK
_N_ACC = 10112
_RPT = _N_ACC // _NTILE
_EPW = _NCH * _CHUNK
_AC = 5
_AR = _N_ACC // 128

_NCHH = _NCH // 2


def _attr_body(dst3b, attrt, zacc,
               ps,
               dst_v, *bufs):
    attr_vs = bufs[: _AC]
    acc_vs = bufs[_AC: 2 * _AC]
    c = lax.axis_index("c")
    s = lax.axis_index("s")
    w = c * _NTILE + s
    for k in range(_AC):
        pltpu.sync_copy(zacc, acc_vs[k])

    for half in range(2):
        pltpu.sync_copy(dst3b.at[w * 2 + half], dst_v)
        for k in range(_AC):
            pltpu.sync_copy(attrt.at[(w * _AC + k) * 2 + half], attr_vs[k])

        def chunk(i, carry):
            for j in range(_CHUNK // 16):
                dst16 = dst_v[i, pl.ds(j * 16, 16)]
                hi = lax.shift_right_logical(dst16, 7)
                lo = lax.bitwise_and(dst16, 127)
                for k in range(_AC):
                    v16 = attr_vs[k][i, pl.ds(j * 16, 16)]
                    plsc.addupdate_scatter(acc_vs[k], [hi, lo], v16)
            return carry

        lax.fori_loop(0, _NCHH, chunk, 0)
    for k in range(_AC):
        pltpu.sync_copy(acc_vs[k], ps.at[w * _AC + k])


@functools.cache
def _get_attr():
    return pl.kernel(
        _attr_body,
        out_type=jax.ShapeDtypeStruct((_NW * _AC, _AR, 128), jnp.float32),
        mesh=plsc.VectorSubcoreMesh(core_axis_name="c", subcore_axis_name="s"),
        compiler_params=pltpu.CompilerParams(needs_layout_passes=False),
        scratch_types=[pltpu.VMEM((_NCHH, _CHUNK), jnp.int32)]
        + [pltpu.VMEM((_NCHH, _CHUNK), jnp.float32) for _ in range(_AC)]
        + [pltpu.VMEM((_AR, 128), jnp.float32) for _ in range(_AC)],
    )


def _spmm_body(table, src3, dst3,
               px,
               src_v, dst_v, rows_a, rows_b, xacc, sem_a, sem_b):
    c = lax.axis_index("c")
    s = lax.axis_index("s")
    w = c * _NTILE + s
    row0 = s * _RPT

    def zrow(r, carry):
        for j in range(_D // 16):
            rows_a[r, pl.ds(j * 16, 16)] = jnp.zeros((16,), jnp.float32)
        return carry

    lax.fori_loop(0, _CHUNK, zrow, 0)
    nfull, rem = _RPT // _CHUNK, _RPT % _CHUNK
    zd = [pltpu.async_copy(rows_a,
                           xacc.at[pl.ds(row0 + k * _CHUNK, _CHUNK)], sem_a)
          for k in range(nfull)]
    if rem:
        zd.append(pltpu.async_copy(
            rows_a.at[pl.ds(0, rem)],
            xacc.at[pl.ds(row0 + nfull * _CHUNK, rem)], sem_a))
    for d in zd:
        d.wait()
    plsc.subcore_barrier()

    for half in range(2):
        pltpu.sync_copy(src3.at[w * 2 + half], src_v)
        pltpu.sync_copy(dst3.at[w * 2 + half], dst_v)

        def chunk(t, carry):
            i0 = 2 * t
            da = pltpu.async_copy(table.at[src_v.at[i0]], rows_a, sem_a)
            db = pltpu.async_copy(table.at[src_v.at[i0 + 1]], rows_b, sem_b)
            da.wait()
            pltpu.sync_copy(rows_a, xacc.at[dst_v.at[i0]], add=True)
            db.wait()
            pltpu.sync_copy(rows_b, xacc.at[dst_v.at[i0 + 1]], add=True)
            return carry

        lax.fori_loop(0, _NCH2 // 2, chunk, 0)
    plsc.subcore_barrier()
    pltpu.sync_copy(xacc.at[pl.ds(row0, _RPT)], px.at[c, pl.ds(row0, _RPT)])


@functools.cache
def _get_spmm():
    return pl.kernel(
        _spmm_body,
        out_type=jax.ShapeDtypeStruct((2, _N_ACC, _D), jnp.float32),
        mesh=plsc.VectorSubcoreMesh(core_axis_name="c", subcore_axis_name="s"),
        scratch_types=[
            pltpu.VMEM((_NCH2, _CHUNK), jnp.int32),
            pltpu.VMEM((_NCH2, _CHUNK), jnp.int32),
            pltpu.VMEM((_CHUNK, _D), jnp.float32),
            pltpu.VMEM((_CHUNK, _D), jnp.float32),
            pltpu.VMEM_SHARED((_N_ACC, _D), jnp.float32),
            pltpu.SemaphoreType.DMA,
            pltpu.SemaphoreType.DMA,
        ],
    )


def _mlp0_body(px, ps, x, sl5, encw5, w1, b1, g, be, w2, b2, out):
    p = px[0, : _N, :] + px[1, : _N, :] + x[...]
    st = jnp.sum(ps[...], axis=0)[:, : _N] + sl5[...]
    agg = p + lax.dot_general(st, encw5[...], (((0,), (0,)), ((), ())),
                              preferred_element_type=jnp.float32)
    z = jnp.dot(agg, w1[...], preferred_element_type=jnp.float32) + b1[...]
    mu = jnp.mean(z, axis=0, keepdims=True)
    var = jnp.mean((z - mu) * (z - mu), axis=0, keepdims=True)
    z = (z - mu) * lax.rsqrt(var + 1e-5) * g[...] + be[...]
    z = jnp.maximum(z, 0.0)
    h = jnp.dot(z, w2[...], preferred_element_type=jnp.float32) + b2[...]
    out[...] = jnp.maximum(h, 0.0)


def _mlp1_body(ph, ps, h1, sl5, encw5, w1a, w1b, b1, g, be, w2, b2, out):
    p = ph[0, : _N, :] + ph[1, : _N, :] + h1[...]
    st = jnp.sum(ps[...], axis=0)[:, : _N] + sl5[...]
    aggr = lax.dot_general(st, encw5[...], (((0,), (0,)), ((), ())),
                           preferred_element_type=jnp.float32)
    z = (jnp.dot(p, w1a[...], preferred_element_type=jnp.float32)
         + jnp.dot(aggr, w1b[...], preferred_element_type=jnp.float32)
         + b1[...])
    mu = jnp.mean(z, axis=0, keepdims=True)
    var = jnp.mean((z - mu) * (z - mu), axis=0, keepdims=True)
    z = (z - mu) * lax.rsqrt(var + 1e-5) * g[...] + be[...]
    z = jnp.maximum(z, 0.0)
    out[...] = jnp.dot(z, w2[...], preferred_element_type=jnp.float32) + b2[...]


def kernel(x, edge_index, edge_attr, self_loop_index, self_loop_type,
           encW0, encb0, W10, b10, g0, be0, W20, b20,
           encW1, encb1, W11, b11, g1, be1, W21, b21):
    dst = edge_index[0]
    src = edge_index[1]
    pad = _E_PAD - _E
    padr = jnp.arange(pad, dtype=jnp.int32)
    src3 = jnp.concatenate(
        [src, padr % _N]).reshape(_NW * 2, _NCH2, _CHUNK)
    dst_p = jnp.concatenate([dst, _N + padr % (_N_ACC - _N)])
    dst3 = dst_p.reshape(_NW * 2, _NCH2, _CHUNK)
    attrt = jnp.pad(
        jnp.concatenate([edge_attr, jnp.ones((_E, 1), jnp.float32)], axis=1),
        ((0, pad), (0, 0))).reshape(_NW, _EPW, _AC).transpose(0, 2, 1) \
        .reshape(_NW * _AC * 2, _NCHH, _CHUNK)
    zacc = jnp.zeros((_AR, 128), jnp.float32)

    ar5 = jnp.arange(_AC)
    sl5 = (jnp.where(ar5 == self_loop_index,
                     jnp.asarray(self_loop_type, jnp.float32), 0.0)
           + jnp.where(ar5 == _AC - 1, 1.0, 0.0)).reshape(_AC, 1)
    encw5_0 = jnp.concatenate([encW0, encb0[None, :]], axis=0)
    encw5_1 = jnp.concatenate([encW1, encb1[None, :]], axis=0)

    px = _get_spmm()(x, src3, dst3)
    ps = _get_attr()(dst3, attrt, zacc).reshape(_NW, _AC, _N_ACC)

    h1 = pl.pallas_call(
        _mlp0_body,
        out_shape=jax.ShapeDtypeStruct((_N, _D), jnp.float32),
    )(px, ps, x, sl5, encw5_0, W10, b10[None], g0[None], be0[None],
      W20, b20[None])

    ph = _get_spmm()(h1, src3, dst3)

    out = pl.pallas_call(
        _mlp1_body,
        out_shape=jax.ShapeDtypeStruct((_N, _D), jnp.float32),
    )(ph, ps, h1, sl5, encw5_1, W11[: _D], W11[_D:], b11[None], g1[None],
      be1[None], W21, b21[None])
    return out

# --- scband reference (transcript-rebuilt; emitter-appended) ---
"""Pipeline reference for scband-context-predict-trainer-69707319214469 (READ-ONLY COPY).

The authoritative reference and input builder live on the scoring server;
editing this copy changes nothing except your own understanding.
"""

import jax, jax.numpy as jnp
import numpy as np

N = 10000
E = 320000
D = 128
DE = 4


def _gin_layer(x, edge_index, edge_attr, sli, slt, encW, encb, W1, b1, g, be, W2, b2, concat_feat):
    n = x.shape[0]
    loops = jnp.stack([jnp.arange(n, dtype=edge_index.dtype), jnp.arange(n, dtype=edge_index.dtype)], axis=0)
    ei = jnp.concatenate([edge_index, loops], axis=1)
    sl_attr = jnp.zeros((n, edge_attr.shape[1]), dtype=edge_attr.dtype).at[:, sli].set(jnp.asarray(slt, edge_attr.dtype))
    ea = jnp.concatenate([edge_attr, sl_attr], axis=0)
    edge_emb = ea @ encW + encb
    src = jnp.take(x, ei[1], axis=0)
    if concat_feat:
        h = jnp.concatenate([src, edge_emb], axis=1)
    else:
        h = src + edge_emb
    agg = jax.ops.segment_sum(h, ei[0], num_segments=n)
    z = agg @ W1 + b1
    mu = jnp.mean(z, axis=0)
    var = jnp.var(z, axis=0)
    z = (z - mu) / jnp.sqrt(var + 1e-5) * g + be
    z = jax.nn.relu(z)
    return z @ W2 + b2


def setup_inputs(seed: int = 0):
    key = jax.random.key(seed)
    ks = jax.random.split(key, 24)
    inp = {}
    inp['x'] = jax.random.normal(ks[0], (N, D), dtype=jnp.float32)
    inp['edge_index'] = jax.random.randint(ks[1], (2, E), 0, N, dtype=jnp.int32)
    inp['edge_attr'] = jax.random.normal(ks[2], (E, DE), dtype=jnp.float32)
    inp['self_loop_index'] = 3
    inp['self_loop_type'] = 1
    # layer 0 params (feature_concat=False, in_feat=D)
    inp['encW0'] = jax.random.normal(ks[3], (DE, D), dtype=jnp.float32) * 0.05
    inp['encb0'] = jnp.zeros((D,), dtype=jnp.float32)
    inp['W10'] = jax.random.normal(ks[4], (D, 2 * D), dtype=jnp.float32) * 0.05
    inp['b10'] = jnp.zeros((2 * D,), dtype=jnp.float32)
    inp['g0'] = jnp.ones((2 * D,), dtype=jnp.float32)
    inp['be0'] = jnp.zeros((2 * D,), dtype=jnp.float32)
    inp['W20'] = jax.random.normal(ks[5], (2 * D, D), dtype=jnp.float32) * 0.05
    inp['b20'] = jnp.zeros((D,), dtype=jnp.float32)
    # layer 1 params (feature_concat=True, in_feat=2*D)
    inp['encW1'] = jax.random.normal(ks[6], (DE, D), dtype=jnp.float32) * 0.05
    inp['encb1'] = jnp.zeros((D,), dtype=jnp.float32)
    inp['W11'] = jax.random.normal(ks[7], (2 * D, 2 * D), dtype=jnp.float32) * 0.05
    inp['b11'] = jnp.zeros((2 * D,), dtype=jnp.float32)
    inp['g1'] = jnp.ones((2 * D,), dtype=jnp.float32)
    inp['be1'] = jnp.zeros((2 * D,), dtype=jnp.float32)
    inp['W21'] = jax.random.normal(ks[8], (2 * D, D), dtype=jnp.float32) * 0.05
    inp['b21'] = jnp.zeros((D,), dtype=jnp.float32)
    return inp


def reference(x, edge_index, edge_attr, self_loop_index, self_loop_type, encW0, encb0, W10, b10, g0, be0, W20, b20, encW1, encb1, W11, b11, g1, be1, W21, b21):
    # GNN with num_layers=2, JK='last', dropout=0.0 (no-op)
    h0 = x
    h1 = _gin_layer(h0, edge_index, edge_attr, self_loop_index, self_loop_type, encW0, encb0, W10, b10, g0, be0, W20, b20, concat_feat=False)
    h1 = jax.nn.relu(h1)
    h2 = _gin_layer(h1, edge_index, edge_attr, self_loop_index, self_loop_type, encW1, encb1, W11, b11, g1, be1, W21, b21, concat_feat=True)
    return h2

if __name__ == "__main__":
    import jax
    _d = setup_inputs()
    print(jax.jit(kernel)(*tuple(_d.values())))

</pallas_src>

<mosaic_0001>
#map = affine_map<(d0, d1) -> (0, 0, 0)>
#map1 = affine_map<(d0, d1) -> (0, 0)>
module attributes {stable_mosaic.version = 14 : i64} {
  func.func @_attr_body(%arg0: i32, %arg1: i32, %arg2: memref<64x40x128xi32, #tpu.memory_space<hbm>>, %arg3: memref<320x40x128xf32, #tpu.memory_space<hbm>>, %arg4: memref<79x128xf32, #tpu.memory_space<hbm>>, %arg5: memref<160x79x128xf32, #tpu.memory_space<hbm>>, %arg6: memref<40x128xi32, #tpu.memory_space<vmem>>, %arg7: memref<40x128xf32, #tpu.memory_space<vmem>>, %arg8: memref<40x128xf32, #tpu.memory_space<vmem>>, %arg9: memref<40x128xf32, #tpu.memory_space<vmem>>, %arg10: memref<40x128xf32, #tpu.memory_space<vmem>>, %arg11: memref<40x128xf32, #tpu.memory_space<vmem>>, %arg12: memref<79x128xf32, #tpu.memory_space<vmem>>, %arg13: memref<79x128xf32, #tpu.memory_space<vmem>>, %arg14: memref<79x128xf32, #tpu.memory_space<vmem>>, %arg15: memref<79x128xf32, #tpu.memory_space<vmem>>, %arg16: memref<79x128xf32, #tpu.memory_space<vmem>>) attributes {dimension_semantics = [#tpu.dimension_semantics<core_parallel>, #tpu.dimension_semantics<subcore_parallel>], iteration_bounds = array<i64: 2, 16>, scalar_prefetch = 0 : i64, scratch_operands = 11 : i64, tpu.core_type = #tpu.core_type<sc_vector_subcore>, window_params = [{transform_indices = #map}, {transform_indices = #map}, {transform_indices = #map1}, {transform_indices = #map}]} {
    %mul3A = arith.constant 16 : i32
    %mul3A_0 = arith.muli %arg0, %mul3A : i32
    %add3A = arith.addi %mul3A_0, %arg1 : i32
    "tpu.region"() ({
      %run_scoped3A = tpu.sem_alloc : memref<!tpu.dma_semaphore, #tpu.memory_space<semaphore_mem>>
      tpu.enqueue_dma source(%arg4 : memref<79x128xf32, #tpu.memory_space<hbm>>) target(%arg12 : memref<79x128xf32, #tpu.memory_space<vmem>>) target_semaphore(%run_scoped3A : memref<!tpu.dma_semaphore, #tpu.memory_space<semaphore_mem>>)
      tpu.wait_dma2 semaphore(%run_scoped3A : memref<!tpu.dma_semaphore, #tpu.memory_space<semaphore_mem>>) src(%arg4 : memref<79x128xf32, #tpu.memory_space<hbm>>) dst(%arg12 : memref<79x128xf32, #tpu.memory_space<vmem>>)
      tpu.yield
    }) : () -> ()
    "tpu.region"() ({
      %run_scoped3A = tpu.sem_alloc : memref<!tpu.dma_semaphore, #tpu.memory_space<semaphore_mem>>
      tpu.enqueue_dma source(%arg4 : memref<79x128xf32, #tpu.memory_space<hbm>>) target(%arg13 : memref<79x128xf32, #tpu.memory_space<vmem>>) target_semaphore(%run_scoped3A : memref<!tpu.dma_semaphore, #tpu.memory_space<semaphore_mem>>)
      tpu.wait_dma2 semaphore(%run_scoped3A : memref<!tpu.dma_semaphore, #tpu.memory_space<semaphore_mem>>) src(%arg4 : memref<79x128xf32, #tpu.memory_space<hbm>>) dst(%arg13 : memref<79x128xf32, #tpu.memory_space<vmem>>)
      tpu.yield
    }) : () -> ()
    "tpu.region"() ({
      %run_scoped3A = tpu.sem_alloc : memref<!tpu.dma_semaphore, #tpu.memory_space<semaphore_mem>>
      tpu.enqueue_dma source(%arg4 : memref<79x128xf32, #tpu.memory_space<hbm>>) target(%arg14 : memref<79x128xf32, #tpu.memory_space<vmem>>) target_semaphore(%run_scoped3A : memref<!tpu.dma_semaphore, #tpu.memory_space<semaphore_mem>>)
      tpu.wait_dma2 semaphore(%run_scoped3A : memref<!tpu.dma_semaphore, #tpu.memory_space<semaphore_mem>>) src(%arg4 : memref<79x128xf32, #tpu.memory_space<hbm>>) dst(%arg14 : memref<79x128xf32, #tpu.memory_space<vmem>>)
      tpu.yield
    }) : () -> ()
    "tpu.region"() ({
      %run_scoped3A = tpu.sem_alloc : memref<!tpu.dma_semaphore, #tpu.memory_space<semaphore_mem>>
      tpu.enqueue_dma source(%arg4 : memref<79x128xf32, #tpu.memory_space<hbm>>) target(%arg15 : memref<79x128xf32, #tpu.memory_space<vmem>>) target_semaphore(%run_scoped3A : memref<!tpu.dma_semaphore, #tpu.memory_space<semaphore_mem>>)
      tpu.wait_dma2 semaphore(%run_scoped3A : memref<!tpu.dma_semaphore, #tpu.memory_space<semaphore_mem>>) src(%arg4 : memref<79x128xf32, #tpu.memory_space<hbm>>) dst(%arg15 : memref<79x128xf32, #tpu.memory_space<vmem>>)
      tpu.yield
    }) : () -> ()
    "tpu.region"() ({
      %run_scoped3A = tpu.sem_alloc : memref<!tpu.dma_semaphore, #tpu.memory_space<semaphore_mem>>
      tpu.enqueue_dma source(%arg4 : memref<79x128xf32, #tpu.memory_space<hbm>>) target(%arg16 : memref<79x128xf32, #tpu.memory_space<vmem>>) target_semaphore(%run_scoped3A : memref<!tpu.dma_semaphore, #tpu.memory_space<semaphore_mem>>)
      tpu.wait_dma2 semaphore(%run_scoped3A : memref<!tpu.dma_semaphore, #tpu.memory_space<semaphore_mem>>) src(%arg4 : memref<79x128xf32, #tpu.memory_space<hbm>>) dst(%arg16 : memref<79x128xf32, #tpu.memory_space<vmem>>)
      tpu.yield
    }) : () -> ()
    %mul3A_1 = arith.constant 2 : i32
    %mul3A_2 = arith.muli %add3A, %mul3A_1 : i32
    %add3A_3 = arith.constant 0 : i32
    %add3A_4 = arith.addi %mul3A_2, %add3A_3 : i32
    "tpu.region"() ({
      %run_scoped3A = tpu.sem_alloc : memref<!tpu.dma_semaphore, #tpu.memory_space<semaphore_mem>>
      %dma_start3A = arith.constant 0 : i32
      %dma_start3A_120 = arith.constant 0 : i32
      %dma_start3A_121 = tpu.memref_slice %arg2[%add3A_4, %dma_start3A, %dma_start3A_120] : memref<64x40x128xi32, #tpu.memory_space<hbm>> -> memref<1x40x128xi32, #tpu.memory_space<hbm>>
      %dma_start3A_122 = tpu.memref_squeeze %dma_start3A_121 : memref<1x40x128xi32, #tpu.memory_space<hbm>> -> memref<40x128xi32, #tpu.memory_space<hbm>>
      %dma_start3A_123 = arith.constant 0 : i32
      %dma_start3A_124 = arith.constant 0 : i32
      %dma_start3A_125 = tpu.memref_slice %arg2[%add3A_4, %dma_start3A_123, %dma_start3A_124] : memref<64x40x128xi32, #tpu.memory_space<hbm>> -> memref<1x40x128xi32, #tpu.memory_space<hbm>>
      %dma_start3A_126 = tpu.memref_squeeze %dma_start3A_125 : memref<1x40x128xi32, #tpu.memory_space<hbm>> -> memref<40x128xi32, #tpu.memory_space<hbm>>
      tpu.enqueue_dma source(%dma_start3A_126 : memref<40x128xi32, #tpu.memory_space<hbm>>) target(%arg6 : memref<40x128xi32, #tpu.memory_space<vmem>>) target_semaphore(%run_scoped3A : memref<!tpu.dma_semaphore, #tpu.memory_space<semaphore_mem>>)
      %dma_wait3A = arith.constant 0 : i32
      %dma_wait3A_127 = arith.constant 0 : i32
      %dma_wait3A_128 = tpu.memref_slice %arg2[%add3A_4, %dma_wait3A, %dma_wait3A_127] : memref<64x40x128xi32, #tpu.memory_space<hbm>> -> memref<1x40x128xi32, #tpu.memory_space<hbm>>
      %dma_wait3A_129 = tpu.memref_squeeze %dma_wait3A_128 : memref<1x40x128xi32, #tpu.memory_space<hbm>> -> memref<40x128xi32, #tpu.memory_space<hbm>>
      %dma_wait3A_130 = arith.constant 0 : i32
      %dma_wait3A_131 = arith.constant 0 : i32
      %dma_wait3A_132 = tpu.memref_slice %arg2[%add3A_4, %dma_wait3A_130, %dma_wait3A_131] : memref<64x40x128xi32, #tpu.memory_space<hbm>> -> memref<1x40x128xi32, #tpu.memory_space<hbm>>
      %dma_wait3A_133 = tpu.memref_squeeze %dma_wait3A_132 : memref<1x40x128xi32, #tpu.memory_space<hbm>> -> memref<40x128xi32, #tpu.memory_space<hbm>>
      tpu.wait_dma2 semaphore(%run_scoped3A : memref<!tpu.dma_semaphore, #tpu.memory_space<semaphore_mem>>) src(%dma_wait3A_133 : memref<40x128xi32, #tpu.memory_space<hbm>>) dst(%arg6 : memref<40x128xi32, #tpu.memory_space<vmem>>)
      tpu.yield
    }) : () -> ()
    %mul3A_5 = arith.constant 5 : i32
    %mul3A_6 = arith.muli %add3A, %mul3A_5 : i32
    %add3A_7 = arith.constant 0 : i32
    %add3A_8 = arith.addi %mul3A_6, %add3A_7 : i32
    %mul3A_9 = arith.constant 2 : i32
    %mul3A_10 = arith.muli %add3A_8, %mul3A_9 : i32
    %add3A_11 = arith.constant 0 : i32
    %add3A_12 = arith.addi %mul3A_10, %add3A_11 : i32
    "tpu.region"() ({
      %run_scoped3A = tpu.sem_alloc : memref<!tpu.dma_semaphore, #tpu.memory_space<semaphore_mem>>
      %dma_start3A = arith.constant 0 : i32
      %dma_start3A_120 = arith.constant 0 : i32
      %dma_start3A_121 = tpu.memref_slice %arg3[%add3A_12, %dma_start3A, %dma_start3A_120] : memref<320x40x128xf32, #tpu.memory_space<hbm>> -> memref<1x40x128xf32, #tpu.memory_space<hbm>>
      %dma_start3A_122 = tpu.memref_squeeze %dma_start3A_121 : memref<1x40x128xf32, #tpu.memory_space<hbm>> -> memref<40x128xf32, #tpu.memory_space<hbm>>
      %dma_start3A_123 = arith.constant 0 : i32
      %dma_start3A_124 = arith.constant 0 : i32
      %dma_start3A_125 = tpu.memref_slice %arg3[%add3A_12, %dma_start3A_123, %dma_start3A_124] : memref<320x40x128xf32, #tpu.memory_space<hbm>> -> memref<1x40x128xf32, #tpu.memory_space<hbm>>
      %dma_start3A_126 = tpu.memref_squeeze %dma_start3A_125 : memref<1x40x128xf32, #tpu.memory_space<hbm>> -> memref<40x128xf32, #tpu.memory_space<hbm>>
      tpu.enqueue_dma source(%dma_start3A_126 : memref<40x128xf32, #tpu.memory_space<hbm>>) target(%arg7 : memref<40x128xf32, #tpu.memory_space<vmem>>) target_semaphore(%run_scoped3A : memref<!tpu.dma_semaphore, #tpu.memory_space<semaphore_mem>>)
      %dma_wait3A = arith.constant 0 : i32
      %dma_wait3A_127 = arith.constant 0 : i32
      %dma_wait3A_128 = tpu.memref_slice %arg3[%add3A_12, %dma_wait3A, %dma_wait3A_127] : memref<320x40x128xf32, #tpu.memory_space<hbm>> -> memref<1x40x128xf32, #tpu.memory_space<hbm>>
      %dma_wait3A_129 = tpu.memref_squeeze %dma_wait3A_128 : memref<1x40x128xf32, #tpu.memory_space<hbm>> -> memref<40x128xf32, #tpu.memory_space<hbm>>
      %dma_wait3A_130 = arith.constant 0 : i32
      %dma_wait3A_131 = arith.constant 0 : i32
      %dma_wait3A_132 = tpu.memref_slice %arg3[%add3A_12, %dma_wait3A_130, %dma_wait3A_131] : memref<320x40x128xf32, #tpu.memory_space<hbm>> -> memref<1x40x128xf32, #tpu.memory_space<hbm>>
      %dma_wait3A_133 = tpu.memref_squeeze %dma_wait3A_132 : memref<1x40x128xf32, #tpu.memory_space<hbm>> -> memref<40x128xf32, #tpu.memory_space<hbm>>
      tpu.wait_dma2 semaphore(%run_scoped3A : memref<!tpu.dma_semaphore, #tpu.memory_space<semaphore_mem>>) src(%dma_wait3A_133 : memref<40x128xf32, #tpu.memory_space<hbm>>) dst(%arg7 : memref<40x128xf32, #tpu.memory_space<vmem>>)
      tpu.yield
    }) : () -> ()
    %mul3A_13 = arith.constant 5 : i32
    %mul3A_14 = arith.muli %add3A, %mul3A_13 : i32
    %add3A_15 = arith.constant 1 : i32
    %add3A_16 = arith.addi %mul3A_14, %add3A_15 : i32
    %mul3A_17 = arith.constant 2 : i32
    %mul3A_18 = arith.muli %add3A_16, %mul3A_17 : i32
    %add3A_19 = arith.constant 0 : i32
    %add3A_20 = arith.addi %mul3A_18, %add3A_19 : i32
    "tpu.region"() ({
      %run_scoped3A = tpu.sem_alloc : memref<!tpu.dma_semaphore, #tpu.memory_space<semaphore_mem>>
      %dma_start3A = arith.constant 0 : i32
      %dma_start3A_120 = arith.constant 0 : i32
      %dma_start3A_121 = tpu.memref_slice %arg3[%add3A_20, %dma_start3A, %dma_start3A_120] : memref<320x40x128xf32, #tpu.memory_space<hbm>> -> memref<1x40x128xf32, #tpu.memory_space<hbm>>
      %dma_start3A_122 = tpu.memref_squeeze %dma_start3A_121 : memref<1x40x128xf32, #tpu.memory_space<hbm>> -> memref<40x128xf32, #tpu.memory_space<hbm>>
      %dma_start3A_123 = arith.constant 0 : i32
      %dma_start3A_124 = arith.constant 0 : i32
      %dma_start3A_125 = tpu.memref_slice %arg3[%add3A_20, %dma_start3A_123, %dma_start3A_124] : memref<320x40x128xf32, #tpu.memory_space<hbm>> -> memref<1x40x128xf32, #tpu.memory_space<hbm>>
      %dma_start3A_126 = tpu.memref_squeeze %dma_start3A_125 : memref<1x40x128xf32, #tpu.memory_space<hbm>> -> memref<40x128xf32, #tpu.memory_space<hbm>>
      tpu.enqueue_dma source(%dma_start3A_126 : memref<40x128xf32, #tpu.memory_space<hbm>>) target(%arg8 : memref<40x128xf32, #tpu.memory_space<vmem>>) target_semaphore(%run_scoped3A : memref<!tpu.dma_semaphore, #tpu.memory_space<semaphore_mem>>)
      %dma_wait3A = arith.constant 0 : i32
      %dma_wait3A_127 = arith.constant 0 : i32
      %dma_wait3A_128 = tpu.memref_slice %arg3[%add3A_20, %dma_wait3A, %dma_wait3A_127] : memref<320x40x128xf32, #tpu.memory_space<hbm>> -> memref<1x40x128xf32, #tpu.memory_space<hbm>>
      %dma_wait3A_129 = tpu.memref_squeeze %dma_wait3A_128 : memref<1x40x128xf32, #tpu.memory_space<hbm>> -> memref<40x128xf32, #tpu.memory_space<hbm>>
      %dma_wait3A_130 = arith.constant 0 : i32
      %dma_wait3A_131 = arith.constant 0 : i32
      %dma_wait3A_132 = tpu.memref_slice %arg3[%add3A_20, %dma_wait3A_130, %dma_wait3A_131] : memref<320x40x128xf32, #tpu.memory_space<hbm>> -> memref<1x40x128xf32, #tpu.memory_space<hbm>>
      %dma_wait3A_133 = tpu.memref_squeeze %dma_wait3A_132 : memref<1x40x128xf32, #tpu.memory_space<hbm>> -> memref<40x128xf32, #tpu.memory_space<hbm>>
      tpu.wait_dma2 semaphore(%run_scoped3A : memref<!tpu.dma_semaphore, #tpu.memory_space<semaphore_mem>>) src(%dma_wait3A_133 : memref<40x128xf32, #tpu.memory_space<hbm>>) dst(%arg8 : memref<40x128xf32, #tpu.memory_space<vmem>>)
      tpu.yield
    }) : () -> ()
    %mul3A_21 = arith.constant 5 : i32
    %mul3A_22 = arith.muli %add3A, %mul3A_21 : i32
    %add3A_23 = arith.constant 2 : i32
    %add3A_24 = arith.addi %mul3A_22, %add3A_23 : i32
    %mul3A_25 = arith.constant 2 : i32
    %mul3A_26 = arith.muli %add3A_24, %mul3A_25 : i32
    %add3A_27 = arith.constant 0 : i32
    %add3A_28 = arith.addi %mul3A_26, %add3A_27 : i32
    "tpu.region"() ({
      %run_scoped3A = tpu.sem_alloc : memref<!tpu.dma_semaphore, #tpu.memory_space<semaphore_mem>>
      %dma_start3A = arith.constant 0 : i32
      %dma_start3A_120 = arith.constant 0 : i32
      %dma_start3A_121 = tpu.memref_slice %arg3[%add3A_28, %dma_start3A, %dma_start3A_120] : memref<320x40x128xf32, #tpu.memory_space<hbm>> -> memref<1x40x128xf32, #tpu.memory_space<hbm>>
      %dma_start3A_122 = tpu.memref_squeeze %dma_start3A_121 : memref<1x40x128xf32, #tpu.memory_space<hbm>> -> memref<40x128xf32, #tpu.memory_space<hbm>>
      %dma_start3A_123 = arith.constant 0 : i32
      %dma_start3A_124 = arith.constant 0 : i32
      %dma_start3A_125 = tpu.memref_slice %arg3[%add3A_28, %dma_start3A_123, %dma_start3A_124] : memref<320x40x128xf32, #tpu.memory_space<hbm>> -> memref<1x40x128xf32, #tpu.memory_space<hbm>>
      %dma_start3A_126 = tpu.memref_squeeze %dma_start3A_125 : memref<1x40x128xf32, #tpu.memory_space<hbm>> -> memref<40x128xf32, #tpu.memory_space<hbm>>
      tpu.enqueue_dma source(%dma_start3A_126 : memref<40x128xf32, #tpu.memory_space<hbm>>) target(%arg9 : memref<40x128xf32, #tpu.memory_space<vmem>>) target_semaphore(%run_scoped3A : memref<!tpu.dma_semaphore, #tpu.memory_space<semaphore_mem>>)
      %dma_wait3A = arith.constant 0 : i32
      %dma_wait3A_127 = arith.constant 0 : i32
      %dma_wait3A_128 = tpu.memref_slice %arg3[%add3A_28, %dma_wait3A, %dma_wait3A_127] : memref<320x40x128xf32, #tpu.memory_space<hbm>> -> memref<1x40x128xf32, #tpu.memory_space<hbm>>
      %dma_wait3A_129 = tpu.memref_squeeze %dma_wait3A_128 : memref<1x40x128xf32, #tpu.memory_space<hbm>> -> memref<40x128xf32, #tpu.memory_space<hbm>>
      %dma_wait3A_130 = arith.constant 0 : i32
      %dma_wait3A_131 = arith.constant 0 : i32
      %dma_wait3A_132 = tpu.memref_slice %arg3[%add3A_28, %dma_wait3A_130, %dma_wait3A_131] : memref<320x40x128xf32, #tpu.memory_space<hbm>> -> memref<1x40x128xf32, #tpu.memory_space<hbm>>
      %dma_wait3A_133 = tpu.memref_squeeze %dma_wait3A_132 : memref<1x40x128xf32, #tpu.memory_space<hbm>> -> memref<40x128xf32, #tpu.memory_space<hbm>>
      tpu.wait_dma2 semaphore(%run_scoped3A : memref<!tpu.dma_semaphore, #tpu.memory_space<semaphore_mem>>) src(%dma_wait3A_133 : memref<40x128xf32, #tpu.memory_space<hbm>>) dst(%arg9 : memref<40x128xf32, #tpu.memory_space<vmem>>)
      tpu.yield
    }) : () -> ()
    %mul3A_29 = arith.constant 5 : i32
    %mul3A_30 = arith.muli %add3A, %mul3A_29 : i32
    %add3A_31 = arith.constant 3 : i32
    %add3A_32 = arith.addi %mul3A_30, %add3A_31 : i32
    %mul3A_33 = arith.constant 2 : i32
    %mul3A_34 = arith.muli %add3A_32, %mul3A_33 : i32
    %add3A_35 = arith.constant 0 : i32
    %add3A_36 = arith.addi %mul3A_34, %add3A_35 : i32
    "tpu.region"() ({
      %run_scoped3A = tpu.sem_alloc : memref<!tpu.dma_semaphore, #tpu.memory_space<semaphore_mem>>
      %dma_start3A = arith.constant 0 : i32
      %dma_start3A_120 = arith.constant 0 : i32
      %dma_start3A_121 = tpu.memref_slice %arg3[%add3A_36, %dma_start3A, %dma_start3A_120] : memref<320x40x128xf32, #tpu.memory_space<hbm>> -> memref<1x40x128xf32, #tpu.memory_space<hbm>>
      %dma_start3A_122 = tpu.memref_squeeze %dma_start3A_121 : memref<1x40x128xf32, #tpu.memory_space<hbm>> -> memref<40x128xf32, #tpu.memory_space<hbm>>
      %dma_start3A_123 = arith.constant 0 : i32
      %dma_start3A_124 = arith.constant 0 : i32
      %dma_start3A_125 = tpu.memref_slice %arg3[%add3A_36, %dma_start3A_123, %dma_start3A_124] : memref<320x40x128xf32, #tpu.memory_space<hbm>> -> memref<1x40x128xf32, #tpu.memory_space<hbm>>
      %dma_start3A_126 = tpu.memref_squeeze %dma_start3A_125 : memref<1x40x128xf32, #tpu.memory_space<hbm>> -> memref<40x128xf32, #tpu.memory_space<hbm>>
      tpu.enqueue_dma source(%dma_start3A_126 : memref<40x128xf32, #tpu.memory_space<hbm>>) target(%arg10 : memref<40x128xf32, #tpu.memory_space<vmem>>) target_semaphore(%run_scoped3A : memref<!tpu.dma_semaphore, #tpu.memory_space<semaphore_mem>>)
      %dma_wait3A = arith.constant 0 : i32
      %dma_wait3A_127 = arith.constant 0 : i32
      %dma_wait3A_128 = tpu.memref_slice %arg3[%add3A_36, %dma_wait3A, %dma_wait3A_127] : memref<320x40x128xf32, #tpu.memory_space<hbm>> -> memref<1x40x128xf32, #tpu.memory_space<hbm>>
      %dma_wait3A_129 = tpu.memref_squeeze %dma_wait3A_128 : memref<1x40x128xf32, #tpu.memory_space<hbm>> -> memref<40x128xf32, #tpu.memory_space<hbm>>
      %dma_wait3A_130 = arith.constant 0 : i32
      %dma_wait3A_131 = arith.constant 0 : i32
      %dma_wait3A_132 = tpu.memref_slice %arg3[%add3A_36, %dma_wait3A_130, %dma_wait3A_131] : memref<320x40x128xf32, #tpu.memory_space<hbm>> -> memref<1x40x128xf32, #tpu.memory_space<hbm>>
      %dma_wait3A_133 = tpu.memref_squeeze %dma_wait3A_132 : memref<1x40x128xf32, #tpu.memory_space<hbm>> -> memref<40x128xf32, #tpu.memory_space<hbm>>
      tpu.wait_dma2 semaphore(%run_scoped3A : memref<!tpu.dma_semaphore, #tpu.memory_space<semaphore_mem>>) src(%dma_wait3A_133 : memref<40x128xf32, #tpu.memory_space<hbm>>) dst(%arg10 : memref<40x128xf32, #tpu.memory_space<vmem>>)
      tpu.yield
    }) : () -> ()
    %mul3A_37 = arith.constant 5 : i32
    %mul3A_38 = arith.muli %add3A, %mul3A_37 : i32
    %add3A_39 = arith.constant 4 : i32
    %add3A_40 = arith.addi %mul3A_38, %add3A_39 : i32
    %mul3A_41 = arith.constant 2 : i32
    %mul3A_42 = arith.muli %add3A_40, %mul3A_41 : i32
    %add3A_43 = arith.constant 0 : i32
    %add3A_44 = arith.addi %mul3A_42, %add3A_43 : i32
    "tpu.region"() ({
      %run_scoped3A = tpu.sem_alloc : memref<!tpu.dma_semaphore, #tpu.memory_space<semaphore_mem>>
      %dma_start3A = arith.constant 0 : i32
      %dma_start3A_120 = arith.constant 0 : i32
      %dma_start3A_121 = tpu.memref_slice %arg3[%add3A_44, %dma_start3A, %dma_start3A_120] : memref<320x40x128xf32, #tpu.memory_space<hbm>> -> memref<1x40x128xf32, #tpu.memory_space<hbm>>
      %dma_start3A_122 = tpu.memref_squeeze %dma_start3A_121 : memref<1x40x128xf32, #tpu.memory_space<hbm>> -> memref<40x128xf32, #tpu.memory_space<hbm>>
      %dma_start3A_123 = arith.constant 0 : i32
      %dma_start3A_124 = arith.constant 0 : i32
      %dma_start3A_125 = tpu.memref_slice %arg3[%add3A_44, %dma_start3A_123, %dma_start3A_124] : memref<320x40x128xf32, #tpu.memory_space<hbm>> -> memref<1x40x128xf32, #tpu.memory_space<hbm>>
      %dma_start3A_126 = tpu.memref_squeeze %dma_start3A_125 : memref<1x40x128xf32, #tpu.memory_space<hbm>> -> memref<40x128xf32, #tpu.memory_space<hbm>>
      tpu.enqueue_dma source(%dma_start3A_126 : memref<40x128xf32, #tpu.memory_space<hbm>>) target(%arg11 : memref<40x128xf32, #tpu.memory_space<vmem>>) target_semaphore(%run_scoped3A : memref<!tpu.dma_semaphore, #tpu.memory_space<semaphore_mem>>)
      %dma_wait3A = arith.constant 0 : i32
      %dma_wait3A_127 = arith.constant 0 : i32
      %dma_wait3A_128 = tpu.memref_slice %arg3[%add3A_44, %dma_wait3A, %dma_wait3A_127] : memref<320x40x128xf32, #tpu.memory_space<hbm>> -> memref<1x40x128xf32, #tpu.memory_space<hbm>>
      %dma_wait3A_129 = tpu.memref_squeeze %dma_wait3A_128 : memref<1x40x128xf32, #tpu.memory_space<hbm>> -> memref<40x128xf32, #tpu.memory_space<hbm>>
      %dma_wait3A_130 = arith.constant 0 : i32
      %dma_wait3A_131 = arith.constant 0 : i32
      %dma_wait3A_132 = tpu.memref_slice %arg3[%add3A_44, %dma_wait3A_130, %dma_wait3A_131] : memref<320x40x128xf32, #tpu.memory_space<hbm>> -> memref<1x40x128xf32, #tpu.memory_space<hbm>>
      %dma_wait3A_133 = tpu.memref_squeeze %dma_wait3A_132 : memref<1x40x128xf32, #tpu.memory_space<hbm>> -> memref<40x128xf32, #tpu.memory_space<hbm>>
      tpu.wait_dma2 semaphore(%run_scoped3A : memref<!tpu.dma_semaphore, #tpu.memory_space<semaphore_mem>>) src(%dma_wait3A_133 : memref<40x128xf32, #tpu.memory_space<hbm>>) dst(%arg11 : memref<40x128xf32, #tpu.memory_space<vmem>>)
      tpu.yield
    }) : () -> ()
    %scan3A = arith.constant 0 : i32
    %scan3A_45 = arith.constant 0 : i32
    %scan3A_46 = arith.constant 40 : i32
    %scan3A_47 = arith.addi %scan3A_45, %scan3A_46 : i32
    %scan3A_48 = arith.constant 1 : i32
    scf.for %scan3A_120 = %scan3A_45 to %scan3A_47 step %scan3A_48  : i32 {
      %get3A = arith.index_cast %scan3A_120 : i32 to index
      %get3A_121 = arith.constant 0 : index
      %get3A_122 = tpu.vector_load %arg6[%get3A, %get3A_121] {strides = array<i32>} : memref<40x128xi32, #tpu.memory_space<vmem>>, vector<16xi32>,
      %shift_right_logical3A = arith.constant 7 : i32
      %shift_right_logical3A_123 = vector.broadcast %shift_right_logical3A : i32 to vector<16xi32>
      %shift_right_logical3A_124 = arith.shrui %get3A_122, %shift_right_logical3A_123 : vector<16xi32>
      %and3A = arith.constant 127 : i32
      %and3A_125 = vector.broadcast %and3A : i32 to vector<16xi32>
      %and3A_126 = arith.andi %get3A_122, %and3A_125 : vector<16xi32>
      %get3A_127 = arith.index_cast %scan3A_120 : i32 to index
      %get3A_128 = arith.constant 0 : index
      %get3A_129 = tpu.vector_load %arg7[%get3A_127, %get3A_128] {strides = array<i32>} : memref<40x128xf32, #tpu.memory_space<vmem>>, vector<16xf32>,
      tpu.vector_store_idx %arg12[%shift_right_logical3A_124, %and3A_126], %get3A_129 {add = true} : memref<79x128xf32, #tpu.memory_space<vmem>>[vector<16xi32>, vector<16xi32>], vector<16xf32>,
      %get3A_130 = arith.index_cast %scan3A_120 : i32 to index
      %get3A_131 = arith.constant 0 : index
      %get3A_132 = tpu.vector_load %arg8[%get3A_130, %get3A_131] {strides = array<i32>} : memref<40x128xf32, #tpu.memory_space<vmem>>, vector<16xf32>,
      tpu.vector_store_idx %arg13[%shift_right_logical3A_124, %and3A_126], %get3A_132 {add = true} : memref<79x128xf32, #tpu.memory_space<vmem>>[vector<16xi32>, vector<16xi32>], vector<16xf32>,
      %get3A_133 = arith.index_cast %scan3A_120 : i32 to index
      %get3A_134 = arith.constant 0 : index
      %get3A_135 = tpu.vector_load %arg9[%get3A_133, %get3A_134] {strides = array<i32>} : memref<40x128xf32, #tpu.memory_space<vmem>>, vector<16xf32>,
      tpu.vector_store_idx %arg14[%shift_right_logical3A_124, %and3A_126], %get3A_135 {add = true} : memref<79x128xf32, #tpu.memory_space<vmem>>[vector<16xi32>, vector<16xi32>], vector<16xf32>,
      %get3A_136 = arith.index_cast %scan3A_120 : i32 to index
      %get3A_137 = arith.constant 0 : index
      %get3A_138 = tpu.vector_load %arg10[%get3A_136, %get3A_137] {strides = array<i32>} : memref<40x128xf32, #tpu.memory_space<vmem>>, vector<16xf32>,
      tpu.vector_store_idx %arg15[%shift_right_logical3A_124, %and3A_126], %get3A_138 {add = true} : memref<79x128xf32, #tpu.memory_space<vmem>>[vector<16xi32>, vector<16xi32>], vector<16xf32>,
      %get3A_139 = arith.index_cast %scan3A_120 : i32 to index
      %get3A_140 = arith.constant 0 : index
      %get3A_141 = tpu.vector_load %arg11[%get3A_139, %get3A_140] {strides = array<i32>} : memref<40x128xf32, #tpu.memory_space<vmem>>, vector<16xf32>,
      tpu.vector_store_idx %arg16[%shift_right_logical3A_124, %and3A_126], %get3A_141 {add = true} : memref<79x128xf32, #tpu.memory_space<vmem>>[vector<16xi32>, vector<16xi32>], vector<16xf32>,
      %get3A_142 = arith.index_cast %scan3A_120 : i32 to index
      %get3A_143 = arith.constant 16 : index
      %get3A_144 = tpu.vector_load %arg6[%get3A_142, %get3A_143] {strides = array<i32>} : memref<40x128xi32, #tpu.memory_space<vmem>>, vector<16xi32>,
      %shift_right_logical3A_145 = arith.constant 7 : i32
      %shift_right_logical3A_146 = vector.broadcast %shift_right_logical3A_145 : i32 to vector<16xi32>
      %shift_right_logical3A_147 = arith.shrui %get3A_144, %shift_right_logical3A_146 : vector<16xi32>
      %and3A_148 = arith.constant 127 : i32
      %and3A_149 = vector.broadcast %and3A_148 : i32 to vector<16xi32>
      %and3A_150 = arith.andi %get3A_144, %and3A_149 : vector<16xi32>
      %get3A_151 = arith.index_cast %scan3A_120 : i32 to index
      %get3A_152 = arith.constant 16 : index
      %get3A_153 = tpu.vector_load %arg7[%get3A_151, %get3A_152] {strides = array<i32>} : memref<40x128xf32, #tpu.memory_space<vmem>>, vector<16xf32>,
      tpu.vector_store_idx %arg12[%shift_right_logical3A_147, %and3A_150], %get3A_153 {add = true} : memref<79x128xf32, #tpu.memory_space<vmem>>[vector<16xi32>, vector<16xi32>], vector<16xf32>,
      %get3A_154 = arith.index_cast %scan3A_120 : i32 to index
      %get3A_155 = arith.constant 16 : index
      %get3A_156 = tpu.vector_load %arg8[%get3A_154, %get3A_155] {strides = array<i32>} : memref<40x128xf32, #tpu.memory_space<vmem>>, vector<16xf32>,
      tpu.vector_store_idx %arg13[%shift_right_logical3A_147, %and3A_150], %get3A_156 {add = true} : memref<79x128xf32, #tpu.memory_space<vmem>>[vector<16xi32>, vector<16xi32>], vector<16xf32>,
      %get3A_157 = arith.index_cast %scan3A_120 : i32 to index
      %get3A_158 = arith.constant 16 : index
      %get3A_159 = tpu.vector_load %arg9[%get3A_157, %get3A_158] {strides = array<i32>} : memref<40x128xf32, #tpu.memory_space<vmem>>, vector<16xf32>,
      tpu.vector_store_idx %arg14[%shift_right_logical3A_147, %and3A_150], %get3A_159 {add = true} : memref<79x128xf32, #tpu.memory_space<vmem>>[vector<16xi32>, vector<16xi32>], vector<16xf32>,
      %get3A_160 = arith.index_cast %scan3A_120 : i32 to index
      %get3A_161 = arith.constant 16 : index
      %get3A_162 = tpu.vector_load %arg10[%get3A_160, %get3A_161] {strides = array<i32>} : memref<40x128xf32, #tpu.memory_space<vmem>>, vector<16xf32>,
      tpu.vector_store_idx %arg15[%shift_right_logical3A_147, %and3A_150], %get3A_162 {add = true} : memref<79x128xf32, #tpu.memory_space<vmem>>[vector<16xi32>, vector<16xi32>], vector<16xf32>,
      %get3A_163 = arith.index_cast %scan3A_120 : i32 to index
      %get3A_164 = arith.constant 16 : index
      %get3A_165 = tpu.vector_load %arg11[%get3A_163, %get3A_164] {strides = array<i32>} : memref<40x128xf32, #tpu.memory_space<vmem>>, vector<16xf32>,
      tpu.vector_store_idx %arg16[%shift_right_logical3A_147, %and3A_150], %get3A_165 {add = true} : memref<79x128xf32, #tpu.memory_space<vmem>>[vector<16xi32>, vector<16xi32>], vector<16xf32>,
      %get3A_166 = arith.index_cast %scan3A_120 : i32 to index
      %get3A_167 = arith.constant 32 : index
      %get3A_168 = tpu.vector_load %arg6[%get3A_166, %get3A_167] {strides = array<i32>} : memref<40x128xi32, #tpu.memory_space<vmem>>, vector<16xi32>,
      %shift_right_logical3A_169 = arith.constant 7 : i32
      %shift_right_logical3A_170 = vector.broadcast %shift_right_logical3A_169 : i32 to vector<16xi32>
      %shift_right_logical3A_171 = arith.shrui %get3A_168, %shift_right_logical3A_170 : vector<16xi32>
      %and3A_172 = arith.constant 127 : i32
      %and3A_173 = vector.broadcast %and3A_172 : i32 to vector<16xi32>
      %and3A_174 = arith.andi %get3A_168, %and3A_173 : vector<16xi32>
      %get3A_175 = arith.index_cast %scan3A_120 : i32 to index
      %get3A_176 = arith.constant 32 : index
      %get3A_177 = tpu.vector_load %arg7[%get3A_175, %get3A_176] {strides = array<i32>} : memref<40x128xf32, #tpu.memory_space<vmem>>, vector<16xf32>,
      tpu.vector_store_idx %arg12[%shift_right_logical3A_171, %and3A_174], %get3A_177 {add = true} : memref<79x128xf32, #tpu.memory_space<vmem>>[vector<16xi32>, vector<16xi32>], vector<16xf32>,
      %get3A_178 = arith.index_cast %scan3A_120 : i32 to index
      %get3A_179 = arith.constant 32 : index
      %get3A_180 = tpu.vector_load %arg8[%get3A_178, %get3A_179] {strides = array<i32>} : memref<40x128xf32, #tpu.memory_space<vmem>>, vector<16xf32>,
      tpu.vector_store_idx %arg13[%shift_right_logical3A_171, %and3A_174], %get3A_180 {add = true} : memref<79x128xf32, #tpu.memory_space<vmem>>[vector<16xi32>, vector<16xi32>], vector<16xf32>,
      %get3A_181 = arith.index_cast %scan3A_120 : i32 to index
      %get3A_182 = arith.constant 32 : index
      %get3A_183 = tpu.vector_load %arg9[%get3A_181, %get3A_182] {strides = array<i32>} : memref<40x128xf32, #tpu.memory_space<vmem>>, vector<16xf32>,
      tpu.vector_store_idx %arg14[%shift_right_logical3A_171, %and3A_174], %get3A_183 {add = true} : memref<79x128xf32, #tpu.memory_space<vmem>>[vector<16xi32>, vector<16xi32>], vector<16xf32>,
      %get3A_184 = arith.index_cast %scan3A_120 : i32 to index
      %get3A_185 = arith.constant 32 : index
      %get3A_186 = tpu.vector_load %arg10[%get3A_184, %get3A_185] {strides = array<i32>} : memref<40x128xf32, #tpu.memory_space<vmem>>, vector<16xf32>,
      tpu.vector_store_idx %arg15[%shift_right_logical3A_171, %and3A_174], %get3A_186 {add = true} : memref<79x128xf32, #tpu.memory_space<vmem>>[vector<16xi32>, vector<16xi32>], vector<16xf32>,
      %get3A_187 = arith.index_cast %scan3A_120 : i32 to index
      %get3A_188 = arith.constant 32 : index
      %get3A_189 = tpu.vector_load %arg11[%get3A_187, %get3A_188] {strides = array<i32>} : memref<40x128xf32, #tpu.memory_space<vmem>>, vector<16xf32>,
      tpu.vector_store_idx %arg16[%shift_right_logical3A_171, %and3A_174], %get3A_189 {add = true} : memref<79x128xf32, #tpu.memory_space<vmem>>[vector<16xi32>, vector<16xi32>], vector<16xf32>,
      %get3A_190 = arith.index_cast %scan3A_120 : i32 to index
      %get3A_191 = arith.constant 48 : index
      %get3A_192 = tpu.vector_load %arg6[%get3A_190, %get3A_191] {strides = array<i32>} : memref<40x128xi32, #tpu.memory_space<vmem>>, vector<16xi32>,
      %shift_right_logical3A_193 = arith.constant 7 : i32
      %shift_right_logical3A_194 = vector.broadcast %shift_right_logical3A_193 : i32 to vector<16xi32>
      %shift_right_logical3A_195 = arith.shrui %get3A_192, %shift_right_logical3A_194 : vector<16xi32>
      %and3A_196 = arith.constant 127 : i32
      %and3A_197 = vector.broadcast %and3A_196 : i32 to vector<16xi32>
      %and3A_198 = arith.andi %get3A_192, %and3A_197 : vector<16xi32>
      %get3A_199 = arith.index_cast %scan3A_120 : i32 to index
      %get3A_200 = arith.constant 48 : index
      %get3A_201 = tpu.vector_load %arg7[%get3A_199, %get3A_200] {strides = array<i32>} : memref<40x128xf32, #tpu.memory_space<vmem>>, vector<16xf32>,
      tpu.vector_store_idx %arg12[%shift_right_logical3A_195, %and3A_198], %get3A_201 {add = true} : memref<79x128xf32, #tpu.memory_space<vmem>>[vector<16xi32>, vector<16xi32>], vector<16xf32>,
      %get3A_202 = arith.index_cast %scan3A_120 : i32 to index
      %get3A_203 = arith.constant 48 : index
      %get3A_204 = tpu.vector_load %arg8[%get3A_202, %get3A_203] {strides = array<i32>} : memref<40x128xf32, #tpu.memory_space<vmem>>, vector<16xf32>,
      tpu.vector_store_idx %arg13[%shift_right_logical3A_195, %and3A_198], %get3A_204 {add = true} : memref<79x128xf32, #tpu.memory_space<vmem>>[vector<16xi32>, vector<16xi32>], vector<16xf32>,
      %get3A_205 = arith.index_cast %scan3A_120 : i32 to index
      %get3A_206 = arith.constant 48 : index
      %get3A_207 = tpu.vector_load %arg9[%get3A_205, %get3A_206] {strides = array<i32>} : memref<40x128xf32, #tpu.memory_space<vmem>>, vector<16xf32>,
      tpu.vector_store_idx %arg14[%shift_right_logical3A_195, %and3A_198], %get3A_207 {add = true} : memref<79x128xf32, #tpu.memory_space<vmem>>[vector<16xi32>, vector<16xi32>], vector<16xf32>,
      %get3A_208 = arith.index_cast %scan3A_120 : i32 to index
      %get3A_209 = arith.constant 48 : index
      %get3A_210 = tpu.vector_load %arg10[%get3A_208, %get3A_209] {strides = array<i32>} : memref<40x128xf32, #tpu.memory_space<vmem>>, vector<16xf32>,
      tpu.vector_store_idx %arg15[%shift_right_logical3A_195, %and3A_198], %get3A_210 {add = true} : memref<79x128xf32, #tpu.memory_space<vmem>>[vector<16xi32>, vector<16xi32>], vector<16xf32>,
      %get3A_211 = arith.index_cast %scan3A_120 : i32 to index
      %get3A_212 = arith.constant 48 : index
      %get3A_213 = tpu.vector_load %arg11[%get3A_211, %get3A_212] {strides = array<i32>} : memref<40x128xf32, #tpu.memory_space<vmem>>, vector<16xf32>,
      tpu.vector_store_idx %arg16[%shift_right_logical3A_195, %and3A_198], %get3A_213 {add = true} : memref<79x128xf32, #tpu.memory_space<vmem>>[vector<16xi32>, vector<16xi32>], vector<16xf32>,
      %get3A_214 = arith.index_cast %scan3A_120 : i32 to index
      %get3A_215 = arith.constant 64 : index
      %get3A_216 = tpu.vector_load %arg6[%get3A_214, %get3A_215] {strides = array<i32>} : memref<40x128xi32, #tpu.memory_space<vmem>>, vector<16xi32>,
      %shift_right_logical3A_217 = arith.constant 7 : i32
      %shift_right_logical3A_218 = vector.broadcast %shift_right_logical3A_217 : i32 to vector<16xi32>
      %shift_right_logical3A_219 = arith.shrui %get3A_216, %shift_right_logical3A_218 : vector<16xi32>
      %and3A_220 = arith.constant 127 : i32
      %and3A_221 = vector.broadcast %and3A_220 : i32 to vector<16xi32>
      %and3A_222 = arith.andi %get3A_216, %and3A_221 : vector<16xi32>
      %get3A_223 = arith.index_cast %scan3A_120 : i32 to index
      %get3A_224 = arith.constant 64 : index
      %get3A_225 = tpu.vector_load %arg7[%get3A_223, %get3A_224] {strides = array<i32>} : memref<40x128xf32, #tpu.memory_space<vmem>>, vector<16xf32>,
      tpu.vector_store_idx %arg12[%shift_right_logical3A_219, %and3A_222], %get3A_225 {add = true} : memref<79x128xf32, #tpu.memory_space<vmem>>[vector<16xi32>, vector<16xi32>], vector<16xf32>,
      %get3A_226 = arith.index_cast %scan3A_120 : i32 to index
      %get3A_227 = arith.constant 64 : index
      %get3A_228 = tpu.vector_load %arg8[%get3A_226, %get3A_227] {strides = array<i32>} : memref<40x128xf32, #tpu.memory_space<vmem>>, vector<16xf32>,
      tpu.vector_store_idx %arg13[%shift_right_logical3A_219, %and3A_222], %get3A_228 {add = true} : memref<79x128xf32, #tpu.memory_space<vmem>>[vector<16xi32>, vector<16xi32>], vector<16xf32>,
      %get3A_229 = arith.index_cast %scan3A_120 : i32 to index
      %get3A_230 = arith.constant 64 : index
      %get3A_231 = tpu.vector_load %arg9[%get3A_229, %get3A_230] {strides = array<i32>} : memref<40x128xf32, #tpu.memory_space<vmem>>, vector<16xf32>,
      tpu.vector_store_idx %arg14[%shift_right_logical3A_219, %and3A_222], %get3A_231 {add = true} : memref<79x128xf32, #tpu.memory_space<vmem>>[vector<16xi32>, vector<16xi32>], vector<16xf32>,
      %get3A_232 = arith.index_cast %scan3A_120 : i32 to index
      %get3A_233 = arith.constant 64 : index
      %get3A_234 = tpu.vector_load %arg10[%get3A_232, %get3A_233] {strides = array<i32>} : memref<40x128xf32, #tpu.memory_space<vmem>>, vector<16xf32>,
      tpu.vector_store_idx %arg15[%shift_right_logical3A_219, %and3A_222], %get3A_234 {add = true} : memref<79x128xf32, #tpu.memory_space<vmem>>[vector<16xi32>, vector<16xi32>], vector<16xf32>,
      %get3A_235 = arith.index_cast %scan3A_120 : i32 to index
      %get3A_236 = arith.constant 64 : index
      %get3A_237 = tpu.vector_load %arg11[%get3A_235, %get3A_236] {strides = array<i32>} : memref<40x128xf32, #tpu.memory_space<vmem>>, vector<16xf32>,
      tpu.vector_store_idx %arg16[%shift_right_logical3A_219, %and3A_222], %get3A_237 {add = true} : memref<79x128xf32, #tpu.memory_space<vmem>>[vector<16xi32>, vector<16xi32>], vector<16xf32>,
      %get3A_238 = arith.index_cast %scan3A_120 : i32 to index
      %get3A_239 = arith.constant 80 : index
      %get3A_240 = tpu.vector_load %arg6[%get3A_238, %get3A_239] {strides = array<i32>} : memref<40x128xi32, #tpu.memory_space<vmem>>, vector<16xi32>,
      %shift_right_logical3A_241 = arith.constant 7 : i32
      %shift_right_logical3A_242 = vector.broadcast %shift_right_logical3A_241 : i32 to vector<16xi32>
      %shift_right_logical3A_243 = arith.shrui %get3A_240, %shift_right_logical3A_242 : vector<16xi32>
      %and3A_244 = arith.constant 127 : i32
      %and3A_245 = vector.broadcast %and3A_244 : i32 to vector<16xi32>
      %and3A_246 = arith.andi %get3A_240, %and3A_245 : vector<16xi32>
      %get3A_247 = arith.index_cast %scan3A_120 : i32 to index
      %get3A_248 = arith.constant 80 : index
      %get3A_249 = tpu.vector_load %arg7[%get3A_247, %get3A_248] {strides = array<i32>} : memref<40x128xf32, #tpu.memory_space<vmem>>, vector<16xf32>,
      tpu.vector_store_idx %arg12[%shift_right_logical3A_243, %and3A_246], %get3A_249 {add = true} : memref<79x128xf32, #tpu.memory_space<vmem>>[vector<16xi32>, vector<16xi32>], vector<16xf32>,
      %get3A_250 = arith.index_cast %scan3A_120 : i32 to index
      %get3A_251 = arith.constant 80 : index
      %get3A_252 = tpu.vector_load %arg8[%get3A_250, %get3A_251] {strides = array<i32>} : memref<40x128xf32, #tpu.memory_space<vmem>>, vector<16xf32>,
      tpu.vector_store_idx %arg13[%shift_right_logical3A_243, %and3A_246], %get3A_252 {add = true} : memref<79x128xf32, #tpu.memory_space<vmem>>[vector<16xi32>, vector<16xi32>], vector<16xf32>,
      %get3A_253 = arith.index_cast %scan3A_120 : i32 to index
      %get3A_254 = arith.constant 80 : index
      %get3A_255 = tpu.vector_load %arg9[%get3A_253, %get3A_254] {strides = array<i32>} : memref<40x128xf32, #tpu.memory_space<vmem>>, vector<16xf32>,
      tpu.vector_store_idx %arg14[%shift_right_logical3A_243, %and3A_246], %get3A_255 {add = true} : memref<79x128xf32, #tpu.memory_space<vmem>>[vector<16xi32>, vector<16xi32>], vector<16xf32>,
      %get3A_256 = arith.index_cast %scan3A_120 : i32 to index
      %get3A_257 = arith.constant 80 : index
      %get3A_258 = tpu.vector_load %arg10[%get3A_256, %get3A_257] {strides = array<i32>} : memref<40x128xf32, #tpu.memory_space<vmem>>, vector<16xf32>,
      tpu.vector_store_idx %arg15[%shift_right_logical3A_243, %and3A_246], %get3A_258 {add = true} : memref<79x128xf32, #tpu.memory_space<vmem>>[vector<16xi32>, vector<16xi32>], vector<16xf32>,
      %get3A_259 = arith.index_cast %scan3A_120 : i32 to index
      %get3A_260 = arith.constant 80 : index
      %get3A_261 = tpu.vector_load %arg11[%get3A_259, %get3A_260] {strides = array<i32>} : memref<40x128xf32, #tpu.memory_space<vmem>>, vector<16xf32>,
      tpu.vector_store_idx %arg16[%shift_right_logical3A_243, %and3A_246], %get3A_261 {add = true} : memref<79x128xf32, #tpu.memory_space<vmem>>[vector<16xi32>, vector<16xi32>], vector<16xf32>,
      %get3A_262 = arith.index_cast %scan3A_120 : i32 to index
      %get3A_263 = arith.constant 96 : index
      %get3A_264 = tpu.vector_load %arg6[%get3A_262, %get3A_263] {strides = array<i32>} : memref<40x128xi32, #tpu.memory_space<vmem>>, vector<16xi32>,
      %shift_right_logical3A_265 = arith.constant 7 : i32
      %shift_right_logical3A_266 = vector.broadcast %shift_right_logical3A_265 : i32 to vector<16xi32>
      %shift_right_logical3A_267 = arith.shrui %get3A_264, %shift_right_logical3A_266 : vector<16xi32>
      %and3A_268 = arith.constant 127 : i32
      %and3A_269 = vector.broadcast %and3A_268 : i32 to vector<16xi32>
      %and3A_270 = arith.andi %get3A_264, %and3A_269 : vector<16xi32>
      %get3A_271 = arith.index_cast %scan3A_120 : i32 to index
      %get3A_272 = arith.constant 96 : index
      %get3A_273 = tpu.vector_load %arg7[%get3A_271, %get3A_272] {strides = array<i32>} : memref<40x128xf32, #tpu.memory_space<vmem>>, vector<16xf32>,
      tpu.vector_store_idx %arg12[%shift_right_logical3A_267, %and3A_270], %get3A_273 {add = true} : memref<79x128xf32, #tpu.memory_space<vmem>>[vector<16xi32>, vector<16xi32>], vector<16xf32>,
      %get3A_274 = arith.index_cast %scan3A_120 : i32 to index
      %get3A_275 = arith.constant 96 : index
      %get3A_276 = tpu.vector_load %arg8[%get3A_274, %get3A_275] {strides = array<i32>} : memref<40x128xf32, #tpu.memory_space<vmem>>, vector<16xf32>,
      tpu.vector_store_idx %arg13[%shift_right_logical3A_267, %and3A_270], %get3A_276 {add = true} : memref<79x128xf32, #tpu.memory_space<vmem>>[vector<16xi32>, vector<16xi32>], vector<16xf32>,
      %get3A_277 = arith.index_cast %scan3A_120 : i32 to index
      %get3A_278 = arith.constant 96 : index
      %get3A_279 = tpu.vector_load %arg9[%get3A_277, %get3A_278] {strides = array<i32>} : memref<40x128xf32, #tpu.memory_space<vmem>>, vector<16xf32>,
      tpu.vector_store_idx %arg14[%shift_right_logical3A_267, %and3A_270], %get3A_279 {add = true} : memref<79x128xf32, #tpu.memory_space<vmem>>[vector<16xi32>, vector<16xi32>], vector<16xf32>,
      %get3A_280 = arith.index_cast %scan3A_120 : i32 to index
      %get3A_281 = arith.constant 96 : index
      %get3A_282 = tpu.vector_load %arg10[%get3A_280, %get3A_281] {strides = array<i32>} : memref<40x128xf32, #tpu.memory_space<vmem>>, vector<16xf32>,
      tpu.vector_store_idx %arg15[%shift_right_logical3A_267, %and3A_270], %get3A_282 {add = true} : memref<79x128xf32, #tpu.memory_space<vmem>>[vector<16xi32>, vector<16xi32>], vector<16xf32>,
      %get3A_283 = arith.index_cast %scan3A_120 : i32 to index
      %get3A_284 = arith.constant 96 : index
      %get3A_285 = tpu.vector_load %arg11[%get3A_283, %get3A_284] {strides = array<i32>} : memref<40x128xf32, #tpu.memory_space<vmem>>, vector<16xf32>,
      tpu.vector_store_idx %arg16[%shift_right_logical3A_267, %and3A_270], %get3A_285 {add = true} : memref<79x128xf32, #tpu.memory_space<vmem>>[vector<16xi32>, vector<16xi32>], vector<16xf32>,
      %get3A_286 = arith.index_cast %scan3A_120 : i32 to index
      %get3A_287 = arith.constant 112 : index
      %get3A_288 = tpu.vector_load %arg6[%get3A_286, %get3A_287] {strides = array<i32>} : memref<40x128xi32, #tpu.memory_space<vmem>>, vector<16xi32>,
      %shift_right_logical3A_289 = arith.constant 7 : i32
      %shift_right_logical3A_290 = vector.broadcast %shift_right_logical3A_289 : i32 to vector<16xi32>
      %shift_right_logical3A_291 = arith.shrui %get3A_288, %shift_right_logical3A_290 : vector<16xi32>
      %and3A_292 = arith.constant 127 : i32
      %and3A_293 = vector.broadcast %and3A_292 : i32 to vector<16xi32>
      %and3A_294 = arith.andi %get3A_288, %and3A_293 : vector<16xi32>
      %get3A_295 = arith.index_cast %scan3A_120 : i32 to index
      %get3A_296 = arith.constant 112 : index
      %get3A_297 = tpu.vector_load %arg7[%get3A_295, %get3A_296] {strides = array<i32>} : memref<40x128xf32, #tpu.memory_space<vmem>>, vector<16xf32>,
      tpu.vector_store_idx %arg12[%shift_right_logical3A_291, %and3A_294], %get3A_297 {add = true} : memref<79x128xf32, #tpu.memory_space<vmem>>[vector<16xi32>, vector<16xi32>], vector<16xf32>,
      %get3A_298 = arith.index_cast %scan3A_120 : i32 to index
      %get3A_299 = arith.constant 112 : index
      %get3A_300 = tpu.vector_load %arg8[%get3A_298, %get3A_299] {strides = array<i32>} : memref<40x128xf32, #tpu.memory_space<vmem>>, vector<16xf32>,
      tpu.vector_store_idx %arg13[%shift_right_logical3A_291, %and3A_294], %get3A_300 {add = true} : memref<79x128xf32, #tpu.memory_space<vmem>>[vector<16xi32>, vector<16xi32>], vector<16xf32>,
      %get3A_301 = arith.index_cast %scan3A_120 : i32 to index
      %get3A_302 = arith.constant 112 : index
      %get3A_303 = tpu.vector_load %arg9[%get3A_301, %get3A_302] {strides = array<i32>} : memref<40x128xf32, #tpu.memory_space<vmem>>, vector<16xf32>,
      tpu.vector_store_idx %arg14[%shift_right_logical3A_291, %and3A_294], %get3A_303 {add = true} : memref<79x128xf32, #tpu.memory_space<vmem>>[vector<16xi32>, vector<16xi32>], vector<16xf32>,
      %get3A_304 = arith.index_cast %scan3A_120 : i32 to index
      %get3A_305 = arith.constant 112 : index
      %get3A_306 = tpu.vector_load %arg10[%get3A_304, %get3A_305] {strides = array<i32>} : memref<40x128xf32, #tpu.memory_space<vmem>>, vector<16xf32>,
      tpu.vector_store_idx %arg15[%shift_right_logical3A_291, %and3A_294], %get3A_306 {add = true} : memref<79x128xf32, #tpu.memory_space<vmem>>[vector<16xi32>, vector<16xi32>], vector<16xf32>,
      %get3A_307 = arith.index_cast %scan3A_120 : i32 to index
      %get3A_308 = arith.constant 112 : index
      %get3A_309 = tpu.vector_load %arg11[%get3A_307, %get3A_308] {strides = array<i32>} : memref<40x128xf32, #tpu.memory_space<vmem>>, vector<16xf32>,
      tpu.vector_store_idx %arg16[%shift_right_logical3A_291, %and3A_294], %get3A_309 {add = true} : memref<79x128xf32, #tpu.memory_space<vmem>>[vector<16xi32>, vector<16xi32>], vector<16xf32>,
    }
    %scan3A_49 = arith.constant 40 : i32
    %mul3A_50 = arith.constant 2 : i32
    %mul3A_51 = arith.muli %add3A, %mul3A_50 : i32
    %add3A_52 = arith.constant 1 : i32
    %add3A_53 = arith.addi %mul3A_51, %add3A_52 : i32
    "tpu.region"() ({
      %run_scoped3A = tpu.sem_alloc : memref<!tpu.dma_semaphore, #tpu.memory_space<semaphore_mem>>
      %dma_start3A = arith.constant 0 : i32
      %dma_start3A_120 = arith.constant 0 : i32
      %dma_start3A_121 = tpu.memref_slice %arg2[%add3A_53, %dma_start3A, %dma_start3A_120] : memref<64x40x128xi32, #tpu.memory_space<hbm>> -> memref<1x40x128xi32, #tpu.memory_space<hbm>>
      %dma_start3A_122 = tpu.memref_squeeze %dma_start3A_121 : memref<1x40x128xi32, #tpu.memory_space<hbm>> -> memref<40x128xi32, #tpu.memory_space<hbm>>
      %dma_start3A_123 = arith.constant 0 : i32
      %dma_start3A_124 = arith.constant 0 : i32
      %dma_start3A_125 = tpu.memref_slice %arg2[%add3A_53, %dma_start3A_123, %dma_start3A_124] : memref<64x40x128xi32, #tpu.memory_space<hbm>> -> memref<1x40x128xi32, #tpu.memory_space<hbm>>
      %dma_start3A_126 = tpu.memref_squeeze %dma_start3A_125 : memref<1x40x128xi32, #tpu.memory_space<hbm>> -> memref<40x128xi32, #tpu.memory_space<hbm>>
      tpu.enqueue_dma source(%dma_start3A_126 : memref<40x128xi32, #tpu.memory_space<hbm>>) target(%arg6 : memref<40x128xi32, #tpu.memory_space<vmem>>) target_semaphore(%run_scoped3A : memref<!tpu.dma_semaphore, #tpu.memory_space<semaphore_mem>>)
      %dma_wait3A = arith.constant 0 : i32
      %dma_wait3A_127 = arith.constant 0 : i32
      %dma_wait3A_128 = tpu.memref_slice %arg2[%add3A_53, %dma_wait3A, %dma_wait3A_127] : memref<64x40x128xi32, #tpu.memory_space<hbm>> -> memref<1x40x128xi32, #tpu.memory_space<hbm>>
      %dma_wait3A_129 = tpu.memref_squeeze %dma_wait3A_128 : memref<1x40x128xi32, #tpu.memory_space<hbm>> -> memref<40x128xi32, #tpu.memory_space<hbm>>
      %dma_wait3A_130 = arith.constant 0 : i32
      %dma_wait3A_131 = arith.constant 0 : i32
      %dma_wait3A_132 = tpu.memref_slice %arg2[%add3A_53, %dma_wait3A_130, %dma_wait3A_131] : memref<64x40x128xi32, #tpu.memory_space<hbm>> -> memref<1x40x128xi32, #tpu.memory_space<hbm>>
      %dma_wait3A_133 = tpu.memref_squeeze %dma_wait3A_132 : memref<1x40x128xi32, #tpu.memory_space<hbm>> -> memref<40x128xi32, #tpu.memory_space<hbm>>
      tpu.wait_dma2 semaphore(%run_scoped3A : memref<!tpu.dma_semaphore, #tpu.memory_space<semaphore_mem>>) src(%dma_wait3A_133 : memref<40x128xi32, #tpu.memory_space<hbm>>) dst(%arg6 : memref<40x128xi32, #tpu.memory_space<vmem>>)
      tpu.yield
    }) : () -> ()
    %mul3A_54 = arith.constant 5 : i32
    %mul3A_55 = arith.muli %add3A, %mul3A_54 : i32
    %add3A_56 = arith.constant 0 : i32
    %add3A_57 = arith.addi %mul3A_55, %add3A_56 : i32
    %mul3A_58 = arith.constant 2 : i32
    %mul3A_59 = arith.muli %add3A_57, %mul3A_58 : i32
    %add3A_60 = arith.constant 1 : i32
    %add3A_61 = arith.addi %mul3A_59, %add3A_60 : i32
    "tpu.region"() ({
      %run_scoped3A = tpu.sem_alloc : memref<!tpu.dma_semaphore, #tpu.memory_space<semaphore_mem>>
      %dma_start3A = arith.constant 0 : i32
      %dma_start3A_120 = arith.constant 0 : i32
      %dma_start3A_121 = tpu.memref_slice %arg3[%add3A_61, %dma_start3A, %dma_start3A_120] : memref<320x40x128xf32, #tpu.memory_space<hbm>> -> memref<1x40x128xf32, #tpu.memory_space<hbm>>
      %dma_start3A_122 = tpu.memref_squeeze %dma_start3A_121 : memref<1x40x128xf32, #tpu.memory_space<hbm>> -> memref<40x128xf32, #tpu.memory_space<hbm>>
      %dma_start3A_123 = arith.constant 0 : i32
      %dma_start3A_124 = arith.constant 0 : i32
      %dma_start3A_125 = tpu.memref_slice %arg3[%add3A_61, %dma_start3A_123, %dma_start3A_124] : memref<320x40x128xf32, #tpu.memory_space<hbm>> -> memref<1x40x128xf32, #tpu.memory_space<hbm>>
      %dma_start3A_126 = tpu.memref_squeeze %dma_start3A_125 : memref<1x40x128xf32, #tpu.memory_space<hbm>> -> memref<40x128xf32, #tpu.memory_space<hbm>>
      tpu.enqueue_dma source(%dma_start3A_126 : memref<40x128xf32, #tpu.memory_space<hbm>>) target(%arg7 : memref<40x128xf32, #tpu.memory_space<vmem>>) target_semaphore(%run_scoped3A : memref<!tpu.dma_semaphore, #tpu.memory_space<semaphore_mem>>)
      %dma_wait3A = arith.constant 0 : i32
      %dma_wait3A_127 = arith.constant 0 : i32
      %dma_wait3A_128 = tpu.memref_slice %arg3[%add3A_61, %dma_wait3A, %dma_wait3A_127] : memref<320x40x128xf32, #tpu.memory_space<hbm>> -> memref<1x40x128xf32, #tpu.memory_space<hbm>>
      %dma_wait3A_129 = tpu.memref_squeeze %dma_wait3A_128 : memref<1x40x128xf32, #tpu.memory_space<hbm>> -> memref<40x128xf32, #tpu.memory_space<hbm>>
      %dma_wait3A_130 = arith.constant 0 : i32
      %dma_wait3A_131 = arith.constant 0 : i32
      %dma_wait3A_132 = tpu.memref_slice %arg3[%add3A_61, %dma_wait3A_130, %dma_wait3A_131] : memref<320x40x128xf32, #tpu.memory_space<hbm>> -> memref<1x40x128xf32, #tpu.memory_space<hbm>>
      %dma_wait3A_133 = tpu.memref_squeeze %dma_wait3A_132 : memref<1x40x128xf32, #tpu.memory_space<hbm>> -> memref<40x128xf32, #tpu.memory_space<hbm>>
      tpu.wait_dma2 semaphore(%run_scoped3A : memref<!tpu.dma_semaphore, #tpu.memory_space<semaphore_mem>>) src(%dma_wait3A_133 : memref<40x128xf32, #tpu.memory_space<hbm>>) dst(%arg7 : memref<40x128xf32, #tpu.memory_space<vmem>>)
      tpu.yield
    }) : () -> ()
    %mul3A_62 = arith.constant 5 : i32
    %mul3A_63 = arith.muli %add3A, %mul3A_62 : i32
    %add3A_64 = arith.constant 1 : i32
    %add3A_65 = arith.addi %mul3A_63, %add3A_64 : i32
    %mul3A_66 = arith.constant 2 : i32
    %mul3A_67 = arith.muli %add3A_65, %mul3A_66 : i32
    %add3A_68 = arith.constant 1 : i32
    %add3A_69 = arith.addi %mul3A_67, %add3A_68 : i32
    "tpu.region"() ({
      %run_scoped3A = tpu.sem_alloc : memref<!tpu.dma_semaphore, #tpu.memory_space<semaphore_mem>>
      %dma_start3A = arith.constant 0 : i32
      %dma_start3A_120 = arith.constant 0 : i32
      %dma_start3A_121 = tpu.memref_slice %arg3[%add3A_69, %dma_start3A, %dma_start3A_120] : memref<320x40x128xf32, #tpu.memory_space<hbm>> -> memref<1x40x128xf32, #tpu.memory_space<hbm>>
      %dma_start3A_122 = tpu.memref_squeeze %dma_start3A_121 : memref<1x40x128xf32, #tpu.memory_space<hbm>> -> memref<40x128xf32, #tpu.memory_space<hbm>>
      %dma_start3A_123 = arith.constant 0 : i32
      %dma_start3A_124 = arith.constant 0 : i32
      %dma_start3A_125 = tpu.memref_slice %arg3[%add3A_69, %dma_start3A_123, %dma_start3A_124] : memref<320x40x128xf32, #tpu.memory_space<hbm>> -> memref<1x40x128xf32, #tpu.memory_space<hbm>>
      %dma_start3A_126 = tpu.memref_squeeze %dma_start3A_125 : memref<1x40x128xf32, #tpu.memory_space<hbm>> -> memref<40x128xf32, #tpu.memory_space<hbm>>
      tpu.enqueue_dma source(%dma_start3A_126 : memref<40x128xf32, #tpu.memory_space<hbm>>) target(%arg8 : memref<40x128xf32, #tpu.memory_space<vmem>>) target_semaphore(%run_scoped3A : memref<!tpu.dma_semaphore, #tpu.memory_space<semaphore_mem>>)
      %dma_wait3A = arith.constant 0 : i32
      %dma_wait3A_127 = arith.constant 0 : i32
      %dma_wait3A_128 = tpu.memref_slice %arg3[%add3A_69, %dma_wait3A, %dma_wait3A_127] : memref<320x40x128xf32, #tpu.memory_space<hbm>> -> memref<1x40x128xf32, #tpu.memory_space<hbm>>
      %dma_wait3A_129 = tpu.memref_squeeze %dma_wait3A_128 : memref<1x40x128xf32, #tpu.memory_space<hbm>> -> memref<40x128xf32, #tpu.memory_space<hbm>>
      %dma_wait3A_130 = arith.constant 0 : i32
      %dma_wait3A_131 = arith.constant 0 : i32
      %dma_wait3A_132 = tpu.memref_slice %arg3[%add3A_69, %dma_wait3A_130, %dma_wait3A_131] : memref<320x40x128xf32, #tpu.memory_space<hbm>> -> memref<1x40x128xf32, #tpu.memory_space<hbm>>
      %dma_wait3A_133 = tpu.memref_squeeze %dma_wait3A_132 : memref<1x40x128xf32, #tpu.memory_space<hbm>> -> memref<40x128xf32, #tpu.memory_space<hbm>>
      tpu.wait_dma2 semaphore(%run_scoped3A : memref<!tpu.dma_semaphore, #tpu.memory_space<semaphore_mem>>) src(%dma_wait3A_133 : memref<40x128xf32, #tpu.memory_space<hbm>>) dst(%arg8 : memref<40x128xf32, #tpu.memory_space<vmem>>)
      tpu.yield
    }) : () -> ()
    %mul3A_70 = arith.constant 5 : i32
    %mul3A_71 = arith.muli %add3A, %mul3A_70 : i32
    %add3A_72 = arith.constant 2 : i32
    %add3A_73 = arith.addi %mul3A_71, %add3A_72 : i32
    %mul3A_74 = arith.constant 2 : i32
    %mul3A_75 = arith.muli %add3A_73, %mul3A_74 : i32
    %add3A_76 = arith.constant 1 : i32
    %add3A_77 = arith.addi %mul3A_75, %add3A_76 : i32
    "tpu.region"() ({
      %run_scoped3A = tpu.sem_alloc : memref<!tpu.dma_semaphore, #tpu.memory_space<semaphore_mem>>
      %dma_start3A = arith.constant 0 : i32
      %dma_start3A_120 = arith.constant 0 : i32
      %dma_start3A_121 = tpu.memref_slice %arg3[%add3A_77, %dma_start3A, %dma_start3A_120] : memref<320x40x128xf32, #tpu.memory_space<hbm>> -> memref<1x40x128xf32, #tpu.memory_space<hbm>>
      %dma_start3A_122 = tpu.memref_squeeze %dma_start3A_121 : memref<1x40x128xf32, #tpu.memory_space<hbm>> -> memref<40x128xf32, #tpu.memory_space<hbm>>
      %dma_start3A_123 = arith.constant 0 : i32
      %dma_start3A_124 = arith.constant 0 : i32
      %dma_start3A_125 = tpu.memref_slice %arg3[%add3A_77, %dma_start3A_123, %dma_start3A_124] : memref<320x40x128xf32, #tpu.memory_space<hbm>> -> memref<1x40x128xf32, #tpu.memory_space<hbm>>
      %dma_start3A_126 = tpu.memref_squeeze %dma_start3A_125 : memref<1x40x128xf32, #tpu.memory_space<hbm>> -> memref<40x128xf32, #tpu.memory_space<hbm>>
      tpu.enqueue_dma source(%dma_start3A_126 : memref<40x128xf32, #tpu.memory_space<hbm>>) target(%arg9 : memref<40x128xf32, #tpu.memory_space<vmem>>) target_semaphore(%run_scoped3A : memref<!tpu.dma_semaphore, #tpu.memory_space<semaphore_mem>>)
      %dma_wait3A = arith.constant 0 : i32
      %dma_wait3A_127 = arith.constant 0 : i32
      %dma_wait3A_128 = tpu.memref_slice %arg3[%add3A_77, %dma_wait3A, %dma_wait3A_127] : memref<320x40x128xf32, #tpu.memory_space<hbm>> -> memref<1x40x128xf32, #tpu.memory_space<hbm>>
      %dma_wait3A_129 = tpu.memref_squeeze %dma_wait3A_128 : memref<1x40x128xf32, #tpu.memory_space<hbm>> -> memref<40x128xf32, #tpu.memory_space<hbm>>
      %dma_wait3A_130 = arith.constant 0 : i32
      %dma_wait3A_131 = arith.constant 0 : i32
      %dma_wait3A_132 = tpu.memref_slice %arg3[%add3A_77, %dma_wait3A_130, %dma_wait3A_131] : memref<320x40x128xf32, #tpu.memory_space<hbm>> -> memref<1x40x128xf32, #tpu.memory_space<hbm>>
      %dma_wait3A_133 = tpu.memref_squeeze %dma_wait3A_132 : memref<1x40x128xf32, #tpu.memory_space<hbm>> -> memref<40x128xf32, #tpu.memory_space<hbm>>
      tpu.wait_dma2 semaphore(%run_scoped3A : memref<!tpu.dma_semaphore, #tpu.memory_space<semaphore_mem>>) src(%dma_wait3A_133 : memref<40x128xf32, #tpu.memory_space<hbm>>) dst(%arg9 : memref<40x128xf32, #tpu.memory_space<vmem>>)
      tpu.yield
    }) : () -> ()
    %mul3A_78 = arith.constant 5 : i32
    %mul3A_79 = arith.muli %add3A, %mul3A_78 : i32
    %add3A_80 = arith.constant 3 : i32
    %add3A_81 = arith.addi %mul3A_79, %add3A_80 : i32
    %mul3A_82 = arith.constant 2 : i32
    %mul3A_83 = arith.muli %add3A_81, %mul3A_82 : i32
    %add3A_84 = arith.constant 1 : i32
    %add3A_85 = arith.addi %mul3A_83, %add3A_84 : i32
    "tpu.region"() ({
      %run_scoped3A = tpu.sem_alloc : memref<!tpu.dma_semaphore, #tpu.memory_space<semaphore_mem>>
      %dma_start3A = arith.constant 0 : i32
      %dma_start3A_120 = arith.constant 0 : i32
      %dma_start3A_121 = tpu.memref_slice %arg3[%add3A_85, %dma_start3A, %dma_start3A_120] : memref<320x40x128xf32, #tpu.memory_space<hbm>> -> memref<1x40x128xf32, #tpu.memory_space<hbm>>
      %dma_start3A_122 = tpu.memref_squeeze %dma_start3A_121 : memref<1x40x128xf32, #tpu.memory_space<hbm>> -> memref<40x128xf32, #tpu.memory_space<hbm>>
      %dma_start3A_123 = arith.constant 0 : i32
      %dma_start3A_124 = arith.constant 0 : i32
      %dma_start3A_125 = tpu.memref_slice %arg3[%add3A_85, %dma_start3A_123, %dma_start3A_124] : memref<320x40x128xf32, #tpu.memory_space<hbm>> -> memref<1x40x128xf32, #tpu.memory_space<hbm>>
      %dma_start3A_126 = tpu.memref_squeeze %dma_start3A_125 : memref<1x40x128xf32, #tpu.memory_space<hbm>> -> memref<40x128xf32, #tpu.memory_space<hbm>>
      tpu.enqueue_dma source(%dma_start3A_126 : memref<40x128xf32, #tpu.memory_space<hbm>>) target(%arg10 : memref<40x128xf32, #tpu.memory_space<vmem>>) target_semaphore(%run_scoped3A : memref<!tpu.dma_semaphore, #tpu.memory_space<semaphore_mem>>)
      %dma_wait3A = arith.constant 0 : i32
      %dma_wait3A_127 = arith.constant 0 : i32
      %dma_wait3A_128 = tpu.memref_slice %arg3[%add3A_85, %dma_wait3A, %dma_wait3A_127] : memref<320x40x128xf32, #tpu.memory_space<hbm>> -> memref<1x40x128xf32, #tpu.memory_space<hbm>>
      %dma_wait3A_129 = tpu.memref_squeeze %dma_wait3A_128 : memref<1x40x128xf32, #tpu.memory_space<hbm>> -> memref<40x128xf32, #tpu.memory_space<hbm>>
      %dma_wait3A_130 = arith.constant 0 : i32
      %dma_wait3A_131 = arith.constant 0 : i32
      %dma_wait3A_132 = tpu.memref_slice %arg3[%add3A_85, %dma_wait3A_130, %dma_wait3A_131] : memref<320x40x128xf32, #tpu.memory_space<hbm>> -> memref<1x40x128xf32, #tpu.memory_space<hbm>>
      %dma_wait3A_133 = tpu.memref_squeeze %dma_wait3A_132 : memref<1x40x128xf32, #tpu.memory_space<hbm>> -> memref<40x128xf32, #tpu.memory_space<hbm>>
      tpu.wait_dma2 semaphore(%run_scoped3A : memref<!tpu.dma_semaphore, #tpu.memory_space<semaphore_mem>>) src(%dma_wait3A_133 : memref<40x128xf32, #tpu.memory_space<hbm>>) dst(%arg10 : memref<40x128xf32, #tpu.memory_space<vmem>>)
      tpu.yield
    }) : () -> ()
    %mul3A_86 = arith.constant 5 : i32
    %mul3A_87 = arith.muli %add3A, %mul3A_86 : i32
    %add3A_88 = arith.constant 4 : i32
    %add3A_89 = arith.addi %mul3A_87, %add3A_88 : i32
    %mul3A_90 = arith.constant 2 : i32
    %mul3A_91 = arith.muli %add3A_89, %mul3A_90 : i32
    %add3A_92 = arith.constant 1 : i32
    %add3A_93 = arith.addi %mul3A_91, %add3A_92 : i32
    "tpu.region"() ({
      %run_scoped3A = tpu.sem_alloc : memref<!tpu.dma_semaphore, #tpu.memory_space<semaphore_mem>>
      %dma_start3A = arith.constant 0 : i32
      %dma_start3A_120 = arith.constant 0 : i32
      %dma_start3A_121 = tpu.memref_slice %arg3[%add3A_93, %dma_start3A, %dma_start3A_120] : memref<320x40x128xf32, #tpu.memory_space<hbm>> -> memref<1x40x128xf32, #tpu.memory_space<hbm>>
      %dma_start3A_122 = tpu.memref_squeeze %dma_start3A_121 : memref<1x40x128xf32, #tpu.memory_space<hbm>> -> memref<40x128xf32, #tpu.memory_space<hbm>>
      %dma_start3A_123 = arith.constant 0 : i32
      %dma_start3A_124 = arith.constant 0 : i32
      %dma_start3A_125 = tpu.memref_slice %arg3[%add3A_93, %dma_start3A_123, %dma_start3A_124] : memref<320x40x128xf32, #tpu.memory_space<hbm>> -> memref<1x40x128xf32, #tpu.memory_space<hbm>>
      %dma_start3A_126 = tpu.memref_squeeze %dma_start3A_125 : memref<1x40x128xf32, #tpu.memory_space<hbm>> -> memref<40x128xf32, #tpu.memory_space<hbm>>
      tpu.enqueue_dma source(%dma_start3A_126 : memref<40x128xf32, #tpu.memory_space<hbm>>) target(%arg11 : memref<40x128xf32, #tpu.memory_space<vmem>>) target_semaphore(%run_scoped3A : memref<!tpu.dma_semaphore, #tpu.memory_space<semaphore_mem>>)
      %dma_wait3A = arith.constant 0 : i32
      %dma_wait3A_127 = arith.constant 0 : i32
      %dma_wait3A_128 = tpu.memref_slice %arg3[%add3A_93, %dma_wait3A, %dma_wait3A_127] : memref<320x40x128xf32, #tpu.memory_space<hbm>> -> memref<1x40x128xf32, #tpu.memory_space<hbm>>
      %dma_wait3A_129 = tpu.memref_squeeze %dma_wait3A_128 : memref<1x40x128xf32, #tpu.memory_space<hbm>> -> memref<40x128xf32, #tpu.memory_space<hbm>>
      %dma_wait3A_130 = arith.constant 0 : i32
      %dma_wait3A_131 = arith.constant 0 : i32
      %dma_wait3A_132 = tpu.memref_slice %arg3[%add3A_93, %dma_wait3A_130, %dma_wait3A_131] : memref<320x40x128xf32, #tpu.memory_space<hbm>> -> memref<1x40x128xf32, #tpu.memory_space<hbm>>
      %dma_wait3A_133 = tpu.memref_squeeze %dma_wait3A_132 : memref<1x40x128xf32, #tpu.memory_space<hbm>> -> memref<40x128xf32, #tpu.memory_space<hbm>>
      tpu.wait_dma2 semaphore(%run_scoped3A : memref<!tpu.dma_semaphore, #tpu.memory_space<semaphore_mem>>) src(%dma_wait3A_133 : memref<40x128xf32, #tpu.memory_space<hbm>>) dst(%arg11 : memref<40x128xf32, #tpu.memory_space<vmem>>)
      tpu.yield
    }) : () -> ()
    %scan3A_94 = arith.constant 0 : i32
    %scan3A_95 = arith.constant 0 : i32
    %scan3A_96 = arith.constant 40 : i32
    %scan3A_97 = arith.addi %scan3A_95, %scan3A_96 : i32
    %scan3A_98 = arith.constant 1 : i32
    scf.for %scan3A_120 = %scan3A_95 to %scan3A_97 step %scan3A_98  : i32 {
      %get3A = arith.index_cast %scan3A_120 : i32 to index
      %get3A_121 = arith.constant 0 : index
      %get3A_122 = tpu.vector_load %arg6[%get3A, %get3A_121] {strides = array<i32>} : memref<40x128xi32, #tpu.memory_space<vmem>>, vector<16xi32>,
      %shift_right_logical3A = arith.constant 7 : i32
      %shift_right_logical3A_123 = vector.broadcast %shift_right_logical3A : i32 to vector<16xi32>
      %shift_right_logical3A_124 = arith.shrui %get3A_122, %shift_right_logical3A_123 : vector<16xi32>
      %and3A = arith.constant 127 : i32
      %and3A_125 = vector.broadcast %and3A : i32 to vector<16xi32>
      %and3A_126 = arith.andi %get3A_122, %and3A_125 : vector<16xi32>
      %get3A_127 = arith.index_cast %scan3A_120 : i32 to index
      %get3A_128 = arith.constant 0 : index
      %get3A_129 = tpu.vector_load %arg7[%get3A_127, %get3A_128] {strides = array<i32>} : memref<40x128xf32, #tpu.memory_space<vmem>>, vector<16xf32>,
      tpu.vector_store_idx %arg12[%shift_right_logical3A_124, %and3A_126], %get3A_129 {add = true} : memref<79x128xf32, #tpu.memory_space<vmem>>[vector<16xi32>, vector<16xi32>], vector<16xf32>,
      %get3A_130 = arith.index_cast %scan3A_120 : i32 to index
      %get3A_131 = arith.constant 0 : index
      %get3A_132 = tpu.vector_load %arg8[%get3A_130, %get3A_131] {strides = array<i32>} : memref<40x128xf32, #tpu.memory_space<vmem>>, vector<16xf32>,
      tpu.vector_store_idx %arg13[%shift_right_logical3A_124, %and3A_126], %get3A_132 {add = true} : memref<79x128xf32, #tpu.memory_space<vmem>>[vector<16xi32>, vector<16xi32>], vector<16xf32>,
      %get3A_133 = arith.index_cast %scan3A_120 : i32 to index
      %get3A_134 = arith.constant 0 : index
      %get3A_135 = tpu.vector_load %arg9[%get3A_133, %get3A_134] {strides = array<i32>} : memref<40x128xf32, #tpu.memory_space<vmem>>, vector<16xf32>,
      tpu.vector_store_idx %arg14[%shift_right_logical3A_124, %and3A_126], %get3A_135 {add = true} : memref<79x128xf32, #tpu.memory_space<vmem>>[vector<16xi32>, vector<16xi32>], vector<16xf32>,
      %get3A_136 = arith.index_cast %scan3A_120 : i32 to index
      %get3A_137 = arith.constant 0 : index
      %get3A_138 = tpu.vector_load %arg10[%get3A_136, %get3A_137] {strides = array<i32>} : memref<40x128xf32, #tpu.memory_space<vmem>>, vector<16xf32>,
      tpu.vector_store_idx %arg15[%shift_right_logical3A_124, %and3A_126], %get3A_138 {add = true} : memref<79x128xf32, #tpu.memory_space<vmem>>[vector<16xi32>, vector<16xi32>], vector<16xf32>,
      %get3A_139 = arith.index_cast %scan3A_120 : i32 to index
      %get3A_140 = arith.constant 0 : index
      %get3A_141 = tpu.vector_load %arg11[%get3A_139, %get3A_140] {strides = array<i32>} : memref<40x128xf32, #tpu.memory_space<vmem>>, vector<16xf32>,
      tpu.vector_store_idx %arg16[%shift_right_logical3A_124, %and3A_126], %get3A_141 {add = true} : memref<79x128xf32, #tpu.memory_space<vmem>>[vector<16xi32>, vector<16xi32>], vector<16xf32>,
      %get3A_142 = arith.index_cast %scan3A_120 : i32 to index
      %get3A_143 = arith.constant 16 : index
      %get3A_144 = tpu.vector_load %arg6[%get3A_142, %get3A_143] {strides = array<i32>} : memref<40x128xi32, #tpu.memory_space<vmem>>, vector<16xi32>,
      %shift_right_logical3A_145 = arith.constant 7 : i32
      %shift_right_logical3A_146 = vector.broadcast %shift_right_logical3A_145 : i32 to vector<16xi32>
      %shift_right_logical3A_147 = arith.shrui %get3A_144, %shift_right_logical3A_146 : vector<16xi32>
      %and3A_148 = arith.constant 127 : i32
      %and3A_149 = vector.broadcast %and3A_148 : i32 to vector<16xi32>
      %and3A_150 = arith.andi %get3A_144, %and3A_149 : vector<16xi32>
      %get3A_151 = arith.index_cast %scan3A_120 : i32 to index
      %get3A_152 = arith.constant 16 : index
      %get3A_153 = tpu.vector_load %arg7[%get3A_151, %get3A_152] {strides = array<i32>} : memref<40x128xf32, #tpu.memory_space<vmem>>, vector<16xf32>,
      tpu.vector_store_idx %arg12[%shift_right_logical3A_147, %and3A_150], %get3A_153 {add = true} : memref<79x128xf32, #tpu.memory_space<vmem>>[vector<16xi32>, vector<16xi32>], vector<16xf32>,
      %get3A_154 = arith.index_cast %scan3A_120 : i32 to index
      %get3A_155 = arith.constant 16 : index
      %get3A_156 = tpu.vector_load %arg8[%get3A_154, %get3A_155] {strides = array<i32>} : memref<40x128xf32, #tpu.memory_space<vmem>>, vector<16xf32>,
      tpu.vector_store_idx %arg13[%shift_right_logical3A_147, %and3A_150], %get3A_156 {add = true} : memref<79x128xf32, #tpu.memory_space<vmem>>[vector<16xi32>, vector<16xi32>], vector<16xf32>,
      %get3A_157 = arith.index_cast %scan3A_120 : i32 to index
      %get3A_158 = arith.constant 16 : index
      %get3A_159 = tpu.vector_load %arg9[%get3A_157, %get3A_158] {strides = array<i32>} : memref<40x128xf32, #tpu.memory_space<vmem>>, vector<16xf32>,
      tpu.vector_store_idx %arg14[%shift_right_logical3A_147, %and3A_150], %get3A_159 {add = true} : memref<79x128xf32, #tpu.memory_space<vmem>>[vector<16xi32>, vector<16xi32>], vector<16xf32>,
      %get3A_160 = arith.index_cast %scan3A_120 : i32 to index
      %get3A_161 = arith.constant 16 : index
      %get3A_162 = tpu.vector_load %arg10[%get3A_160, %get3A_161] {strides = array<i32>} : memref<40x128xf32, #tpu.memory_space<vmem>>, vector<16xf32>,
      tpu.vector_store_idx %arg15[%shift_right_logical3A_147, %and3A_150], %get3A_162 {add = true} : memref<79x128xf32, #tpu.memory_space<vmem>>[vector<16xi32>, vector<16xi32>], vector<16xf32>,
      %get3A_163 = arith.index_cast %scan3A_120 : i32 to index
      %get3A_164 = arith.constant 16 : index
      %get3A_165 = tpu.vector_load %arg11[%get3A_163, %get3A_164] {strides = array<i32>} : memref<40x128xf32, #tpu.memory_space<vmem>>, vector<16xf32>,
      tpu.vector_store_idx %arg16[%shift_right_logical3A_147, %and3A_150], %get3A_165 {add = true} : memref<79x128xf32, #tpu.memory_space<vmem>>[vector<16xi32>, vector<16xi32>], vector<16xf32>,
      %get3A_166 = arith.index_cast %scan3A_120 : i32 to index
      %get3A_167 = arith.constant 32 : index
      %get3A_168 = tpu.vector_load %arg6[%get3A_166, %get3A_167] {strides = array<i32>} : memref<40x128xi32, #tpu.memory_space<vmem>>, vector<16xi32>,
      %shift_right_logical3A_169 = arith.constant 7 : i32
      %shift_right_logical3A_170 = vector.broadcast %shift_right_logical3A_169 : i32 to vector<16xi32>
      %shift_right_logical3A_171 = arith.shrui %get3A_168, %shift_right_logical3A_170 : vector<16xi32>
      %and3A_172 = arith.constant 127 : i32
      %and3A_173 = vector.broadcast %and3A_172 : i32 to vector<16xi32>
      %and3A_174 = arith.andi %get3A_168, %and3A_173 : vector<16xi32>
      %get3A_175 = arith.index_cast %scan3A_120 : i32 to index
      %get3A_176 = arith.constant 32 : index
      %get3A_177 = tpu.vector_load %arg7[%get3A_175, %get3A_176] {strides = array<i32>} : memref<40x128xf32, #tpu.memory_space<vmem>>, vector<16xf32>,
      tpu.vector_store_idx %arg12[%shift_right_logical3A_171, %and3A_174], %get3A_177 {add = true} : memref<79x128xf32, #tpu.memory_space<vmem>>[vector<16xi32>, vector<16xi32>], vector<16xf32>,
      %get3A_178 = arith.index_cast %scan3A_120 : i32 to index
      %get3A_179 = arith.constant 32 : index
      %get3A_180 = tpu.vector_load %arg8[%get3A_178, %get3A_179] {strides = array<i32>} : memref<40x128xf32, #tpu.memory_space<vmem>>, vector<16xf32>,
      tpu.vector_store_idx %arg13[%shift_right_logical3A_171, %and3A_174], %get3A_180 {add = true} : memref<79x128xf32, #tpu.memory_space<vmem>>[vector<16xi32>, vector<16xi32>], vector<16xf32>,
      %get3A_181 = arith.index_cast %scan3A_120 : i32 to index
      %get3A_182 = arith.constant 32 : index
      %get3A_183 = tpu.vector_load %arg9[%get3A_181, %get3A_182] {strides = array<i32>} : memref<40x128xf32, #tpu.memory_space<vmem>>, vector<16xf32>,
      tpu.vector_store_idx %arg14[%shift_right_logical3A_171, %and3A_174], %get3A_183 {add = true} : memref<79x128xf32, #tpu.memory_space<vmem>>[vector<16xi32>, vector<16xi32>], vector<16xf32>,
      %get3A_184 = arith.index_cast %scan3A_120 : i32 to index
      %get3A_185 = arith.constant 32 : index
      %get3A_186 = tpu.vector_load %arg10[%get3A_184, %get3A_185] {strides = array<i32>} : memref<40x128xf32, #tpu.memory_space<vmem>>, vector<16xf32>,
      tpu.vector_store_idx %arg15[%shift_right_logical3A_171, %and3A_174], %get3A_186 {add = true} : memref<79x128xf32, #tpu.memory_space<vmem>>[vector<16xi32>, vector<16xi32>], vector<16xf32>,
      %get3A_187 = arith.index_cast %scan3A_120 : i32 to index
      %get3A_188 = arith.constant 32 : index
      %get3A_189 = tpu.vector_load %arg11[%get3A_187, %get3A_188] {strides = array<i32>} : memref<40x128xf32, #tpu.memory_space<vmem>>, vector<16xf32>,
      tpu.vector_store_idx %arg16[%shift_right_logical3A_171, %and3A_174], %get3A_189 {add = true} : memref<79x128xf32, #tpu.memory_space<vmem>>[vector<16xi32>, vector<16xi32>], vector<16xf32>,
      %get3A_190 = arith.index_cast %scan3A_120 : i32 to index
      %get3A_191 = arith.constant 48 : index
      %get3A_192 = tpu.vector_load %arg6[%get3A_190, %get3A_191] {strides = array<i32>} : memref<40x128xi32, #tpu.memory_space<vmem>>, vector<16xi32>,
      %shift_right_logical3A_193 = arith.constant 7 : i32
      %shift_right_logical3A_194 = vector.broadcast %shift_right_logical3A_193 : i32 to vector<16xi32>
      %shift_right_logical3A_195 = arith.shrui %get3A_192, %shift_right_logical3A_194 : vector<16xi32>
      %and3A_196 = arith.constant 127 : i32
      %and3A_197 = vector.broadcast %and3A_196 : i32 to vector<16xi32>
      %and3A_198 = arith.andi %get3A_192, %and3A_197 : vector<16xi32>
      %get3A_199 = arith.index_cast %scan3A_120 : i32 to index
      %get3A_200 = arith.constant 48 : index
      %get3A_201 = tpu.vector_load %arg7[%get3A_199, %get3A_200] {strides = array<i32>} : memref<40x128xf32, #tpu.memory_space<vmem>>, vector<16xf32>,
      tpu.vector_store_idx %arg12[%shift_right_logical3A_195, %and3A_198], %get3A_201 {add = true} : memref<79x128xf32, #tpu.memory_space<vmem>>[vector<16xi32>, vector<16xi32>], vector<16xf32>,
      %get3A_202 = arith.index_cast %scan3A_120 : i32 to index
      %get3A_203 = arith.constant 48 : index
      %get3A_204 = tpu.vector_load %arg8[%get3A_202, %get3A_203] {strides = array<i32>} : memref<40x128xf32, #tpu.memory_space<vmem>>, vector<16xf32>,
      tpu.vector_store_idx %arg13[%shift_right_logical3A_195, %and3A_198], %get3A_204 {add = true} : memref<79x128xf32, #tpu.memory_space<vmem>>[vector<16xi32>, vector<16xi32>], vector<16xf32>,
      %get3A_205 = arith.index_cast %scan3A_120 : i32 to index
      %get3A_206 = arith.constant 48 : index
      %get3A_207 = tpu.vector_load %arg9[%get3A_205, %get3A_206] {strides = array<i32>} : memref<40x128xf32, #tpu.memory_space<vmem>>, vector<16xf32>,
      tpu.vector_store_idx %arg14[%shift_right_logical3A_195, %and3A_198], %get3A_207 {add = true} : memref<79x128xf32, #tpu.memory_space<vmem>>[vector<16xi32>, vector<16xi32>], vector<16xf32>,
      %get3A_208 = arith.index_cast %scan3A_120 : i32 to index
      %get3A_209 = arith.constant 48 : index
      %get3A_210 = tpu.vector_load %arg10[%get3A_208, %get3A_209] {strides = array<i32>} : memref<40x128xf32, #tpu.memory_space<vmem>>, vector<16xf32>,
      tpu.vector_store_idx %arg15[%shift_right_logical3A_195, %and3A_198], %get3A_210 {add = true} : memref<79x128xf32, #tpu.memory_space<vmem>>[vector<16xi32>, vector<16xi32>], vector<16xf32>,
      %get3A_211 = arith.index_cast %scan3A_120 : i32 to index
      %get3A_212 = arith.constant 48 : index
      %get3A_213 = tpu.vector_load %arg11[%get3A_211, %get3A_212] {strides = array<i32>} : memref<40x128xf32, #tpu.memory_space<vmem>>, vector<16xf32>,
      tpu.vector_store_idx %arg16[%shift_right_logical3A_195, %and3A_198], %get3A_213 {add = true} : memref<79x128xf32, #tpu.memory_space<vmem>>[vector<16xi32>, vector<16xi32>], vector<16xf32>,
      %get3A_214 = arith.index_cast %scan3A_120 : i32 to index
      %get3A_215 = arith.constant 64 : index
      %get3A_216 = tpu.vector_load %arg6[%get3A_214, %get3A_215] {strides = array<i32>} : memref<40x128xi32, #tpu.memory_space<vmem>>, vector<16xi32>,
      %shift_right_logical3A_217 = arith.constant 7 : i32
      %shift_right_logical3A_218 = vector.broadcast %shift_right_logical3A_217 : i32 to vector<16xi32>
      %shift_right_logical3A_219 = arith.shrui %get3A_216, %shift_right_logical3A_218 : vector<16xi32>
      %and3A_220 = arith.constant 127 : i32
      %and3A_221 = vector.broadcast %and3A_220 : i32 to vector<16xi32>
      %and3A_222 = arith.andi %get3A_216, %and3A_221 : vector<16xi32>
      %get3A_223 = arith.index_cast %scan3A_120 : i32 to index
      %get3A_224 = arith.constant 64 : index
      %get3A_225 = tpu.vector_load %arg7[%get3A_223, %get3A_224] {strides = array<i32>} : memref<40x128xf32, #tpu.memory_space<vmem>>, vector<16xf32>,
      tpu.vector_store_idx %arg12[%shift_right_logical3A_219, %and3A_222], %get3A_225 {add = true} : memref<79x128xf32, #tpu.memory_space<vmem>>[vector<16xi32>, vector<16xi32>], vector<16xf32>,
      %get3A_226 = arith.index_cast %scan3A_120 : i32 to index
      %get3A_227 = arith.constant 64 : index
      %get3A_228 = tpu.vector_load %arg8[%get3A_226, %get3A_227] {strides = array<i32>} : memref<40x128xf32, #tpu.memory_space<vmem>>, vector<16xf32>,
      tpu.vector_store_idx %arg13[%shift_right_logical3A_219, %and3A_222], %get3A_228 {add = true} : memref<79x128xf32, #tpu.memory_space<vmem>>[vector<16xi32>, vector<16xi32>], vector<16xf32>,
      %get3A_229 = arith.index_cast %scan3A_120 : i32 to index
      %get3A_230 = arith.constant 64 : index
      %get3A_231 = tpu.vector_load %arg9[%get3A_229, %get3A_230] {strides = array<i32>} : memref<40x128xf32, #tpu.memory_space<vmem>>, vector<16xf32>,
      tpu.vector_store_idx %arg14[%shift_right_logical3A_219, %and3A_222], %get3A_231 {add = true} : memref<79x128xf32, #tpu.memory_space<vmem>>[vector<16xi32>, vector<16xi32>], vector<16xf32>,
      %get3A_232 = arith.index_cast %scan3A_120 : i32 to index
      %get3A_233 = arith.constant 64 : index
      %get3A_234 = tpu.vector_load %arg10[%get3A_232, %get3A_233] {strides = array<i32>} : memref<40x128xf32, #tpu.memory_space<vmem>>, vector<16xf32>,
      tpu.vector_store_idx %arg15[%shift_right_logical3A_219, %and3A_222], %get3A_234 {add = true} : memref<79x128xf32, #tpu.memory_space<vmem>>[vector<16xi32>, vector<16xi32>], vector<16xf32>,
      %get3A_235 = arith.index_cast %scan3A_120 : i32 to index
      %get3A_236 = arith.constant 64 : index
      %get3A_237 = tpu.vector_load %arg11[%get3A_235, %get3A_236] {strides = array<i32>} : memref<40x128xf32, #tpu.memory_space<vmem>>, vector<16xf32>,
      tpu.vector_store_idx %arg16[%shift_right_logical3A_219, %and3A_222], %get3A_237 {add = true} : memref<79x128xf32, #tpu.memory_space<vmem>>[vector<16xi32>, vector<16xi32>], vector<16xf32>,
      %get3A_238 = arith.index_cast %scan3A_120 : i32 to index
      %get3A_239 = arith.constant 80 : index
      %get3A_240 = tpu.vector_load %arg6[%get3A_238, %get3A_239] {strides = array<i32>} : memref<40x128xi32, #tpu.memory_space<vmem>>, vector<16xi32>,
      %shift_right_logical3A_241 = arith.constant 7 : i32
      %shift_right_logical3A_242 = vector.broadcast %shift_right_logical3A_241 : i32 to vector<16xi32>
      %shift_right_logical3A_243 = arith.shrui %get3A_240, %shift_right_logical3A_242 : vector<16xi32>
      %and3A_244 = arith.constant 127 : i32
      %and3A_245 = vector.broadcast %and3A_244 : i32 to vector<16xi32>
      %and3A_246 = arith.andi %get3A_240, %and3A_245 : vector<16xi32>
      %get3A_247 = arith.index_cast %scan3A_120 : i32 to index
      %get3A_248 = arith.constant 80 : index
      %get3A_249 = tpu.vector_load %arg7[%get3A_247, %get3A_248] {strides = array<i32>} : memref<40x128xf32, #tpu.memory_space<vmem>>, vector<16xf32>,
      tpu.vector_store_idx %arg12[%shift_right_logical3A_243, %and3A_246], %get3A_249 {add = true} : memref<79x128xf32, #tpu.memory_space<vmem>>[vector<16xi32>, vector<16xi32>], vector<16xf32>,
      %get3A_250 = arith.index_cast %scan3A_120 : i32 to index
      %get3A_251 = arith.constant 80 : index
      %get3A_252 = tpu.vector_load %arg8[%get3A_250, %get3A_251] {strides = array<i32>} : memref<40x128xf32, #tpu.memory_space<vmem>>, vector<16xf32>,
      tpu.vector_store_idx %arg13[%shift_right_logical3A_243, %and3A_246], %get3A_252 {add = true} : memref<79x128xf32, #tpu.memory_space<vmem>>[vector<16xi32>, vector<16xi32>], vector<16xf32>,
      %get3A_253 = arith.index_cast %scan3A_120 : i32 to index
      %get3A_254 = arith.constant 80 : index
      %get3A_255 = tpu.vector_load %arg9[%get3A_253, %get3A_254] {strides = array<i32>} : memref<40x128xf32, #tpu.memory_space<vmem>>, vector<16xf32>,
      tpu.vector_store_idx %arg14[%shift_right_logical3A_243, %and3A_246], %get3A_255 {add = true} : memref<79x128xf32, #tpu.memory_space<vmem>>[vector<16xi32>, vector<16xi32>], vector<16xf32>,
      %get3A_256 = arith.index_cast %scan3A_120 : i32 to index
      %get3A_257 = arith.constant 80 : index
      %get3A_258 = tpu.vector_load %arg10[%get3A_256, %get3A_257] {strides = array<i32>} : memref<40x128xf32, #tpu.memory_space<vmem>>, vector<16xf32>,
      tpu.vector_store_idx %arg15[%shift_right_logical3A_243, %and3A_246], %get3A_258 {add = true} : memref<79x128xf32, #tpu.memory_space<vmem>>[vector<16xi32>, vector<16xi32>], vector<16xf32>,
      %get3A_259 = arith.index_cast %scan3A_120 : i32 to index
      %get3A_260 = arith.constant 80 : index
      %get3A_261 = tpu.vector_load %arg11[%get3A_259, %get3A_260] {strides = array<i32>} : memref<40x128xf32, #tpu.memory_space<vmem>>, vector<16xf32>,
      tpu.vector_store_idx %arg16[%shift_right_logical3A_243, %and3A_246], %get3A_261 {add = true} : memref<79x128xf32, #tpu.memory_space<vmem>>[vector<16xi32>, vector<16xi32>], vector<16xf32>,
      %get3A_262 = arith.index_cast %scan3A_120 : i32 to index
      %get3A_263 = arith.constant 96 : index
      %get3A_264 = tpu.vector_load %arg6[%get3A_262, %get3A_263] {strides = array<i32>} : memref<40x128xi32, #tpu.memory_space<vmem>>, vector<16xi32>,
      %shift_right_logical3A_265 = arith.constant 7 : i32
      %shift_right_logical3A_266 = vector.broadcast %shift_right_logical3A_265 : i32 to vector<16xi32>
      %shift_right_logical3A_267 = arith.shrui %get3A_264, %shift_right_logical3A_266 : vector<16xi32>
      %and3A_268 = arith.constant 127 : i32
      %and3A_269 = vector.broadcast %and3A_268 : i32 to vector<16xi32>
      %and3A_270 = arith.andi %get3A_264, %and3A_269 : vector<16xi32>
      %get3A_271 = arith.index_cast %scan3A_120 : i32 to index
      %get3A_272 = arith.constant 96 : index
      %get3A_273 = tpu.vector_load %arg7[%get3A_271, %get3A_272] {strides = array<i32>} : memref<40x128xf32, #tpu.memory_space<vmem>>, vector<16xf32>,
      tpu.vector_store_idx %arg12[%shift_right_logical3A_267, %and3A_270], %get3A_273 {add = true} : memref<79x128xf32, #tpu.memory_space<vmem>>[vector<16xi32>, vector<16xi32>], vector<16xf32>,
      %get3A_274 = arith.index_cast %scan3A_120 : i32 to index
      %get3A_275 = arith.constant 96 : index
      %get3A_276 = tpu.vector_load %arg8[%get3A_274, %get3A_275] {strides = array<i32>} : memref<40x128xf32, #tpu.memory_space<vmem>>, vector<16xf32>,
      tpu.vector_store_idx %arg13[%shift_right_logical3A_267, %and3A_270], %get3A_276 {add = true} : memref<79x128xf32, #tpu.memory_space<vmem>>[vector<16xi32>, vector<16xi32>], vector<16xf32>,
      %get3A_277 = arith.index_cast %scan3A_120 : i32 to index
      %get3A_278 = arith.constant 96 : index
      %get3A_279 = tpu.vector_load %arg9[%get3A_277, %get3A_278] {strides = array<i32>} : memref<40x128xf32, #tpu.memory_space<vmem>>, vector<16xf32>,
      tpu.vector_store_idx %arg14[%shift_right_logical3A_267, %and3A_270], %get3A_279 {add = true} : memref<79x128xf32, #tpu.memory_space<vmem>>[vector<16xi32>, vector<16xi32>], vector<16xf32>,
      %get3A_280 = arith.index_cast %scan3A_120 : i32 to index
      %get3A_281 = arith.constant 96 : index
      %get3A_282 = tpu.vector_load %arg10[%get3A_280, %get3A_281] {strides = array<i32>} : memref<40x128xf32, #tpu.memory_space<vmem>>, vector<16xf32>,
      tpu.vector_store_idx %arg15[%shift_right_logical3A_267, %and3A_270], %get3A_282 {add = true} : memref<79x128xf32, #tpu.memory_space<vmem>>[vector<16xi32>, vector<16xi32>], vector<16xf32>,
      %get3A_283 = arith.index_cast %scan3A_120 : i32 to index
      %get3A_284 = arith.constant 96 : index
      %get3A_285 = tpu.vector_load %arg11[%get3A_283, %get3A_284] {strides = array<i32>} : memref<40x128xf32, #tpu.memory_space<vmem>>, vector<16xf32>,
      tpu.vector_store_idx %arg16[%shift_right_logical3A_267, %and3A_270], %get3A_285 {add = true} : memref<79x128xf32, #tpu.memory_space<vmem>>[vector<16xi32>, vector<16xi32>], vector<16xf32>,
      %get3A_286 = arith.index_cast %scan3A_120 : i32 to index
      %get3A_287 = arith.constant 112 : index
      %get3A_288 = tpu.vector_load %arg6[%get3A_286, %get3A_287] {strides = array<i32>} : memref<40x128xi32, #tpu.memory_space<vmem>>, vector<16xi32>,
      %shift_right_logical3A_289 = arith.constant 7 : i32
      %shift_right_logical3A_290 = vector.broadcast %shift_right_logical3A_289 : i32 to vector<16xi32>
      %shift_right_logical3A_291 = arith.shrui %get3A_288, %shift_right_logical3A_290 : vector<16xi32>
      %and3A_292 = arith.constant 127 : i32
      %and3A_293 = vector.broadcast %and3A_292 : i32 to vector<16xi32>
      %and3A_294 = arith.andi %get3A_288, %and3A_293 : vector<16xi32>
      %get3A_295 = arith.index_cast %scan3A_120 : i32 to index
      %get3A_296 = arith.constant 112 : index
      %get3A_297 = tpu.vector_load %arg7[%get3A_295, %get3A_296] {strides = array<i32>} : memref<40x128xf32, #tpu.memory_space<vmem>>, vector<16xf32>,
      tpu.vector_store_idx %arg12[%shift_right_logical3A_291, %and3A_294], %get3A_297 {add = true} : memref<79x128xf32, #tpu.memory_space<vmem>>[vector<16xi32>, vector<16xi32>], vector<16xf32>,
      %get3A_298 = arith.index_cast %scan3A_120 : i32 to index
      %get3A_299 = arith.constant 112 : index
      %get3A_300 = tpu.vector_load %arg8[%get3A_298, %get3A_299] {strides = array<i32>} : memref<40x128xf32, #tpu.memory_space<vmem>>, vector<16xf32>,
      tpu.vector_store_idx %arg13[%shift_right_logical3A_291, %and3A_294], %get3A_300 {add = true} : memref<79x128xf32, #tpu.memory_space<vmem>>[vector<16xi32>, vector<16xi32>], vector<16xf32>,
      %get3A_301 = arith.index_cast %scan3A_120 : i32 to index
      %get3A_302 = arith.constant 112 : index
      %get3A_303 = tpu.vector_load %arg9[%get3A_301, %get3A_302] {strides = array<i32>} : memref<40x128xf32, #tpu.memory_space<vmem>>, vector<16xf32>,
      tpu.vector_store_idx %arg14[%shift_right_logical3A_291, %and3A_294], %get3A_303 {add = true} : memref<79x128xf32, #tpu.memory_space<vmem>>[vector<16xi32>, vector<16xi32>], vector<16xf32>,
      %get3A_304 = arith.index_cast %scan3A_120 : i32 to index
      %get3A_305 = arith.constant 112 : index
      %get3A_306 = tpu.vector_load %arg10[%get3A_304, %get3A_305] {strides = array<i32>} : memref<40x128xf32, #tpu.memory_space<vmem>>, vector<16xf32>,
      tpu.vector_store_idx %arg15[%shift_right_logical3A_291, %and3A_294], %get3A_306 {add = true} : memref<79x128xf32, #tpu.memory_space<vmem>>[vector<16xi32>, vector<16xi32>], vector<16xf32>,
      %get3A_307 = arith.index_cast %scan3A_120 : i32 to index
      %get3A_308 = arith.constant 112 : index
      %get3A_309 = tpu.vector_load %arg11[%get3A_307, %get3A_308] {strides = array<i32>} : memref<40x128xf32, #tpu.memory_space<vmem>>, vector<16xf32>,
      tpu.vector_store_idx %arg16[%shift_right_logical3A_291, %and3A_294], %get3A_309 {add = true} : memref<79x128xf32, #tpu.memory_space<vmem>>[vector<16xi32>, vector<16xi32>], vector<16xf32>,
    }
    %scan3A_99 = arith.constant 40 : i32
    %mul3A_100 = arith.constant 5 : i32
    %mul3A_101 = arith.muli %add3A, %mul3A_100 : i32
    %add3A_102 = arith.constant 0 : i32
    %add3A_103 = arith.addi %mul3A_101, %add3A_102 : i32
    "tpu.region"() ({
      %run_scoped3A = tpu.sem_alloc : memref<!tpu.dma_semaphore, #tpu.memory_space<semaphore_mem>>
      %dma_start3A = arith.constant 0 : i32
      %dma_start3A_120 = arith.constant 0 : i32
      %dma_start3A_121 = tpu.memref_slice %arg5[%add3A_103, %dma_start3A, %dma_start3A_120] : memref<160x79x128xf32, #tpu.memory_space<hbm>> -> memref<1x79x128xf32, #tpu.memory_space<hbm>>
      %dma_start3A_122 = tpu.memref_squeeze %dma_start3A_121 : memref<1x79x128xf32, #tpu.memory_space<hbm>> -> memref<79x128xf32, #tpu.memory_space<hbm>>
      %dma_start3A_123 = arith.constant 0 : i32
      %dma_start3A_124 = arith.constant 0 : i32
      %dma_start3A_125 = tpu.memref_slice %arg5[%add3A_103, %dma_start3A_123, %dma_start3A_124] : memref<160x79x128xf32, #tpu.memory_space<hbm>> -> memref<1x79x128xf32, #tpu.memory_space<hbm>>
      %dma_start3A_126 = tpu.memref_squeeze %dma_start3A_125 : memref<1x79x128xf32, #tpu.memory_space<hbm>> -> memref<79x128xf32, #tpu.memory_space<hbm>>
      tpu.enqueue_dma source(%arg12 : memref<79x128xf32, #tpu.memory_space<vmem>>) target(%dma_start3A_126 : memref<79x128xf32, #tpu.memory_space<hbm>>) target_semaphore(%run_scoped3A : memref<!tpu.dma_semaphore, #tpu.memory_space<semaphore_mem>>)
      %dma_wait3A = arith.constant 0 : i32
      %dma_wait3A_127 = arith.constant 0 : i32
      %dma_wait3A_128 = tpu.memref_slice %arg5[%add3A_103, %dma_wait3A, %dma_wait3A_127] : memref<160x79x128xf32, #tpu.memory_space<hbm>> -> memref<1x79x128xf32, #tpu.memory_space<hbm>>
      %dma_wait3A_129 = tpu.memref_squeeze %dma_wait3A_128 : memref<1x79x128xf32, #tpu.memory_space<hbm>> -> memref<79x128xf32, #tpu.memory_space<hbm>>
      %dma_wait3A_130 = arith.constant 0 : i32
      %dma_wait3A_131 = arith.constant 0 : i32
      %dma_wait3A_132 = tpu.memref_slice %arg5[%add3A_103, %dma_wait3A_130, %dma_wait3A_131] : memref<160x79x128xf32, #tpu.memory_space<hbm>> -> memref<1x79x128xf32, #tpu.memory_space<hbm>>
      %dma_wait3A_133 = tpu.memref_squeeze %dma_wait3A_132 : memref<1x79x128xf32, #tpu.memory_space<hbm>> -> memref<79x128xf32, #tpu.memory_space<hbm>>
      tpu.wait_dma2 semaphore(%run_scoped3A : memref<!tpu.dma_semaphore, #tpu.memory_space<semaphore_mem>>) src(%arg12 : memref<79x128xf32, #tpu.memory_space<vmem>>) dst(%dma_wait3A_133 : memref<79x128xf32, #tpu.memory_space<hbm>>)
      tpu.yield
    }) : () -> ()
    %mul3A_104 = arith.constant 5 : i32
    %mul3A_105 = arith.muli %add3A, %mul3A_104 : i32
    %add3A_106 = arith.constant 1 : i32
    %add3A_107 = arith.addi %mul3A_105, %add3A_106 : i32
    "tpu.region"() ({
      %run_scoped3A = tpu.sem_alloc : memref<!tpu.dma_semaphore, #tpu.memory_space<semaphore_mem>>
      %dma_start3A = arith.constant 0 : i32
      %dma_start3A_120 = arith.constant 0 : i32
      %dma_start3A_121 = tpu.memref_slice %arg5[%add3A_107, %dma_start3A, %dma_start3A_120] : memref<160x79x128xf32, #tpu.memory_space<hbm>> -> memref<1x79x128xf32, #tpu.memory_space<hbm>>
      %dma_start3A_122 = tpu.memref_squeeze %dma_start3A_121 : memref<1x79x128xf32, #tpu.memory_space<hbm>> -> memref<79x128xf32, #tpu.memory_space<hbm>>
      %dma_start3A_123 = arith.constant 0 : i32
      %dma_start3A_124 = arith.constant 0 : i32
      %dma_start3A_125 = tpu.memref_slice %arg5[%add3A_107, %dma_start3A_123, %dma_start3A_124] : memref<160x79x128xf32, #tpu.memory_space<hbm>> -> memref<1x79x128xf32, #tpu.memory_space<hbm>>
      %dma_start3A_126 = tpu.memref_squeeze %dma_start3A_125 : memref<1x79x128xf32, #tpu.memory_space<hbm>> -> memref<79x128xf32, #tpu.memory_space<hbm>>
      tpu.enqueue_dma source(%arg13 : memref<79x128xf32, #tpu.memory_space<vmem>>) target(%dma_start3A_126 : memref<79x128xf32, #tpu.memory_space<hbm>>) target_semaphore(%run_scoped3A : memref<!tpu.dma_semaphore, #tpu.memory_space<semaphore_mem>>)
      %dma_wait3A = arith.constant 0 : i32
      %dma_wait3A_127 = arith.constant 0 : i32
      %dma_wait3A_128 = tpu.memref_slice %arg5[%add3A_107, %dma_wait3A, %dma_wait3A_127] : memref<160x79x128xf32, #tpu.memory_space<hbm>> -> memref<1x79x128xf32, #tpu.memory_space<hbm>>
      %dma_wait3A_129 = tpu.memref_squeeze %dma_wait3A_128 : memref<1x79x128xf32, #tpu.memory_space<hbm>> -> memref<79x128xf32, #tpu.memory_space<hbm>>
      %dma_wait3A_130 = arith.constant 0 : i32
      %dma_wait3A_131 = arith.constant 0 : i32
      %dma_wait3A_132 = tpu.memref_slice %arg5[%add3A_107, %dma_wait3A_130, %dma_wait3A_131] : memref<160x79x128xf32, #tpu.memory_space<hbm>> -> memref<1x79x128xf32, #tpu.memory_space<hbm>>
      %dma_wait3A_133 = tpu.memref_squeeze %dma_wait3A_132 : memref<1x79x128xf32, #tpu.memory_space<hbm>> -> memref<79x128xf32, #tpu.memory_space<hbm>>
      tpu.wait_dma2 semaphore(%run_scoped3A : memref<!tpu.dma_semaphore, #tpu.memory_space<semaphore_mem>>) src(%arg13 : memref<79x128xf32, #tpu.memory_space<vmem>>) dst(%dma_wait3A_133 : memref<79x128xf32, #tpu.memory_space<hbm>>)
      tpu.yield
    }) : () -> ()
    %mul3A_108 = arith.constant 5 : i32
    %mul3A_109 = arith.muli %add3A, %mul3A_108 : i32
    %add3A_110 = arith.constant 2 : i32
    %add3A_111 = arith.addi %mul3A_109, %add3A_110 : i32
    "tpu.region"() ({
      %run_scoped3A = tpu.sem_alloc : memref<!tpu.dma_semaphore, #tpu.memory_space<semaphore_mem>>
      %dma_start3A = arith.constant 0 : i32
      %dma_start3A_120 = arith.constant 0 : i32
      %dma_start3A_121 = tpu.memref_slice %arg5[%add3A_111, %dma_start3A, %dma_start3A_120] : memref<160x79x128xf32, #tpu.memory_space<hbm>> -> memref<1x79x128xf32, #tpu.memory_space<hbm>>
      %dma_start3A_122 = tpu.memref_squeeze %dma_start3A_121 : memref<1x79x128xf32, #tpu.memory_space<hbm>> -> memref<79x128xf32, #tpu.memory_space<hbm>>
      %dma_start3A_123 = arith.constant 0 : i32
      %dma_start3A_124 = arith.constant 0 : i32
      %dma_start3A_125 = tpu.memref_slice %arg5[%add3A_111, %dma_start3A_123, %dma_start3A_124] : memref<160x79x128xf32, #tpu.memory_space<hbm>> -> memref<1x79x128xf32, #tpu.memory_space<hbm>>
      %dma_start3A_126 = tpu.memref_squeeze %dma_start3A_125 : memref<1x79x128xf32, #tpu.memory_space<hbm>> -> memref<79x128xf32, #tpu.memory_space<hbm>>
      tpu.enqueue_dma source(%arg14 : memref<79x128xf32, #tpu.memory_space<vmem>>) target(%dma_start3A_126 : memref<79x128xf32, #tpu.memory_space<hbm>>) target_semaphore(%run_scoped3A : memref<!tpu.dma_semaphore, #tpu.memory_space<semaphore_mem>>)
      %dma_wait3A = arith.constant 0 : i32
      %dma_wait3A_127 = arith.constant 0 : i32
      %dma_wait3A_128 = tpu.memref_slice %arg5[%add3A_111, %dma_wait3A, %dma_wait3A_127] : memref<160x79x128xf32, #tpu.memory_space<hbm>> -> memref<1x79x128xf32, #tpu.memory_space<hbm>>
      %dma_wait3A_129 = tpu.memref_squeeze %dma_wait3A_128 : memref<1x79x128xf32, #tpu.memory_space<hbm>> -> memref<79x128xf32, #tpu.memory_space<hbm>>
      %dma_wait3A_130 = arith.constant 0 : i32
      %dma_wait3A_131 = arith.constant 0 : i32
      %dma_wait3A_132 = tpu.memref_slice %arg5[%add3A_111, %dma_wait3A_130, %dma_wait3A_131] : memref<160x79x128xf32, #tpu.memory_space<hbm>> -> memref<1x79x128xf32, #tpu.memory_space<hbm>>
      %dma_wait3A_133 = tpu.memref_squeeze %dma_wait3A_132 : memref<1x79x128xf32, #tpu.memory_space<hbm>> -> memref<79x128xf32, #tpu.memory_space<hbm>>
      tpu.wait_dma2 semaphore(%run_scoped3A : memref<!tpu.dma_semaphore, #tpu.memory_space<semaphore_mem>>) src(%arg14 : memref<79x128xf32, #tpu.memory_space<vmem>>) dst(%dma_wait3A_133 : memref<79x128xf32, #tpu.memory_space<hbm>>)
      tpu.yield
    }) : () -> ()
    %mul3A_112 = arith.constant 5 : i32
    %mul3A_113 = arith.muli %add3A, %mul3A_112 : i32
    %add3A_114 = arith.constant 3 : i32
    %add3A_115 = arith.addi %mul3A_113, %add3A_114 : i32
    "tpu.region"() ({
      %run_scoped3A = tpu.sem_alloc : memref<!tpu.dma_semaphore, #tpu.memory_space<semaphore_mem>>
      %dma_start3A = arith.constant 0 : i32
      %dma_start3A_120 = arith.constant 0 : i32
      %dma_start3A_121 = tpu.memref_slice %arg5[%add3A_115, %dma_start3A, %dma_start3A_120] : memref<160x79x128xf32, #tpu.memory_space<hbm>> -> memref<1x79x128xf32, #tpu.memory_space<hbm>>
      %dma_start3A_122 = tpu.memref_squeeze %dma_start3A_121 : memref<1x79x128xf32, #tpu.memory_space<hbm>> -> memref<79x128xf32, #tpu.memory_space<hbm>>
      %dma_start3A_123 = arith.constant 0 : i32
      %dma_start3A_124 = arith.constant 0 : i32
      %dma_start3A_125 = tpu.memref_slice %arg5[%add3A_115, %dma_start3A_123, %dma_start3A_124] : memref<160x79x128xf32, #tpu.memory_space<hbm>> -> memref<1x79x128xf32, #tpu.memory_space<hbm>>
      %dma_start3A_126 = tpu.memref_squeeze %dma_start3A_125 : memref<1x79x128xf32, #tpu.memory_space<hbm>> -> memref<79x128xf32, #tpu.memory_space<hbm>>
      tpu.enqueue_dma source(%arg15 : memref<79x128xf32, #tpu.memory_space<vmem>>) target(%dma_start3A_126 : memref<79x128xf32, #tpu.memory_space<hbm>>) target_semaphore(%run_scoped3A : memref<!tpu.dma_semaphore, #tpu.memory_space<semaphore_mem>>)
      %dma_wait3A = arith.constant 0 : i32
      %dma_wait3A_127 = arith.constant 0 : i32
      %dma_wait3A_128 = tpu.memref_slice %arg5[%add3A_115, %dma_wait3A, %dma_wait3A_127] : memref<160x79x128xf32, #tpu.memory_space<hbm>> -> memref<1x79x128xf32, #tpu.memory_space<hbm>>
      %dma_wait3A_129 = tpu.memref_squeeze %dma_wait3A_128 : memref<1x79x128xf32, #tpu.memory_space<hbm>> -> memref<79x128xf32, #tpu.memory_space<hbm>>
      %dma_wait3A_130 = arith.constant 0 : i32
      %dma_wait3A_131 = arith.constant 0 : i32
      %dma_wait3A_132 = tpu.memref_slice %arg5[%add3A_115, %dma_wait3A_130, %dma_wait3A_131] : memref<160x79x128xf32, #tpu.memory_space<hbm>> -> memref<1x79x128xf32, #tpu.memory_space<hbm>>
      %dma_wait3A_133 = tpu.memref_squeeze %dma_wait3A_132 : memref<1x79x128xf32, #tpu.memory_space<hbm>> -> memref<79x128xf32, #tpu.memory_space<hbm>>
      tpu.wait_dma2 semaphore(%run_scoped3A : memref<!tpu.dma_semaphore, #tpu.memory_space<semaphore_mem>>) src(%arg15 : memref<79x128xf32, #tpu.memory_space<vmem>>) dst(%dma_wait3A_133 : memref<79x128xf32, #tpu.memory_space<hbm>>)
      tpu.yield
    }) : () -> ()
    %mul3A_116 = arith.constant 5 : i32
    %mul3A_117 = arith.muli %add3A, %mul3A_116 : i32
    %add3A_118 = arith.constant 4 : i32
    %add3A_119 = arith.addi %mul3A_117, %add3A_118 : i32
    "tpu.region"() ({
      %run_scoped3A = tpu.sem_alloc : memref<!tpu.dma_semaphore, #tpu.memory_space<semaphore_mem>>
      %dma_start3A = arith.constant 0 : i32
      %dma_start3A_120 = arith.constant 0 : i32
      %dma_start3A_121 = tpu.memref_slice %arg5[%add3A_119, %dma_start3A, %dma_start3A_120] : memref<160x79x128xf32, #tpu.memory_space<hbm>> -> memref<1x79x128xf32, #tpu.memory_space<hbm>>
      %dma_start3A_122 = tpu.memref_squeeze %dma_start3A_121 : memref<1x79x128xf32, #tpu.memory_space<hbm>> -> memref<79x128xf32, #tpu.memory_space<hbm>>
      %dma_start3A_123 = arith.constant 0 : i32
      %dma_start3A_124 = arith.constant 0 : i32
      %dma_start3A_125 = tpu.memref_slice %arg5[%add3A_119, %dma_start3A_123, %dma_start3A_124] : memref<160x79x128xf32, #tpu.memory_space<hbm>> -> memref<1x79x128xf32, #tpu.memory_space<hbm>>
      %dma_start3A_126 = tpu.memref_squeeze %dma_start3A_125 : memref<1x79x128xf32, #tpu.memory_space<hbm>> -> memref<79x128xf32, #tpu.memory_space<hbm>>
      tpu.enqueue_dma source(%arg16 : memref<79x128xf32, #tpu.memory_space<vmem>>) target(%dma_start3A_126 : memref<79x128xf32, #tpu.memory_space<hbm>>) target_semaphore(%run_scoped3A : memref<!tpu.dma_semaphore, #tpu.memory_space<semaphore_mem>>)
      %dma_wait3A = arith.constant 0 : i32
      %dma_wait3A_127 = arith.constant 0 : i32
      %dma_wait3A_128 = tpu.memref_slice %arg5[%add3A_119, %dma_wait3A, %dma_wait3A_127] : memref<160x79x128xf32, #tpu.memory_space<hbm>> -> memref<1x79x128xf32, #tpu.memory_space<hbm>>
      %dma_wait3A_129 = tpu.memref_squeeze %dma_wait3A_128 : memref<1x79x128xf32, #tpu.memory_space<hbm>> -> memref<79x128xf32, #tpu.memory_space<hbm>>
      %dma_wait3A_130 = arith.constant 0 : i32
      %dma_wait3A_131 = arith.constant 0 : i32
      %dma_wait3A_132 = tpu.memref_slice %arg5[%add3A_119, %dma_wait3A_130, %dma_wait3A_131] : memref<160x79x128xf32, #tpu.memory_space<hbm>> -> memref<1x79x128xf32, #tpu.memory_space<hbm>>
      %dma_wait3A_133 = tpu.memref_squeeze %dma_wait3A_132 : memref<1x79x128xf32, #tpu.memory_space<hbm>> -> memref<79x128xf32, #tpu.memory_space<hbm>>
      tpu.wait_dma2 semaphore(%run_scoped3A : memref<!tpu.dma_semaphore, #tpu.memory_space<semaphore_mem>>) src(%arg16 : memref<79x128xf32, #tpu.memory_space<vmem>>) dst(%dma_wait3A_133 : memref<79x128xf32, #tpu.memory_space<hbm>>)
      tpu.yield
    }) : () -> ()
    return
  }
}

#map = affine_map<(d0, d1) -> (0, 0)>
#map1 = affine_map<(d0, d1) -> (0, 0, 0)>
module attributes {stable_mosaic.version = 14 : i64} {
  func.func @_spmm_body(%arg0: i32, %arg1: i32, %arg2: memref<10000x128xf32, #tpu.memory_space<hbm>>, %arg3: memref<64x40x128xi32, #tpu.memory_space<hbm>>, %arg4: memref<64x40x128xi32, #tpu.memory_space<hbm>>, %arg5: memref<2x10112x128xf32, #tpu.memory_space<hbm>>, %arg6: memref<40x128xi32, #tpu.memory_space<vmem>>, %arg7: memref<40x128xi32, #tpu.memory_space<vmem>>, %arg8: memref<128x128xf32, #tpu.memory_space<vmem>>, %arg9: memref<128x128xf32, #tpu.memory_space<vmem>>, %arg10: memref<10112x128xf32, #tpu.memory_space<vmem_shared>>, %arg11: memref<!tpu.dma_semaphore, #tpu.memory_space<semaphore_mem>>, %arg12: memref<!tpu.dma_semaphore, #tpu.memory_space<semaphore_mem>>) attributes {dimension_semantics = [#tpu.dimension_semantics<core_parallel>, #tpu.dimension_semantics<subcore_parallel>], iteration_bounds = array<i64: 2, 16>, scalar_prefetch = 0 : i64, scratch_operands = 7 : i64, tpu.core_type = #tpu.core_type<sc_vector_subcore>, window_params = [{transform_indices = #map}, {transform_indices = #map1}, {transform_indices = #map1}, {transform_indices = #map1}]} {
    %mul3A = arith.constant 16 : i32
    %mul3A_0 = arith.muli %arg0, %mul3A : i32
    %add3A = arith.addi %mul3A_0, %arg1 : i32
    %mul3A_1 = arith.constant 632 : i32
    %mul3A_2 = arith.muli %arg1, %mul3A_1 : i32
    %scan3A = arith.constant 0 : i32
    %scan3A_3 = arith.constant 0 : i32
    %scan3A_4 = arith.constant 128 : i32
    %scan3A_5 = arith.addi %scan3A_3, %scan3A_4 : i32
    %scan3A_6 = arith.constant 1 : i32
    scf.for %scan3A_97 = %scan3A_3 to %scan3A_5 step %scan3A_6  : i32 {
      %broadcast_in_dim3A = arith.constant 0.000000e+00 : f32
      %broadcast_in_dim3A_98 = vector.broadcast %broadcast_in_dim3A : f32 to vector<16xf32>
      %swap3A = arith.index_cast %scan3A_97 : i32 to index
      %swap3A_99 = arith.constant 0 : index
      %swap3A_100 = tpu.vector_load %arg8[%swap3A, %swap3A_99] {strides = array<i32>} : memref<128x128xf32, #tpu.memory_space<vmem>>, vector<1x16xf32>,
      %swap3A_101 = vector.shape_cast %swap3A_100 : vector<1x16xf32> to vector<16xf32>
      %swap3A_102 = vector.shape_cast %broadcast_in_dim3A_98 : vector<16xf32> to vector<1x16xf32>
      tpu.vector_store %arg8[%swap3A, %swap3A_99], %swap3A_102 {strides = array<i32>} : memref<128x128xf32, #tpu.memory_space<vmem>>, vector<1x16xf32>,
      %broadcast_in_dim3A_103 = arith.constant 0.000000e+00 : f32
      %broadcast_in_dim3A_104 = vector.broadcast %broadcast_in_dim3A_103 : f32 to vector<16xf32>
      %swap3A_105 = arith.index_cast %scan3A_97 : i32 to index
      %swap3A_106 = arith.constant 16 : index
      %swap3A_107 = tpu.vector_load %arg8[%swap3A_105, %swap3A_106] {strides = array<i32>} : memref<128x128xf32, #tpu.memory_space<vmem>>, vector<1x16xf32>,
      %swap3A_108 = vector.shape_cast %swap3A_107 : vector<1x16xf32> to vector<16xf32>
      %swap3A_109 = vector.shape_cast %broadcast_in_dim3A_104 : vector<16xf32> to vector<1x16xf32>
      tpu.vector_store %arg8[%swap3A_105, %swap3A_106], %swap3A_109 {strides = array<i32>} : memref<128x128xf32, #tpu.memory_space<vmem>>, vector<1x16xf32>,
      %broadcast_in_dim3A_110 = arith.constant 0.000000e+00 : f32
      %broadcast_in_dim3A_111 = vector.broadcast %broadcast_in_dim3A_110 : f32 to vector<16xf32>
      %swap3A_112 = arith.index_cast %scan3A_97 : i32 to index
      %swap3A_113 = arith.constant 32 : index
      %swap3A_114 = tpu.vector_load %arg8[%swap3A_112, %swap3A_113] {strides = array<i32>} : memref<128x128xf32, #tpu.memory_space<vmem>>, vector<1x16xf32>,
      %swap3A_115 = vector.shape_cast %swap3A_114 : vector<1x16xf32> to vector<16xf32>
      %swap3A_116 = vector.shape_cast %broadcast_in_dim3A_111 : vector<16xf32> to vector<1x16xf32>
      tpu.vector_store %arg8[%swap3A_112, %swap3A_113], %swap3A_116 {strides = array<i32>} : memref<128x128xf32, #tpu.memory_space<vmem>>, vector<1x16xf32>,
      %broadcast_in_dim3A_117 = arith.constant 0.000000e+00 : f32
      %broadcast_in_dim3A_118 = vector.broadcast %broadcast_in_dim3A_117 : f32 to vector<16xf32>
      %swap3A_119 = arith.index_cast %scan3A_97 : i32 to index
      %swap3A_120 = arith.constant 48 : index
      %swap3A_121 = tpu.vector_load %arg8[%swap3A_119, %swap3A_120] {strides = array<i32>} : memref<128x128xf32, #tpu.memory_space<vmem>>, vector<1x16xf32>,
      %swap3A_122 = vector.shape_cast %swap3A_121 : vector<1x16xf32> to vector<16xf32>
      %swap3A_123 = vector.shape_cast %broadcast_in_dim3A_118 : vector<16xf32> to vector<1x16xf32>
      tpu.vector_store %arg8[%swap3A_119, %swap3A_120], %swap3A_123 {strides = array<i32>} : memref<128x128xf32, #tpu.memory_space<vmem>>, vector<1x16xf32>,
      %broadcast_in_dim3A_124 = arith.constant 0.000000e+00 : f32
      %broadcast_in_dim3A_125 = vector.broadcast %broadcast_in_dim3A_124 : f32 to vector<16xf32>
      %swap3A_126 = arith.index_cast %scan3A_97 : i32 to index
      %swap3A_127 = arith.constant 64 : index
      %swap3A_128 = tpu.vector_load %arg8[%swap3A_126, %swap3A_127] {strides = array<i32>} : memref<128x128xf32, #tpu.memory_space<vmem>>, vector<1x16xf32>,
      %swap3A_129 = vector.shape_cast %swap3A_128 : vector<1x16xf32> to vector<16xf32>
      %swap3A_130 = vector.shape_cast %broadcast_in_dim3A_125 : vector<16xf32> to vector<1x16xf32>
      tpu.vector_store %arg8[%swap3A_126, %swap3A_127], %swap3A_130 {strides = array<i32>} : memref<128x128xf32, #tpu.memory_space<vmem>>, vector<1x16xf32>,
      %broadcast_in_dim3A_131 = arith.constant 0.000000e+00 : f32
      %broadcast_in_dim3A_132 = vector.broadcast %broadcast_in_dim3A_131 : f32 to vector<16xf32>
      %swap3A_133 = arith.index_cast %scan3A_97 : i32 to index
      %swap3A_134 = arith.constant 80 : index
      %swap3A_135 = tpu.vector_load %arg8[%swap3A_133, %swap3A_134] {strides = array<i32>} : memref<128x128xf32, #tpu.memory_space<vmem>>, vector<1x16xf32>,
      %swap3A_136 = vector.shape_cast %swap3A_135 : vector<1x16xf32> to vector<16xf32>
      %swap3A_137 = vector.shape_cast %broadcast_in_dim3A_132 : vector<16xf32> to vector<1x16xf32>
      tpu.vector_store %arg8[%swap3A_133, %swap3A_134], %swap3A_137 {strides = array<i32>} : memref<128x128xf32, #tpu.memory_space<vmem>>, vector<1x16xf32>,
      %broadcast_in_dim3A_138 = arith.constant 0.000000e+00 : f32
      %broadcast_in_dim3A_139 = vector.broadcast %broadcast_in_dim3A_138 : f32 to vector<16xf32>
      %swap3A_140 = arith.index_cast %scan3A_97 : i32 to index
      %swap3A_141 = arith.constant 96 : index
      %swap3A_142 = tpu.vector_load %arg8[%swap3A_140, %swap3A_141] {strides = array<i32>} : memref<128x128xf32, #tpu.memory_space<vmem>>, vector<1x16xf32>,
      %swap3A_143 = vector.shape_cast %swap3A_142 : vector<1x16xf32> to vector<16xf32>
      %swap3A_144 = vector.shape_cast %broadcast_in_dim3A_139 : vector<16xf32> to vector<1x16xf32>
      tpu.vector_store %arg8[%swap3A_140, %swap3A_141], %swap3A_144 {strides = array<i32>} : memref<128x128xf32, #tpu.memory_space<vmem>>, vector<1x16xf32>,
      %broadcast_in_dim3A_145 = arith.constant 0.000000e+00 : f32
      %broadcast_in_dim3A_146 = vector.broadcast %broadcast_in_dim3A_145 : f32 to vector<16xf32>
      %swap3A_147 = arith.index_cast %scan3A_97 : i32 to index
      %swap3A_148 = arith.constant 112 : index
      %swap3A_149 = tpu.vector_load %arg8[%swap3A_147, %swap3A_148] {strides = array<i32>} : memref<128x128xf32, #tpu.memory_space<vmem>>, vector<1x16xf32>,
      %swap3A_150 = vector.shape_cast %swap3A_149 : vector<1x16xf32> to vector<16xf32>
      %swap3A_151 = vector.shape_cast %broadcast_in_dim3A_146 : vector<16xf32> to vector<1x16xf32>
      tpu.vector_store %arg8[%swap3A_147, %swap3A_148], %swap3A_151 {strides = array<i32>} : memref<128x128xf32, #tpu.memory_space<vmem>>, vector<1x16xf32>,
    }
    %scan3A_7 = arith.constant 128 : i32
    %add3A_8 = arith.constant 0 : i32
    %add3A_9 = arith.addi %mul3A_2, %add3A_8 : i32
    %dma_start3A = arith.constant 0 : i32
    %dma_start3A_10 = tpu.memref_slice %arg10[%add3A_9, %dma_start3A] : memref<10112x128xf32, #tpu.memory_space<vmem_shared>> -> memref<128x128xf32, #tpu.memory_space<vmem_shared>>
    %dma_start3A_11 = arith.constant 0 : i32
    %dma_start3A_12 = tpu.memref_slice %arg10[%add3A_9, %dma_start3A_11] : memref<10112x128xf32, #tpu.memory_space<vmem_shared>> -> memref<128x128xf32, #tpu.memory_space<vmem_shared>>
    tpu.enqueue_dma source(%arg8 : memref<128x128xf32, #tpu.memory_space<vmem>>) target(%dma_start3A_12 : memref<128x128xf32, #tpu.memory_space<vmem_shared>>) target_semaphore(%arg11 : memref<!tpu.dma_semaphore, #tpu.memory_space<semaphore_mem>>)
    %add3A_13 = arith.constant 128 : i32
    %add3A_14 = arith.addi %mul3A_2, %add3A_13 : i32
    %dma_start3A_15 = arith.constant 0 : i32
    %dma_start3A_16 = tpu.memref_slice %arg10[%add3A_14, %dma_start3A_15] : memref<10112x128xf32, #tpu.memory_space<vmem_shared>> -> memref<128x128xf32, #tpu.memory_space<vmem_shared>>
    %dma_start3A_17 = arith.constant 0 : i32
    %dma_start3A_18 = tpu.memref_slice %arg10[%add3A_14, %dma_start3A_17] : memref<10112x128xf32, #tpu.memory_space<vmem_shared>> -> memref<128x128xf32, #tpu.memory_space<vmem_shared>>
    tpu.enqueue_dma source(%arg8 : memref<128x128xf32, #tpu.memory_space<vmem>>) target(%dma_start3A_18 : memref<128x128xf32, #tpu.memory_space<vmem_shared>>) target_semaphore(%arg11 : memref<!tpu.dma_semaphore, #tpu.memory_space<semaphore_mem>>)
    %add3A_19 = arith.constant 256 : i32
    %add3A_20 = arith.addi %mul3A_2, %add3A_19 : i32
    %dma_start3A_21 = arith.constant 0 : i32
    %dma_start3A_22 = tpu.memref_slice %arg10[%add3A_20, %dma_start3A_21] : memref<10112x128xf32, #tpu.memory_space<vmem_shared>> -> memref<128x128xf32, #tpu.memory_space<vmem_shared>>
    %dma_start3A_23 = arith.constant 0 : i32
    %dma_start3A_24 = tpu.memref_slice %arg10[%add3A_20, %dma_start3A_23] : memref<10112x128xf32, #tpu.memory_space<vmem_shared>> -> memref<128x128xf32, #tpu.memory_space<vmem_shared>>
    tpu.enqueue_dma source(%arg8 : memref<128x128xf32, #tpu.memory_space<vmem>>) target(%dma_start3A_24 : memref<128x128xf32, #tpu.memory_space<vmem_shared>>) target_semaphore(%arg11 : memref<!tpu.dma_semaphore, #tpu.memory_space<semaphore_mem>>)
    %add3A_25 = arith.constant 384 : i32
    %add3A_26 = arith.addi %mul3A_2, %add3A_25 : i32
    %dma_start3A_27 = arith.constant 0 : i32
    %dma_start3A_28 = tpu.memref_slice %arg10[%add3A_26, %dma_start3A_27] : memref<10112x128xf32, #tpu.memory_space<vmem_shared>> -> memref<128x128xf32, #tpu.memory_space<vmem_shared>>
    %dma_start3A_29 = arith.constant 0 : i32
    %dma_start3A_30 = tpu.memref_slice %arg10[%add3A_26, %dma_start3A_29] : memref<10112x128xf32, #tpu.memory_space<vmem_shared>> -> memref<128x128xf32, #tpu.memory_space<vmem_shared>>
    tpu.enqueue_dma source(%arg8 : memref<128x128xf32, #tpu.memory_space<vmem>>) target(%dma_start3A_30 : memref<128x128xf32, #tpu.memory_space<vmem_shared>>) target_semaphore(%arg11 : memref<!tpu.dma_semaphore, #tpu.memory_space<semaphore_mem>>)
    %add3A_31 = arith.constant 512 : i32
    %add3A_32 = arith.addi %mul3A_2, %add3A_31 : i32
    %dma_start3A_33 = arith.constant 0 : i32
    %dma_start3A_34 = arith.constant 0 : i32
    %dma_start3A_35 = tpu.memref_slice %arg8[%dma_start3A_33, %dma_start3A_34] : memref<128x128xf32, #tpu.memory_space<vmem>> -> memref<120x128xf32, #tpu.memory_space<vmem>>
    %dma_start3A_36 = arith.constant 0 : i32
    %dma_start3A_37 = tpu.memref_slice %arg10[%add3A_32, %dma_start3A_36] : memref<10112x128xf32, #tpu.memory_space<vmem_shared>> -> memref<120x128xf32, #tpu.memory_space<vmem_shared>>
    %dma_start3A_38 = arith.constant 0 : i32
    %dma_start3A_39 = tpu.memref_slice %arg10[%add3A_32, %dma_start3A_38] : memref<10112x128xf32, #tpu.memory_space<vmem_shared>> -> memref<120x128xf32, #tpu.memory_space<vmem_shared>>
    %dma_start3A_40 = arith.constant 0 : i32
    %dma_start3A_41 = arith.constant 0 : i32
    %dma_start3A_42 = tpu.memref_slice %arg8[%dma_start3A_40, %dma_start3A_41] : memref<128x128xf32, #tpu.memory_space<vmem>> -> memref<120x128xf32, #tpu.memory_space<vmem>>
    tpu.enqueue_dma source(%dma_start3A_42 : memref<120x128xf32, #tpu.memory_space<vmem>>) target(%dma_start3A_39 : memref<120x128xf32, #tpu.memory_space<vmem_shared>>) target_semaphore(%arg11 : memref<!tpu.dma_semaphore, #tpu.memory_space<semaphore_mem>>)
    %dma_wait3A = arith.constant 0 : i32
    %dma_wait3A_43 = tpu.memref_slice %arg10[%add3A_9, %dma_wait3A] : memref<10112x128xf32, #tpu.memory_space<vmem_shared>> -> memref<128x128xf32, #tpu.memory_space<vmem_shared>>
    %dma_wait3A_44 = arith.constant 0 : i32
    %dma_wait3A_45 = tpu.memref_slice %arg10[%add3A_9, %dma_wait3A_44] : memref<10112x128xf32, #tpu.memory_space<vmem_shared>> -> memref<128x128xf32, #tpu.memory_space<vmem_shared>>
    tpu.wait_dma2 semaphore(%arg11 : memref<!tpu.dma_semaphore, #tpu.memory_space<semaphore_mem>>) src(%arg8 : memref<128x128xf32, #tpu.memory_space<vmem>>) dst(%dma_wait3A_45 : memref<128x128xf32, #tpu.memory_space<vmem_shared>>)
    %dma_wait3A_46 = arith.constant 0 : i32
    %dma_wait3A_47 = tpu.memref_slice %arg10[%add3A_14, %dma_wait3A_46] : memref<10112x128xf32, #tpu.memory_space<vmem_shared>> -> memref<128x128xf32, #tpu.memory_space<vmem_shared>>
    %dma_wait3A_48 = arith.constant 0 : i32
    %dma_wait3A_49 = tpu.memref_slice %arg10[%add3A_14, %dma_wait3A_48] : memref<10112x128xf32, #tpu.memory_space<vmem_shared>> -> memref<128x128xf32, #tpu.memory_space<vmem_shared>>
    tpu.wait_dma2 semaphore(%arg11 : memref<!tpu.dma_semaphore, #tpu.memory_space<semaphore_mem>>) src(%arg8 : memref<128x128xf32, #tpu.memory_space<vmem>>) dst(%dma_wait3A_49 : memref<128x128xf32, #tpu.memory_space<vmem_shared>>)
    %dma_wait3A_50 = arith.constant 0 : i32
    %dma_wait3A_51 = tpu.memref_slice %arg10[%add3A_20, %dma_wait3A_50] : memref<10112x128xf32, #tpu.memory_space<vmem_shared>> -> memref<128x128xf32, #tpu.memory_space<vmem_shared>>
    %dma_wait3A_52 = arith.constant 0 : i32
    %dma_wait3A_53 = tpu.memref_slice %arg10[%add3A_20, %dma_wait3A_52] : memref<10112x128xf32, #tpu.memory_space<vmem_shared>> -> memref<128x128xf32, #tpu.memory_space<vmem_shared>>
    tpu.wait_dma2 semaphore(%arg11 : memref<!tpu.dma_semaphore, #tpu.memory_space<semaphore_mem>>) src(%arg8 : memref<128x128xf32, #tpu.memory_space<vmem>>) dst(%dma_wait3A_53 : memref<128x128xf32, #tpu.memory_space<vmem_shared>>)
    %dma_wait3A_54 = arith.constant 0 : i32
    %dma_wait3A_55 = tpu.memref_slice %arg10[%add3A_26, %dma_wait3A_54] : memref<10112x128xf32, #tpu.memory_space<vmem_shared>> -> memref<128x128xf32, #tpu.memory_space<vmem_shared>>
    %dma_wait3A_56 = arith.constant 0 : i32
    %dma_wait3A_57 = tpu.memref_slice %arg10[%add3A_26, %dma_wait3A_56] : memref<10112x128xf32, #tpu.memory_space<vmem_shared>> -> memref<128x128xf32, #tpu.memory_space<vmem_shared>>
    tpu.wait_dma2 semaphore(%arg11 : memref<!tpu.dma_semaphore, #tpu.memory_space<semaphore_mem>>) src(%arg8 : memref<128x128xf32, #tpu.memory_space<vmem>>) dst(%dma_wait3A_57 : memref<128x128xf32, #tpu.memory_space<vmem_shared>>)
    %dma_wait3A_58 = arith.constant 0 : i32
    %dma_wait3A_59 = arith.constant 0 : i32
    %dma_wait3A_60 = tpu.memref_slice %arg8[%dma_wait3A_58, %dma_wait3A_59] : memref<128x128xf32, #tpu.memory_space<vmem>> -> memref<120x128xf32, #tpu.memory_space<vmem>>
    %dma_wait3A_61 = arith.constant 0 : i32
    %dma_wait3A_62 = tpu.memref_slice %arg10[%add3A_32, %dma_wait3A_61] : memref<10112x128xf32, #tpu.memory_space<vmem_shared>> -> memref<120x128xf32, #tpu.memory_space<vmem_shared>>
    %dma_wait3A_63 = arith.constant 0 : i32
    %dma_wait3A_64 = tpu.memref_slice %arg10[%add3A_32, %dma_wait3A_63] : memref<10112x128xf32, #tpu.memory_space<vmem_shared>> -> memref<120x128xf32, #tpu.memory_space<vmem_shared>>
    %dma_wait3A_65 = arith.constant 0 : i32
    %dma_wait3A_66 = arith.constant 0 : i32
    %dma_wait3A_67 = tpu.memref_slice %arg8[%dma_wait3A_65, %dma_wait3A_66] : memref<128x128xf32, #tpu.memory_space<vmem>> -> memref<120x128xf32, #tpu.memory_space<vmem>>
    tpu.wait_dma2 semaphore(%arg11 : memref<!tpu.dma_semaphore, #tpu.memory_space<semaphore_mem>>) src(%dma_wait3A_67 : memref<120x128xf32, #tpu.memory_space<vmem>>) dst(%dma_wait3A_64 : memref<120x128xf32, #tpu.memory_space<vmem_shared>>)
    %barrier3A = arith.constant 0 : index
    tpu.barrier barrier_id(%barrier3A)
    %mul3A_68 = arith.constant 2 : i32
    %mul3A_69 = arith.muli %add3A, %mul3A_68 : i32
    %add3A_70 = arith.constant 0 : i32
    %add3A_71 = arith.addi %mul3A_69, %add3A_70 : i32
    "tpu.region"() ({
      %run_scoped3A = tpu.sem_alloc : memref<!tpu.dma_semaphore, #tpu.memory_space<semaphore_mem>>
      %dma_start3A_97 = arith.constant 0 : i32
      %dma_start3A_98 = arith.constant 0 : i32
      %dma_start3A_99 = tpu.memref_slice %arg3[%add3A_71, %dma_start3A_97, %dma_start3A_98] : memref<64x40x128xi32, #tpu.memory_space<hbm>> -> memref<1x40x128xi32, #tpu.memory_space<hbm>>
      %dma_start3A_100 = tpu.memref_squeeze %dma_start3A_99 : memref<1x40x128xi32, #tpu.memory_space<hbm>> -> memref<40x128xi32, #tpu.memory_space<hbm>>
      %dma_start3A_101 = arith.constant 0 : i32
      %dma_start3A_102 = arith.constant 0 : i32
      %dma_start3A_103 = tpu.memref_slice %arg3[%add3A_71, %dma_start3A_101, %dma_start3A_102] : memref<64x40x128xi32, #tpu.memory_space<hbm>> -> memref<1x40x128xi32, #tpu.memory_space<hbm>>
      %dma_start3A_104 = tpu.memref_squeeze %dma_start3A_103 : memref<1x40x128xi32, #tpu.memory_space<hbm>> -> memref<40x128xi32, #tpu.memory_space<hbm>>
      tpu.enqueue_dma source(%dma_start3A_104 : memref<40x128xi32, #tpu.memory_space<hbm>>) target(%arg6 : memref<40x128xi32, #tpu.memory_space<vmem>>) target_semaphore(%run_scoped3A : memref<!tpu.dma_semaphore, #tpu.memory_space<semaphore_mem>>)
      %dma_wait3A_105 = arith.constant 0 : i32
      %dma_wait3A_106 = arith.constant 0 : i32
      %dma_wait3A_107 = tpu.memref_slice %arg3[%add3A_71, %dma_wait3A_105, %dma_wait3A_106] : memref<64x40x128xi32, #tpu.memory_space<hbm>> -> memref<1x40x128xi32, #tpu.memory_space<hbm>>
      %dma_wait3A_108 = tpu.memref_squeeze %dma_wait3A_107 : memref<1x40x128xi32, #tpu.memory_space<hbm>> -> memref<40x128xi32, #tpu.memory_space<hbm>>
      %dma_wait3A_109 = arith.constant 0 : i32
      %dma_wait3A_110 = arith.constant 0 : i32
      %dma_wait3A_111 = tpu.memref_slice %arg3[%add3A_71, %dma_wait3A_109, %dma_wait3A_110] : memref<64x40x128xi32, #tpu.memory_space<hbm>> -> memref<1x40x128xi32, #tpu.memory_space<hbm>>
      %dma_wait3A_112 = tpu.memref_squeeze %dma_wait3A_111 : memref<1x40x128xi32, #tpu.memory_space<hbm>> -> memref<40x128xi32, #tpu.memory_space<hbm>>
      tpu.wait_dma2 semaphore(%run_scoped3A : memref<!tpu.dma_semaphore, #tpu.memory_space<semaphore_mem>>) src(%dma_wait3A_112 : memref<40x128xi32, #tpu.memory_space<hbm>>) dst(%arg6 : memref<40x128xi32, #tpu.memory_space<vmem>>)
      tpu.yield
    }) : () -> ()
    %mul3A_72 = arith.constant 2 : i32
    %mul3A_73 = arith.muli %add3A, %mul3A_72 : i32
    %add3A_74 = arith.constant 0 : i32
    %add3A_75 = arith.addi %mul3A_73, %add3A_74 : i32
    "tpu.region"() ({
      %run_scoped3A = tpu.sem_alloc : memref<!tpu.dma_semaphore, #tpu.memory_space<semaphore_mem>>
      %dma_start3A_97 = arith.constant 0 : i32
      %dma_start3A_98 = arith.constant 0 : i32
      %dma_start3A_99 = tpu.memref_slice %arg4[%add3A_75, %dma_start3A_97, %dma_start3A_98] : memref<64x40x128xi32, #tpu.memory_space<hbm>> -> memref<1x40x128xi32, #tpu.memory_space<hbm>>
      %dma_start3A_100 = tpu.memref_squeeze %dma_start3A_99 : memref<1x40x128xi32, #tpu.memory_space<hbm>> -> memref<40x128xi32, #tpu.memory_space<hbm>>
      %dma_start3A_101 = arith.constant 0 : i32
      %dma_start3A_102 = arith.constant 0 : i32
      %dma_start3A_103 = tpu.memref_slice %arg4[%add3A_75, %dma_start3A_101, %dma_start3A_102] : memref<64x40x128xi32, #tpu.memory_space<hbm>> -> memref<1x40x128xi32, #tpu.memory_space<hbm>>
      %dma_start3A_104 = tpu.memref_squeeze %dma_start3A_103 : memref<1x40x128xi32, #tpu.memory_space<hbm>> -> memref<40x128xi32, #tpu.memory_space<hbm>>
      tpu.enqueue_dma source(%dma_start3A_104 : memref<40x128xi32, #tpu.memory_space<hbm>>) target(%arg7 : memref<40x128xi32, #tpu.memory_space<vmem>>) target_semaphore(%run_scoped3A : memref<!tpu.dma_semaphore, #tpu.memory_space<semaphore_mem>>)
      %dma_wait3A_105 = arith.constant 0 : i32
      %dma_wait3A_106 = arith.constant 0 : i32
      %dma_wait3A_107 = tpu.memref_slice %arg4[%add3A_75, %dma_wait3A_105, %dma_wait3A_106] : memref<64x40x128xi32, #tpu.memory_space<hbm>> -> memref<1x40x128xi32, #tpu.memory_space<hbm>>
      %dma_wait3A_108 = tpu.memref_squeeze %dma_wait3A_107 : memref<1x40x128xi32, #tpu.memory_space<hbm>> -> memref<40x128xi32, #tpu.memory_space<hbm>>
      %dma_wait3A_109 = arith.constant 0 : i32
      %dma_wait3A_110 = arith.constant 0 : i32
      %dma_wait3A_111 = tpu.memref_slice %arg4[%add3A_75, %dma_wait3A_109, %dma_wait3A_110] : memref<64x40x128xi32, #tpu.memory_space<hbm>> -> memref<1x40x128xi32, #tpu.memory_space<hbm>>
      %dma_wait3A_112 = tpu.memref_squeeze %dma_wait3A_111 : memref<1x40x128xi32, #tpu.memory_space<hbm>> -> memref<40x128xi32, #tpu.memory_space<hbm>>
      tpu.wait_dma2 semaphore(%run_scoped3A : memref<!tpu.dma_semaphore, #tpu.memory_space<semaphore_mem>>) src(%dma_wait3A_112 : memref<40x128xi32, #tpu.memory_space<hbm>>) dst(%arg7 : memref<40x128xi32, #tpu.memory_space<vmem>>)
      tpu.yield
    }) : () -> ()
    %scan3A_76 = arith.constant 0 : i32
    %scan3A_77 = arith.constant 0 : i32
    %scan3A_78 = arith.constant 20 : i32
    %scan3A_79 = arith.addi %scan3A_77, %scan3A_78 : i32
    %scan3A_80 = arith.constant 1 : i32
    scf.for %scan3A_97 = %scan3A_77 to %scan3A_79 step %scan3A_80  : i32 {
      %mul3A_98 = arith.constant 2 : i32
      %mul3A_99 = arith.muli %mul3A_98, %scan3A_97 : i32
      %dma_start3A_100 = arith.constant 0 : i32
      %dma_start3A_101 = tpu.memref_slice %arg6[%mul3A_99, %dma_start3A_100] : memref<40x128xi32, #tpu.memory_space<vmem>> -> memref<1x128xi32, #tpu.memory_space<vmem>>
      %dma_start3A_102 = tpu.memref_squeeze %dma_start3A_101 : memref<1x128xi32, #tpu.memory_space<vmem>> -> memref<128xi32, #tpu.memory_space<vmem>>
      %dma_start3A_103 = arith.constant 0 : i32
      %dma_start3A_104 = arith.constant 0 : i32
      %dma_start3A_105 = tpu.memref_slice %arg2[%dma_start3A_103, %dma_start3A_104] : memref<10000x128xf32, #tpu.memory_space<hbm>> -> memref<10000x128xf32, #tpu.memory_space<hbm>>
      tpu.enqueue_indirect_dma source(%dma_start3A_105 : memref<10000x128xf32, #tpu.memory_space<hbm>>) target(%arg8 : memref<128x128xf32, #tpu.memory_space<vmem>>) offsets(%dma_start3A_102 : memref<128xi32, #tpu.memory_space<vmem>>) semaphore(%arg11 : memref<!tpu.dma_semaphore, #tpu.memory_space<semaphore_mem>>)
      %add3A_106 = arith.constant 1 : i32
      %add3A_107 = arith.addi %mul3A_99, %add3A_106 : i32
      %dma_start3A_108 = arith.constant 0 : i32
      %dma_start3A_109 = tpu.memref_slice %arg6[%add3A_107, %dma_start3A_108] : memref<40x128xi32, #tpu.memory_space<vmem>> -> memref<1x128xi32, #tpu.memory_space<vmem>>
      %dma_start3A_110 = tpu.memref_squeeze %dma_start3A_109 : memref<1x128xi32, #tpu.memory_space<vmem>> -> memref<128xi32, #tpu.memory_space<vmem>>
      %dma_start3A_111 = arith.constant 0 : i32
      %dma_start3A_112 = arith.constant 0 : i32
      %dma_start3A_113 = tpu.memref_slice %arg2[%dma_start3A_111, %dma_start3A_112] : memref<10000x128xf32, #tpu.memory_space<hbm>> -> memref<10000x128xf32, #tpu.memory_space<hbm>>
      tpu.enqueue_indirect_dma source(%dma_start3A_113 : memref<10000x128xf32, #tpu.memory_space<hbm>>) target(%arg9 : memref<128x128xf32, #tpu.memory_space<vmem>>) offsets(%dma_start3A_110 : memref<128xi32, #tpu.memory_space<vmem>>) semaphore(%arg12 : memref<!tpu.dma_semaphore, #tpu.memory_space<semaphore_mem>>)
      %dma_wait3A_114 = arith.constant 0 : i32
      %dma_wait3A_115 = tpu.memref_slice %arg6[%mul3A_99, %dma_wait3A_114] : memref<40x128xi32, #tpu.memory_space<vmem>> -> memref<1x128xi32, #tpu.memory_space<vmem>>
      %dma_wait3A_116 = tpu.memref_squeeze %dma_wait3A_115 : memref<1x128xi32, #tpu.memory_space<vmem>> -> memref<128xi32, #tpu.memory_space<vmem>>
      %dma_wait3A_117 = arith.constant 0 : i32
      %dma_wait3A_118 = arith.constant 0 : i32
      %dma_wait3A_119 = tpu.memref_slice %arg2[%dma_wait3A_117, %dma_wait3A_118] : memref<10000x128xf32, #tpu.memory_space<hbm>> -> memref<10000x128xf32, #tpu.memory_space<hbm>>
      tpu.wait_indirect_dma semaphore(%arg11 : memref<!tpu.dma_semaphore, #tpu.memory_space<semaphore_mem>>) src(%dma_wait3A_119 : memref<10000x128xf32, #tpu.memory_space<hbm>>) dst(%arg8 : memref<128x128xf32, #tpu.memory_space<vmem>>)
      "tpu.region"() ({
        %run_scoped3A = tpu.sem_alloc : memref<!tpu.dma_semaphore, #tpu.memory_space<semaphore_mem>>
        %dma_start3A_128 = arith.constant 0 : i32
        %dma_start3A_129 = tpu.memref_slice %arg7[%mul3A_99, %dma_start3A_128] : memref<40x128xi32, #tpu.memory_space<vmem>> -> memref<1x128xi32, #tpu.memory_space<vmem>>
        %dma_start3A_130 = tpu.memref_squeeze %dma_start3A_129 : memref<1x128xi32, #tpu.memory_space<vmem>> -> memref<128xi32, #tpu.memory_space<vmem>>
        %dma_start3A_131 = arith.constant 0 : i32
        %dma_start3A_132 = arith.constant 0 : i32
        %dma_start3A_133 = tpu.memref_slice %arg10[%dma_start3A_131, %dma_start3A_132] : memref<10112x128xf32, #tpu.memory_space<vmem_shared>> -> memref<10112x128xf32, #tpu.memory_space<vmem_shared>>
        tpu.enqueue_indirect_dma source(%arg8 : memref<128x128xf32, #tpu.memory_space<vmem>>) target(%dma_start3A_133 : memref<10112x128xf32, #tpu.memory_space<vmem_shared>>) offsets(%dma_start3A_130 : memref<128xi32, #tpu.memory_space<vmem>>) semaphore(%run_scoped3A : memref<!tpu.dma_semaphore, #tpu.memory_space<semaphore_mem>>) {add = true}
        %dma_wait3A_134 = arith.constant 0 : i32
        %dma_wait3A_135 = tpu.memref_slice %arg7[%mul3A_99, %dma_wait3A_134] : memref<40x128xi32, #tpu.memory_space<vmem>> -> memref<1x128xi32, #tpu.memory_space<vmem>>
        %dma_wait3A_136 = tpu.memref_squeeze %dma_wait3A_135 : memref<1x128xi32, #tpu.memory_space<vmem>> -> memref<128xi32, #tpu.memory_space<vmem>>
        %dma_wait3A_137 = arith.constant 0 : i32
        %dma_wait3A_138 = arith.constant 0 : i32
        %dma_wait3A_139 = tpu.memref_slice %arg10[%dma_wait3A_137, %dma_wait3A_138] : memref<10112x128xf32, #tpu.memory_space<vmem_shared>> -> memref<10112x128xf32, #tpu.memory_space<vmem_shared>>
        tpu.wait_indirect_dma semaphore(%run_scoped3A : memref<!tpu.dma_semaphore, #tpu.memory_space<semaphore_mem>>) src(%arg8 : memref<128x128xf32, #tpu.memory_space<vmem>>) dst(%dma_wait3A_139 : memref<10112x128xf32, #tpu.memory_space<vmem_shared>>)
        tpu.yield
      }) : () -> ()
      %dma_wait3A_120 = arith.constant 0 : i32
      %dma_wait3A_121 = tpu.memref_slice %arg6[%add3A_107, %dma_wait3A_120] : memref<40x128xi32, #tpu.memory_space<vmem>> -> memref<1x128xi32, #tpu.memory_space<vmem>>
      %dma_wait3A_122 = tpu.memref_squeeze %dma_wait3A_121 : memref<1x128xi32, #tpu.memory_space<vmem>> -> memref<128xi32, #tpu.memory_space<vmem>>
      %dma_wait3A_123 = arith.constant 0 : i32
      %dma_wait3A_124 = arith.constant 0 : i32
      %dma_wait3A_125 = tpu.memref_slice %arg2[%dma_wait3A_123, %dma_wait3A_124] : memref<10000x128xf32, #tpu.memory_space<hbm>> -> memref<10000x128xf32, #tpu.memory_space<hbm>>
      tpu.wait_indirect_dma semaphore(%arg12 : memref<!tpu.dma_semaphore, #tpu.memory_space<semaphore_mem>>) src(%dma_wait3A_125 : memref<10000x128xf32, #tpu.memory_space<hbm>>) dst(%arg9 : memref<128x128xf32, #tpu.memory_space<vmem>>)
      %add3A_126 = arith.constant 1 : i32
      %add3A_127 = arith.addi %mul3A_99, %add3A_126 : i32
      "tpu.region"() ({
        %run_scoped3A = tpu.sem_alloc : memref<!tpu.dma_semaphore, #tpu.memory_space<semaphore_mem>>
        %dma_start3A_128 = arith.constant 0 : i32
        %dma_start3A_129 = tpu.memref_slice %arg7[%add3A_127, %dma_start3A_128] : memref<40x128xi32, #tpu.memory_space<vmem>> -> memref<1x128xi32, #tpu.memory_space<vmem>>
        %dma_start3A_130 = tpu.memref_squeeze %dma_start3A_129 : memref<1x128xi32, #tpu.memory_space<vmem>> -> memref<128xi32, #tpu.memory_space<vmem>>
        %dma_start3A_131 = arith.constant 0 : i32
        %dma_start3A_132 = arith.constant 0 : i32
        %dma_start3A_133 = tpu.memref_slice %arg10[%dma_start3A_131, %dma_start3A_132] : memref<10112x128xf32, #tpu.memory_space<vmem_shared>> -> memref<10112x128xf32, #tpu.memory_space<vmem_shared>>
        tpu.enqueue_indirect_dma source(%arg9 : memref<128x128xf32, #tpu.memory_space<vmem>>) target(%dma_start3A_133 : memref<10112x128xf32, #tpu.memory_space<vmem_shared>>) offsets(%dma_start3A_130 : memref<128xi32, #tpu.memory_space<vmem>>) semaphore(%run_scoped3A : memref<!tpu.dma_semaphore, #tpu.memory_space<semaphore_mem>>) {add = true}
        %dma_wait3A_134 = arith.constant 0 : i32
        %dma_wait3A_135 = tpu.memref_slice %arg7[%add3A_127, %dma_wait3A_134] : memref<40x128xi32, #tpu.memory_space<vmem>> -> memref<1x128xi32, #tpu.memory_space<vmem>>
        %dma_wait3A_136 = tpu.memref_squeeze %dma_wait3A_135 : memref<1x128xi32, #tpu.memory_space<vmem>> -> memref<128xi32, #tpu.memory_space<vmem>>
        %dma_wait3A_137 = arith.constant 0 : i32
        %dma_wait3A_138 = arith.constant 0 : i32
        %dma_wait3A_139 = tpu.memref_slice %arg10[%dma_wait3A_137, %dma_wait3A_138] : memref<10112x128xf32, #tpu.memory_space<vmem_shared>> -> memref<10112x128xf32, #tpu.memory_space<vmem_shared>>
        tpu.wait_indirect_dma semaphore(%run_scoped3A : memref<!tpu.dma_semaphore, #tpu.memory_space<semaphore_mem>>) src(%arg9 : memref<128x128xf32, #tpu.memory_space<vmem>>) dst(%dma_wait3A_139 : memref<10112x128xf32, #tpu.memory_space<vmem_shared>>)
        tpu.yield
      }) : () -> ()
    }
    %scan3A_81 = arith.constant 20 : i32
    %mul3A_82 = arith.constant 2 : i32
    %mul3A_83 = arith.muli %add3A, %mul3A_82 : i32
    %add3A_84 = arith.constant 1 : i32
    %add3A_85 = arith.addi %mul3A_83, %add3A_84 : i32
    "tpu.region"() ({
      %run_scoped3A = tpu.sem_alloc : memref<!tpu.dma_semaphore, #tpu.memory_space<semaphore_mem>>
      %dma_start3A_97 = arith.constant 0 : i32
      %dma_start3A_98 = arith.constant 0 : i32
      %dma_start3A_99 = tpu.memref_slice %arg3[%add3A_85, %dma_start3A_97, %dma_start3A_98] : memref<64x40x128xi32, #tpu.memory_space<hbm>> -> memref<1x40x128xi32, #tpu.memory_space<hbm>>
      %dma_start3A_100 = tpu.memref_squeeze %dma_start3A_99 : memref<1x40x128xi32, #tpu.memory_space<hbm>> -> memref<40x128xi32, #tpu.memory_space<hbm>>
      %dma_start3A_101 = arith.constant 0 : i32
      %dma_start3A_102 = arith.constant 0 : i32
      %dma_start3A_103 = tpu.memref_slice %arg3[%add3A_85, %dma_start3A_101, %dma_start3A_102] : memref<64x40x128xi32, #tpu.memory_space<hbm>> -> memref<1x40x128xi32, #tpu.memory_space<hbm>>
      %dma_start3A_104 = tpu.memref_squeeze %dma_start3A_103 : memref<1x40x128xi32, #tpu.memory_space<hbm>> -> memref<40x128xi32, #tpu.memory_space<hbm>>
      tpu.enqueue_dma source(%dma_start3A_104 : memref<40x128xi32, #tpu.memory_space<hbm>>) target(%arg6 : memref<40x128xi32, #tpu.memory_space<vmem>>) target_semaphore(%run_scoped3A : memref<!tpu.dma_semaphore, #tpu.memory_space<semaphore_mem>>)
      %dma_wait3A_105 = arith.constant 0 : i32
      %dma_wait3A_106 = arith.constant 0 : i32
      %dma_wait3A_107 = tpu.memref_slice %arg3[%add3A_85, %dma_wait3A_105, %dma_wait3A_106] : memref<64x40x128xi32, #tpu.memory_space<hbm>> -> memref<1x40x128xi32, #tpu.memory_space<hbm>>
      %dma_wait3A_108 = tpu.memref_squeeze %dma_wait3A_107 : memref<1x40x128xi32, #tpu.memory_space<hbm>> -> memref<40x128xi32, #tpu.memory_space<hbm>>
      %dma_wait3A_109 = arith.constant 0 : i32
      %dma_wait3A_110 = arith.constant 0 : i32
      %dma_wait3A_111 = tpu.memref_slice %arg3[%add3A_85, %dma_wait3A_109, %dma_wait3A_110] : memref<64x40x128xi32, #tpu.memory_space<hbm>> -> memref<1x40x128xi32, #tpu.memory_space<hbm>>
      %dma_wait3A_112 = tpu.memref_squeeze %dma_wait3A_111 : memref<1x40x128xi32, #tpu.memory_space<hbm>> -> memref<40x128xi32, #tpu.memory_space<hbm>>
      tpu.wait_dma2 semaphore(%run_scoped3A : memref<!tpu.dma_semaphore, #tpu.memory_space<semaphore_mem>>) src(%dma_wait3A_112 : memref<40x128xi32, #tpu.memory_space<hbm>>) dst(%arg6 : memref<40x128xi32, #tpu.memory_space<vmem>>)
      tpu.yield
    }) : () -> ()
    %mul3A_86 = arith.constant 2 : i32
    %mul3A_87 = arith.muli %add3A, %mul3A_86 : i32
    %add3A_88 = arith.constant 1 : i32
    %add3A_89 = arith.addi %mul3A_87, %add3A_88 : i32
    "tpu.region"() ({
      %run_scoped3A = tpu.sem_alloc : memref<!tpu.dma_semaphore, #tpu.memory_space<semaphore_mem>>
      %dma_start3A_97 = arith.constant 0 : i32
      %dma_start3A_98 = arith.constant 0 : i32
      %dma_start3A_99 = tpu.memref_slice %arg4[%add3A_89, %dma_start3A_97, %dma_start3A_98] : memref<64x40x128xi32, #tpu.memory_space<hbm>> -> memref<1x40x128xi32, #tpu.memory_space<hbm>>
      %dma_start3A_100 = tpu.memref_squeeze %dma_start3A_99 : memref<1x40x128xi32, #tpu.memory_space<hbm>> -> memref<40x128xi32, #tpu.memory_space<hbm>>
      %dma_start3A_101 = arith.constant 0 : i32
      %dma_start3A_102 = arith.constant 0 : i32
      %dma_start3A_103 = tpu.memref_slice %arg4[%add3A_89, %dma_start3A_101, %dma_start3A_102] : memref<64x40x128xi32, #tpu.memory_space<hbm>> -> memref<1x40x128xi32, #tpu.memory_space<hbm>>
      %dma_start3A_104 = tpu.memref_squeeze %dma_start3A_103 : memref<1x40x128xi32, #tpu.memory_space<hbm>> -> memref<40x128xi32, #tpu.memory_space<hbm>>
      tpu.enqueue_dma source(%dma_start3A_104 : memref<40x128xi32, #tpu.memory_space<hbm>>) target(%arg7 : memref<40x128xi32, #tpu.memory_space<vmem>>) target_semaphore(%run_scoped3A : memref<!tpu.dma_semaphore, #tpu.memory_space<semaphore_mem>>)
      %dma_wait3A_105 = arith.constant 0 : i32
      %dma_wait3A_106 = arith.constant 0 : i32
      %dma_wait3A_107 = tpu.memref_slice %arg4[%add3A_89, %dma_wait3A_105, %dma_wait3A_106] : memref<64x40x128xi32, #tpu.memory_space<hbm>> -> memref<1x40x128xi32, #tpu.memory_space<hbm>>
      %dma_wait3A_108 = tpu.memref_squeeze %dma_wait3A_107 : memref<1x40x128xi32, #tpu.memory_space<hbm>> -> memref<40x128xi32, #tpu.memory_space<hbm>>
      %dma_wait3A_109 = arith.constant 0 : i32
      %dma_wait3A_110 = arith.constant 0 : i32
      %dma_wait3A_111 = tpu.memref_slice %arg4[%add3A_89, %dma_wait3A_109, %dma_wait3A_110] : memref<64x40x128xi32, #tpu.memory_space<hbm>> -> memref<1x40x128xi32, #tpu.memory_space<hbm>>
      %dma_wait3A_112 = tpu.memref_squeeze %dma_wait3A_111 : memref<1x40x128xi32, #tpu.memory_space<hbm>> -> memref<40x128xi32, #tpu.memory_space<hbm>>
      tpu.wait_dma2 semaphore(%run_scoped3A : memref<!tpu.dma_semaphore, #tpu.memory_space<semaphore_mem>>) src(%dma_wait3A_112 : memref<40x128xi32, #tpu.memory_space<hbm>>) dst(%arg7 : memref<40x128xi32, #tpu.memory_space<vmem>>)
      tpu.yield
    }) : () -> ()
    %scan3A_90 = arith.constant 0 : i32
    %scan3A_91 = arith.constant 0 : i32
    %scan3A_92 = arith.constant 20 : i32
    %scan3A_93 = arith.addi %scan3A_91, %scan3A_92 : i32
    %scan3A_94 = arith.constant 1 : i32
    scf.for %scan3A_97 = %scan3A_91 to %scan3A_93 step %scan3A_94  : i32 {
      %mul3A_98 = arith.constant 2 : i32
      %mul3A_99 = arith.muli %mul3A_98, %scan3A_97 : i32
      %dma_start3A_100 = arith.constant 0 : i32
      %dma_start3A_101 = tpu.memref_slice %arg6[%mul3A_99, %dma_start3A_100] : memref<40x128xi32, #tpu.memory_space<vmem>> -> memref<1x128xi32, #tpu.memory_space<vmem>>
      %dma_start3A_102 = tpu.memref_squeeze %dma_start3A_101 : memref<1x128xi32, #tpu.memory_space<vmem>> -> memref<128xi32, #tpu.memory_space<vmem>>
      %dma_start3A_103 = arith.constant 0 : i32
      %dma_start3A_104 = arith.constant 0 : i32
      %dma_start3A_105 = tpu.memref_slice %arg2[%dma_start3A_103, %dma_start3A_104] : memref<10000x128xf32, #tpu.memory_space<hbm>> -> memref<10000x128xf32, #tpu.memory_space<hbm>>
      tpu.enqueue_indirect_dma source(%dma_start3A_105 : memref<10000x128xf32, #tpu.memory_space<hbm>>) target(%arg8 : memref<128x128xf32, #tpu.memory_space<vmem>>) offsets(%dma_start3A_102 : memref<128xi32, #tpu.memory_space<vmem>>) semaphore(%arg11 : memref<!tpu.dma_semaphore, #tpu.memory_space<semaphore_mem>>)
      %add3A_106 = arith.constant 1 : i32
      %add3A_107 = arith.addi %mul3A_99, %add3A_106 : i32
      %dma_start3A_108 = arith.constant 0 : i32
      %dma_start3A_109 = tpu.memref_slice %arg6[%add3A_107, %dma_start3A_108] : memref<40x128xi32, #tpu.memory_space<vmem>> -> memref<1x128xi32, #tpu.memory_space<vmem>>
      %dma_start3A_110 = tpu.memref_squeeze %dma_start3A_109 : memref<1x128xi32, #tpu.memory_space<vmem>> -> memref<128xi32, #tpu.memory_space<vmem>>
      %dma_start3A_111 = arith.constant 0 : i32
      %dma_start3A_112 = arith.constant 0 : i32
      %dma_start3A_113 = tpu.memref_slice %arg2[%dma_start3A_111, %dma_start3A_112] : memref<10000x128xf32, #tpu.memory_space<hbm>> -> memref<10000x128xf32, #tpu.memory_space<hbm>>
      tpu.enqueue_indirect_dma source(%dma_start3A_113 : memref<10000x128xf32, #tpu.memory_space<hbm>>) target(%arg9 : memref<128x128xf32, #tpu.memory_space<vmem>>) offsets(%dma_start3A_110 : memref<128xi32, #tpu.memory_space<vmem>>) semaphore(%arg12 : memref<!tpu.dma_semaphore, #tpu.memory_space<semaphore_mem>>)
      %dma_wait3A_114 = arith.constant 0 : i32
      %dma_wait3A_115 = tpu.memref_slice %arg6[%mul3A_99, %dma_wait3A_114] : memref<40x128xi32, #tpu.memory_space<vmem>> -> memref<1x128xi32, #tpu.memory_space<vmem>>
      %dma_wait3A_116 = tpu.memref_squeeze %dma_wait3A_115 : memref<1x128xi32, #tpu.memory_space<vmem>> -> memref<128xi32, #tpu.memory_space<vmem>>
      %dma_wait3A_117 = arith.constant 0 : i32
      %dma_wait3A_118 = arith.constant 0 : i32
      %dma_wait3A_119 = tpu.memref_slice %arg2[%dma_wait3A_117, %dma_wait3A_118] : memref<10000x128xf32, #tpu.memory_space<hbm>> -> memref<10000x128xf32, #tpu.memory_space<hbm>>
      tpu.wait_indirect_dma semaphore(%arg11 : memref<!tpu.dma_semaphore, #tpu.memory_space<semaphore_mem>>) src(%dma_wait3A_119 : memref<10000x128xf32, #tpu.memory_space<hbm>>) dst(%arg8 : memref<128x128xf32, #tpu.memory_space<vmem>>)
      "tpu.region"() ({
        %run_scoped3A = tpu.sem_alloc : memref<!tpu.dma_semaphore, #tpu.memory_space<semaphore_mem>>
        %dma_start3A_128 = arith.constant 0 : i32
        %dma_start3A_129 = tpu.memref_slice %arg7[%mul3A_99, %dma_start3A_128] : memref<40x128xi32, #tpu.memory_space<vmem>> -> memref<1x128xi32, #tpu.memory_space<vmem>>
        %dma_start3A_130 = tpu.memref_squeeze %dma_start3A_129 : memref<1x128xi32, #tpu.memory_space<vmem>> -> memref<128xi32, #tpu.memory_space<vmem>>
        %dma_start3A_131 = arith.constant 0 : i32
        %dma_start3A_132 = arith.constant 0 : i32
        %dma_start3A_133 = tpu.memref_slice %arg10[%dma_start3A_131, %dma_start3A_132] : memref<10112x128xf32, #tpu.memory_space<vmem_shared>> -> memref<10112x128xf32, #tpu.memory_space<vmem_shared>>
        tpu.enqueue_indirect_dma source(%arg8 : memref<128x128xf32, #tpu.memory_space<vmem>>) target(%dma_start3A_133 : memref<10112x128xf32, #tpu.memory_space<vmem_shared>>) offsets(%dma_start3A_130 : memref<128xi32, #tpu.memory_space<vmem>>) semaphore(%run_scoped3A : memref<!tpu.dma_semaphore, #tpu.memory_space<semaphore_mem>>) {add = true}
        %dma_wait3A_134 = arith.constant 0 : i32
        %dma_wait3A_135 = tpu.memref_slice %arg7[%mul3A_99, %dma_wait3A_134] : memref<40x128xi32, #tpu.memory_space<vmem>> -> memref<1x128xi32, #tpu.memory_space<vmem>>
        %dma_wait3A_136 = tpu.memref_squeeze %dma_wait3A_135 : memref<1x128xi32, #tpu.memory_space<vmem>> -> memref<128xi32, #tpu.memory_space<vmem>>
        %dma_wait3A_137 = arith.constant 0 : i32
        %dma_wait3A_138 = arith.constant 0 : i32
        %dma_wait3A_139 = tpu.memref_slice %arg10[%dma_wait3A_137, %dma_wait3A_138] : memref<10112x128xf32, #tpu.memory_space<vmem_shared>> -> memref<10112x128xf32, #tpu.memory_space<vmem_shared>>
        tpu.wait_indirect_dma semaphore(%run_scoped3A : memref<!tpu.dma_semaphore, #tpu.memory_space<semaphore_mem>>) src(%arg8 : memref<128x128xf32, #tpu.memory_space<vmem>>) dst(%dma_wait3A_139 : memref<10112x128xf32, #tpu.memory_space<vmem_shared>>)
        tpu.yield
      }) : () -> ()
      %dma_wait3A_120 = arith.constant 0 : i32
      %dma_wait3A_121 = tpu.memref_slice %arg6[%add3A_107, %dma_wait3A_120] : memref<40x128xi32, #tpu.memory_space<vmem>> -> memref<1x128xi32, #tpu.memory_space<vmem>>
      %dma_wait3A_122 = tpu.memref_squeeze %dma_wait3A_121 : memref<1x128xi32, #tpu.memory_space<vmem>> -> memref<128xi32, #tpu.memory_space<vmem>>
      %dma_wait3A_123 = arith.constant 0 : i32
      %dma_wait3A_124 = arith.constant 0 : i32
      %dma_wait3A_125 = tpu.memref_slice %arg2[%dma_wait3A_123, %dma_wait3A_124] : memref<10000x128xf32, #tpu.memory_space<hbm>> -> memref<10000x128xf32, #tpu.memory_space<hbm>>
      tpu.wait_indirect_dma semaphore(%arg12 : memref<!tpu.dma_semaphore, #tpu.memory_space<semaphore_mem>>) src(%dma_wait3A_125 : memref<10000x128xf32, #tpu.memory_space<hbm>>) dst(%arg9 : memref<128x128xf32, #tpu.memory_space<vmem>>)
      %add3A_126 = arith.constant 1 : i32
      %add3A_127 = arith.addi %mul3A_99, %add3A_126 : i32
      "tpu.region"() ({
        %run_scoped3A = tpu.sem_alloc : memref<!tpu.dma_semaphore, #tpu.memory_space<semaphore_mem>>
        %dma_start3A_128 = arith.constant 0 : i32
        %dma_start3A_129 = tpu.memref_slice %arg7[%add3A_127, %dma_start3A_128] : memref<40x128xi32, #tpu.memory_space<vmem>> -> memref<1x128xi32, #tpu.memory_space<vmem>>
        %dma_start3A_130 = tpu.memref_squeeze %dma_start3A_129 : memref<1x128xi32, #tpu.memory_space<vmem>> -> memref<128xi32, #tpu.memory_space<vmem>>
        %dma_start3A_131 = arith.constant 0 : i32
        %dma_start3A_132 = arith.constant 0 : i32
        %dma_start3A_133 = tpu.memref_slice %arg10[%dma_start3A_131, %dma_start3A_132] : memref<10112x128xf32, #tpu.memory_space<vmem_shared>> -> memref<10112x128xf32, #tpu.memory_space<vmem_shared>>
        tpu.enqueue_indirect_dma source(%arg9 : memref<128x128xf32, #tpu.memory_space<vmem>>) target(%dma_start3A_133 : memref<10112x128xf32, #tpu.memory_space<vmem_shared>>) offsets(%dma_start3A_130 : memref<128xi32, #tpu.memory_space<vmem>>) semaphore(%run_scoped3A : memref<!tpu.dma_semaphore, #tpu.memory_space<semaphore_mem>>) {add = true}
        %dma_wait3A_134 = arith.constant 0 : i32
        %dma_wait3A_135 = tpu.memref_slice %arg7[%add3A_127, %dma_wait3A_134] : memref<40x128xi32, #tpu.memory_space<vmem>> -> memref<1x128xi32, #tpu.memory_space<vmem>>
        %dma_wait3A_136 = tpu.memref_squeeze %dma_wait3A_135 : memref<1x128xi32, #tpu.memory_space<vmem>> -> memref<128xi32, #tpu.memory_space<vmem>>
        %dma_wait3A_137 = arith.constant 0 : i32
        %dma_wait3A_138 = arith.constant 0 : i32
        %dma_wait3A_139 = tpu.memref_slice %arg10[%dma_wait3A_137, %dma_wait3A_138] : memref<10112x128xf32, #tpu.memory_space<vmem_shared>> -> memref<10112x128xf32, #tpu.memory_space<vmem_shared>>
        tpu.wait_indirect_dma semaphore(%run_scoped3A : memref<!tpu.dma_semaphore, #tpu.memory_space<semaphore_mem>>) src(%arg9 : memref<128x128xf32, #tpu.memory_space<vmem>>) dst(%dma_wait3A_139 : memref<10112x128xf32, #tpu.memory_space<vmem_shared>>)
        tpu.yield
      }) : () -> ()
    }
    %scan3A_95 = arith.constant 20 : i32
    %barrier3A_96 = arith.constant 0 : index
    tpu.barrier barrier_id(%barrier3A_96)
    "tpu.region"() ({
      %run_scoped3A = tpu.sem_alloc : memref<!tpu.dma_semaphore, #tpu.memory_space<semaphore_mem>>
      %dma_start3A_97 = arith.constant 0 : i32
      %dma_start3A_98 = tpu.memref_slice %arg5[%arg0, %mul3A_2, %dma_start3A_97] : memref<2x10112x128xf32, #tpu.memory_space<hbm>> -> memref<1x632x128xf32, #tpu.memory_space<hbm>>
      %dma_start3A_99 = tpu.memref_squeeze %dma_start3A_98 : memref<1x632x128xf32, #tpu.memory_space<hbm>> -> memref<632x128xf32, #tpu.memory_space<hbm>>
      %dma_start3A_100 = arith.constant 0 : i32
      %dma_start3A_101 = tpu.memref_slice %arg10[%mul3A_2, %dma_start3A_100] : memref<10112x128xf32, #tpu.memory_space<vmem_shared>> -> memref<632x128xf32, #tpu.memory_space<vmem_shared>>
      tpu.enqueue_dma source(%dma_start3A_101 : memref<632x128xf32, #tpu.memory_space<vmem_shared>>) target(%dma_start3A_99 : memref<632x128xf32, #tpu.memory_space<hbm>>) target_semaphore(%run_scoped3A : memref<!tpu.dma_semaphore, #tpu.memory_space<semaphore_mem>>)
      %dma_wait3A_102 = arith.constant 0 : i32
      %dma_wait3A_103 = tpu.memref_slice %arg5[%arg0, %mul3A_2, %dma_wait3A_102] : memref<2x10112x128xf32, #tpu.memory_space<hbm>> -> memref<1x632x128xf32, #tpu.memory_space<hbm>>
      %dma_wait3A_104 = tpu.memref_squeeze %dma_wait3A_103 : memref<1x632x128xf32, #tpu.memory_space<hbm>> -> memref<632x128xf32, #tpu.memory_space<hbm>>
      %dma_wait3A_105 = arith.constant 0 : i32
      %dma_wait3A_106 = tpu.memref_slice %arg10[%mul3A_2, %dma_wait3A_105] : memref<10112x128xf32, #tpu.memory_space<vmem_shared>> -> memref<632x128xf32, #tpu.memory_space<vmem_shared>>
      tpu.wait_dma2 semaphore(%run_scoped3A : memref<!tpu.dma_semaphore, #tpu.memory_space<semaphore_mem>>) src(%dma_wait3A_106 : memref<632x128xf32, #tpu.memory_space<vmem_shared>>) dst(%dma_wait3A_104 : memref<632x128xf32, #tpu.memory_space<hbm>>)
      tpu.yield
    }) : () -> ()
    return
  }
}

#map = affine_map<(d0, d1) -> (0, 0)>
#map1 = affine_map<(d0, d1) -> (0, 0, 0)>
module attributes {stable_mosaic.version = 14 : i64} {
  func.func @_spmm_body(%arg0: i32, %arg1: i32, %arg2: memref<10000x128xf32, #tpu.memory_space<hbm>>, %arg3: memref<64x40x128xi32, #tpu.memory_space<hbm>>, %arg4: memref<64x40x128xi32, #tpu.memory_space<hbm>>, %arg5: memref<2x10112x128xf32, #tpu.memory_space<hbm>>, %arg6: memref<40x128xi32, #tpu.memory_space<vmem>>, %arg7: memref<40x128xi32, #tpu.memory_space<vmem>>, %arg8: memref<128x128xf32, #tpu.memory_space<vmem>>, %arg9: memref<128x128xf32, #tpu.memory_space<vmem>>, %arg10: memref<10112x128xf32, #tpu.memory_space<vmem_shared>>, %arg11: memref<!tpu.dma_semaphore, #tpu.memory_space<semaphore_mem>>, %arg12: memref<!tpu.dma_semaphore, #tpu.memory_space<semaphore_mem>>) attributes {dimension_semantics = [#tpu.dimension_semantics<core_parallel>, #tpu.dimension_semantics<subcore_parallel>], iteration_bounds = array<i64: 2, 16>, scalar_prefetch = 0 : i64, scratch_operands = 7 : i64, tpu.core_type = #tpu.core_type<sc_vector_subcore>, window_params = [{transform_indices = #map}, {transform_indices = #map1}, {transform_indices = #map1}, {transform_indices = #map1}]} {
    %mul3A = arith.constant 16 : i32
    %mul3A_0 = arith.muli %arg0, %mul3A : i32
    %add3A = arith.addi %mul3A_0, %arg1 : i32
    %mul3A_1 = arith.constant 632 : i32
    %mul3A_2 = arith.muli %arg1, %mul3A_1 : i32
    %scan3A = arith.constant 0 : i32
    %scan3A_3 = arith.constant 0 : i32
    %scan3A_4 = arith.constant 128 : i32
    %scan3A_5 = arith.addi %scan3A_3, %scan3A_4 : i32
    %scan3A_6 = arith.constant 1 : i32
    scf.for %scan3A_97 = %scan3A_3 to %scan3A_5 step %scan3A_6  : i32 {
      %broadcast_in_dim3A = arith.constant 0.000000e+00 : f32
      %broadcast_in_dim3A_98 = vector.broadcast %broadcast_in_dim3A : f32 to vector<16xf32>
      %swap3A = arith.index_cast %scan3A_97 : i32 to index
      %swap3A_99 = arith.constant 0 : index
      %swap3A_100 = tpu.vector_load %arg8[%swap3A, %swap3A_99] {strides = array<i32>} : memref<128x128xf32, #tpu.memory_space<vmem>>, vector<1x16xf32>,
      %swap3A_101 = vector.shape_cast %swap3A_100 : vector<1x16xf32> to vector<16xf32>
      %swap3A_102 = vector.shape_cast %broadcast_in_dim3A_98 : vector<16xf32> to vector<1x16xf32>
      tpu.vector_store %arg8[%swap3A, %swap3A_99], %swap3A_102 {strides = array<i32>} : memref<128x128xf32, #tpu.memory_space<vmem>>, vector<1x16xf32>,
      %broadcast_in_dim3A_103 = arith.constant 0.000000e+00 : f32
      %broadcast_in_dim3A_104 = vector.broadcast %broadcast_in_dim3A_103 : f32 to vector<16xf32>
      %swap3A_105 = arith.index_cast %scan3A_97 : i32 to index
      %swap3A_106 = arith.constant 16 : index
      %swap3A_107 = tpu.vector_load %arg8[%swap3A_105, %swap3A_106] {strides = array<i32>} : memref<128x128xf32, #tpu.memory_space<vmem>>, vector<1x16xf32>,
      %swap3A_108 = vector.shape_cast %swap3A_107 : vector<1x16xf32> to vector<16xf32>
      %swap3A_109 = vector.shape_cast %broadcast_in_dim3A_104 : vector<16xf32> to vector<1x16xf32>
      tpu.vector_store %arg8[%swap3A_105, %swap3A_106], %swap3A_109 {strides = array<i32>} : memref<128x128xf32, #tpu.memory_space<vmem>>, vector<1x16xf32>,
      %broadcast_in_dim3A_110 = arith.constant 0.000000e+00 : f32
      %broadcast_in_dim3A_111 = vector.broadcast %broadcast_in_dim3A_110 : f32 to vector<16xf32>
      %swap3A_112 = arith.index_cast %scan3A_97 : i32 to index
      %swap3A_113 = arith.constant 32 : index
      %swap3A_114 = tpu.vector_load %arg8[%swap3A_112, %swap3A_113] {strides = array<i32>} : memref<128x128xf32, #tpu.memory_space<vmem>>, vector<1x16xf32>,
      %swap3A_115 = vector.shape_cast %swap3A_114 : vector<1x16xf32> to vector<16xf32>
      %swap3A_116 = vector.shape_cast %broadcast_in_dim3A_111 : vector<16xf32> to vector<1x16xf32>
      tpu.vector_store %arg8[%swap3A_112, %swap3A_113], %swap3A_116 {strides = array<i32>} : memref<128x128xf32, #tpu.memory_space<vmem>>, vector<1x16xf32>,
      %broadcast_in_dim3A_117 = arith.constant 0.000000e+00 : f32
      %broadcast_in_dim3A_118 = vector.broadcast %broadcast_in_dim3A_117 : f32 to vector<16xf32>
      %swap3A_119 = arith.index_cast %scan3A_97 : i32 to index
      %swap3A_120 = arith.constant 48 : index
      %swap3A_121 = tpu.vector_load %arg8[%swap3A_119, %swap3A_120] {strides = array<i32>} : memref<128x128xf32, #tpu.memory_space<vmem>>, vector<1x16xf32>,
      %swap3A_122 = vector.shape_cast %swap3A_121 : vector<1x16xf32> to vector<16xf32>
      %swap3A_123 = vector.shape_cast %broadcast_in_dim3A_118 : vector<16xf32> to vector<1x16xf32>
      tpu.vector_store %arg8[%swap3A_119, %swap3A_120], %swap3A_123 {strides = array<i32>} : memref<128x128xf32, #tpu.memory_space<vmem>>, vector<1x16xf32>,
      %broadcast_in_dim3A_124 = arith.constant 0.000000e+00 : f32
      %broadcast_in_dim3A_125 = vector.broadcast %broadcast_in_dim3A_124 : f32 to vector<16xf32>
      %swap3A_126 = arith.index_cast %scan3A_97 : i32 to index
      %swap3A_127 = arith.constant 64 : index
      %swap3A_128 = tpu.vector_load %arg8[%swap3A_126, %swap3A_127] {strides = array<i32>} : memref<128x128xf32, #tpu.memory_space<vmem>>, vector<1x16xf32>,
      %swap3A_129 = vector.shape_cast %swap3A_128 : vector<1x16xf32> to vector<16xf32>
      %swap3A_130 = vector.shape_cast %broadcast_in_dim3A_125 : vector<16xf32> to vector<1x16xf32>
      tpu.vector_store %arg8[%swap3A_126, %swap3A_127], %swap3A_130 {strides = array<i32>} : memref<128x128xf32, #tpu.memory_space<vmem>>, vector<1x16xf32>,
      %broadcast_in_dim3A_131 = arith.constant 0.000000e+00 : f32
      %broadcast_in_dim3A_132 = vector.broadcast %broadcast_in_dim3A_131 : f32 to vector<16xf32>
      %swap3A_133 = arith.index_cast %scan3A_97 : i32 to index
      %swap3A_134 = arith.constant 80 : index
      %swap3A_135 = tpu.vector_load %arg8[%swap3A_133, %swap3A_134] {strides = array<i32>} : memref<128x128xf32, #tpu.memory_space<vmem>>, vector<1x16xf32>,
      %swap3A_136 = vector.shape_cast %swap3A_135 : vector<1x16xf32> to vector<16xf32>
      %swap3A_137 = vector.shape_cast %broadcast_in_dim3A_132 : vector<16xf32> to vector<1x16xf32>
      tpu.vector_store %arg8[%swap3A_133, %swap3A_134], %swap3A_137 {strides = array<i32>} : memref<128x128xf32, #tpu.memory_space<vmem>>, vector<1x16xf32>,
      %broadcast_in_dim3A_138 = arith.constant 0.000000e+00 : f32
      %broadcast_in_dim3A_139 = vector.broadcast %broadcast_in_dim3A_138 : f32 to vector<16xf32>
      %swap3A_140 = arith.index_cast %scan3A_97 : i32 to index
      %swap3A_141 = arith.constant 96 : index
      %swap3A_142 = tpu.vector_load %arg8[%swap3A_140, %swap3A_141] {strides = array<i32>} : memref<128x128xf32, #tpu.memory_space<vmem>>, vector<1x16xf32>,
      %swap3A_143 = vector.shape_cast %swap3A_142 : vector<1x16xf32> to vector<16xf32>
      %swap3A_144 = vector.shape_cast %broadcast_in_dim3A_139 : vector<16xf32> to vector<1x16xf32>
      tpu.vector_store %arg8[%swap3A_140, %swap3A_141], %swap3A_144 {strides = array<i32>} : memref<128x128xf32, #tpu.memory_space<vmem>>, vector<1x16xf32>,
      %broadcast_in_dim3A_145 = arith.constant 0.000000e+00 : f32
      %broadcast_in_dim3A_146 = vector.broadcast %broadcast_in_dim3A_145 : f32 to vector<16xf32>
      %swap3A_147 = arith.index_cast %scan3A_97 : i32 to index
      %swap3A_148 = arith.constant 112 : index
      %swap3A_149 = tpu.vector_load %arg8[%swap3A_147, %swap3A_148] {strides = array<i32>} : memref<128x128xf32, #tpu.memory_space<vmem>>, vector<1x16xf32>,
      %swap3A_150 = vector.shape_cast %swap3A_149 : vector<1x16xf32> to vector<16xf32>
      %swap3A_151 = vector.shape_cast %broadcast_in_dim3A_146 : vector<16xf32> to vector<1x16xf32>
      tpu.vector_store %arg8[%swap3A_147, %swap3A_148], %swap3A_151 {strides = array<i32>} : memref<128x128xf32, #tpu.memory_space<vmem>>, vector<1x16xf32>,
    }
    %scan3A_7 = arith.constant 128 : i32
    %add3A_8 = arith.constant 0 : i32
    %add3A_9 = arith.addi %mul3A_2, %add3A_8 : i32
    %dma_start3A = arith.constant 0 : i32
    %dma_start3A_10 = tpu.memref_slice %arg10[%add3A_9, %dma_start3A] : memref<10112x128xf32, #tpu.memory_space<vmem_shared>> -> memref<128x128xf32, #tpu.memory_space<vmem_shared>>
    %dma_start3A_11 = arith.constant 0 : i32
    %dma_start3A_12 = tpu.memref_slice %arg10[%add3A_9, %dma_start3A_11] : memref<10112x128xf32, #tpu.memory_space<vmem_shared>> -> memref<128x128xf32, #tpu.memory_space<vmem_shared>>
    tpu.enqueue_dma source(%arg8 : memref<128x128xf32, #tpu.memory_space<vmem>>) target(%dma_start3A_12 : memref<128x128xf32, #tpu.memory_space<vmem_shared>>) target_semaphore(%arg11 : memref<!tpu.dma_semaphore, #tpu.memory_space<semaphore_mem>>)
    %add3A_13 = arith.constant 128 : i32
    %add3A_14 = arith.addi %mul3A_2, %add3A_13 : i32
    %dma_start3A_15 = arith.constant 0 : i32
    %dma_start3A_16 = tpu.memref_slice %arg10[%add3A_14, %dma_start3A_15] : memref<10112x128xf32, #tpu.memory_space<vmem_shared>> -> memref<128x128xf32, #tpu.memory_space<vmem_shared>>
    %dma_start3A_17 = arith.constant 0 : i32
    %dma_start3A_18 = tpu.memref_slice %arg10[%add3A_14, %dma_start3A_17] : memref<10112x128xf32, #tpu.memory_space<vmem_shared>> -> memref<128x128xf32, #tpu.memory_space<vmem_shared>>
    tpu.enqueue_dma source(%arg8 : memref<128x128xf32, #tpu.memory_space<vmem>>) target(%dma_start3A_18 : memref<128x128xf32, #tpu.memory_space<vmem_shared>>) target_semaphore(%arg11 : memref<!tpu.dma_semaphore, #tpu.memory_space<semaphore_mem>>)
    %add3A_19 = arith.constant 256 : i32
    %add3A_20 = arith.addi %mul3A_2, %add3A_19 : i32
    %dma_start3A_21 = arith.constant 0 : i32
    %dma_start3A_22 = tpu.memref_slice %arg10[%add3A_20, %dma_start3A_21] : memref<10112x128xf32, #tpu.memory_space<vmem_shared>> -> memref<128x128xf32, #tpu.memory_space<vmem_shared>>
    %dma_start3A_23 = arith.constant 0 : i32
    %dma_start3A_24 = tpu.memref_slice %arg10[%add3A_20, %dma_start3A_23] : memref<10112x128xf32, #tpu.memory_space<vmem_shared>> -> memref<128x128xf32, #tpu.memory_space<vmem_shared>>
    tpu.enqueue_dma source(%arg8 : memref<128x128xf32, #tpu.memory_space<vmem>>) target(%dma_start3A_24 : memref<128x128xf32, #tpu.memory_space<vmem_shared>>) target_semaphore(%arg11 : memref<!tpu.dma_semaphore, #tpu.memory_space<semaphore_mem>>)
    %add3A_25 = arith.constant 384 : i32
    %add3A_26 = arith.addi %mul3A_2, %add3A_25 : i32
    %dma_start3A_27 = arith.constant 0 : i32
    %dma_start3A_28 = tpu.memref_slice %arg10[%add3A_26, %dma_start3A_27] : memref<10112x128xf32, #tpu.memory_space<vmem_shared>> -> memref<128x128xf32, #tpu.memory_space<vmem_shared>>
    %dma_start3A_29 = arith.constant 0 : i32
    %dma_start3A_30 = tpu.memref_slice %arg10[%add3A_26, %dma_start3A_29] : memref<10112x128xf32, #tpu.memory_space<vmem_shared>> -> memref<128x128xf32, #tpu.memory_space<vmem_shared>>
    tpu.enqueue_dma source(%arg8 : memref<128x128xf32, #tpu.memory_space<vmem>>) target(%dma_start3A_30 : memref<128x128xf32, #tpu.memory_space<vmem_shared>>) target_semaphore(%arg11 : memref<!tpu.dma_semaphore, #tpu.memory_space<semaphore_mem>>)
    %add3A_31 = arith.constant 512 : i32
    %add3A_32 = arith.addi %mul3A_2, %add3A_31 : i32
    %dma_start3A_33 = arith.constant 0 : i32
    %dma_start3A_34 = arith.constant 0 : i32
    %dma_start3A_35 = tpu.memref_slice %arg8[%dma_start3A_33, %dma_start3A_34] : memref<128x128xf32, #tpu.memory_space<vmem>> -> memref<120x128xf32, #tpu.memory_space<vmem>>
    %dma_start3A_36 = arith.constant 0 : i32
    %dma_start3A_37 = tpu.memref_slice %arg10[%add3A_32, %dma_start3A_36] : memref<10112x128xf32, #tpu.memory_space<vmem_shared>> -> memref<120x128xf32, #tpu.memory_space<vmem_shared>>
    %dma_start3A_38 = arith.constant 0 : i32
    %dma_start3A_39 = tpu.memref_slice %arg10[%add3A_32, %dma_start3A_38] : memref<10112x128xf32, #tpu.memory_space<vmem_shared>> -> memref<120x128xf32, #tpu.memory_space<vmem_shared>>
    %dma_start3A_40 = arith.constant 0 : i32
    %dma_start3A_41 = arith.constant 0 : i32
    %dma_start3A_42 = tpu.memref_slice %arg8[%dma_start3A_40, %dma_start3A_41] : memref<128x128xf32, #tpu.memory_space<vmem>> -> memref<120x128xf32, #tpu.memory_space<vmem>>
    tpu.enqueue_dma source(%dma_start3A_42 : memref<120x128xf32, #tpu.memory_space<vmem>>) target(%dma_start3A_39 : memref<120x128xf32, #tpu.memory_space<vmem_shared>>) target_semaphore(%arg11 : memref<!tpu.dma_semaphore, #tpu.memory_space<semaphore_mem>>)
    %dma_wait3A = arith.constant 0 : i32
    %dma_wait3A_43 = tpu.memref_slice %arg10[%add3A_9, %dma_wait3A] : memref<10112x128xf32, #tpu.memory_space<vmem_shared>> -> memref<128x128xf32, #tpu.memory_space<vmem_shared>>
    %dma_wait3A_44 = arith.constant 0 : i32
    %dma_wait3A_45 = tpu.memref_slice %arg10[%add3A_9, %dma_wait3A_44] : memref<10112x128xf32, #tpu.memory_space<vmem_shared>> -> memref<128x128xf32, #tpu.memory_space<vmem_shared>>
    tpu.wait_dma2 semaphore(%arg11 : memref<!tpu.dma_semaphore, #tpu.memory_space<semaphore_mem>>) src(%arg8 : memref<128x128xf32, #tpu.memory_space<vmem>>) dst(%dma_wait3A_45 : memref<128x128xf32, #tpu.memory_space<vmem_shared>>)
    %dma_wait3A_46 = arith.constant 0 : i32
    %dma_wait3A_47 = tpu.memref_slice %arg10[%add3A_14, %dma_wait3A_46] : memref<10112x128xf32, #tpu.memory_space<vmem_shared>> -> memref<128x128xf32, #tpu.memory_space<vmem_shared>>
    %dma_wait3A_48 = arith.constant 0 : i32
    %dma_wait3A_49 = tpu.memref_slice %arg10[%add3A_14, %dma_wait3A_48] : memref<10112x128xf32, #tpu.memory_space<vmem_shared>> -> memref<128x128xf32, #tpu.memory_space<vmem_shared>>
    tpu.wait_dma2 semaphore(%arg11 : memref<!tpu.dma_semaphore, #tpu.memory_space<semaphore_mem>>) src(%arg8 : memref<128x128xf32, #tpu.memory_space<vmem>>) dst(%dma_wait3A_49 : memref<128x128xf32, #tpu.memory_space<vmem_shared>>)
    %dma_wait3A_50 = arith.constant 0 : i32
    %dma_wait3A_51 = tpu.memref_slice %arg10[%add3A_20, %dma_wait3A_50] : memref<10112x128xf32, #tpu.memory_space<vmem_shared>> -> memref<128x128xf32, #tpu.memory_space<vmem_shared>>
    %dma_wait3A_52 = arith.constant 0 : i32
    %dma_wait3A_53 = tpu.memref_slice %arg10[%add3A_20, %dma_wait3A_52] : memref<10112x128xf32, #tpu.memory_space<vmem_shared>> -> memref<128x128xf32, #tpu.memory_space<vmem_shared>>
    tpu.wait_dma2 semaphore(%arg11 : memref<!tpu.dma_semaphore, #tpu.memory_space<semaphore_mem>>) src(%arg8 : memref<128x128xf32, #tpu.memory_space<vmem>>) dst(%dma_wait3A_53 : memref<128x128xf32, #tpu.memory_space<vmem_shared>>)
    %dma_wait3A_54 = arith.constant 0 : i32
    %dma_wait3A_55 = tpu.memref_slice %arg10[%add3A_26, %dma_wait3A_54] : memref<10112x128xf32, #tpu.memory_space<vmem_shared>> -> memref<128x128xf32, #tpu.memory_space<vmem_shared>>
    %dma_wait3A_56 = arith.constant 0 : i32
    %dma_wait3A_57 = tpu.memref_slice %arg10[%add3A_26, %dma_wait3A_56] : memref<10112x128xf32, #tpu.memory_space<vmem_shared>> -> memref<128x128xf32, #tpu.memory_space<vmem_shared>>
    tpu.wait_dma2 semaphore(%arg11 : memref<!tpu.dma_semaphore, #tpu.memory_space<semaphore_mem>>) src(%arg8 : memref<128x128xf32, #tpu.memory_space<vmem>>) dst(%dma_wait3A_57 : memref<128x128xf32, #tpu.memory_space<vmem_shared>>)
    %dma_wait3A_58 = arith.constant 0 : i32
    %dma_wait3A_59 = arith.constant 0 : i32
    %dma_wait3A_60 = tpu.memref_slice %arg8[%dma_wait3A_58, %dma_wait3A_59] : memref<128x128xf32, #tpu.memory_space<vmem>> -> memref<120x128xf32, #tpu.memory_space<vmem>>
    %dma_wait3A_61 = arith.constant 0 : i32
    %dma_wait3A_62 = tpu.memref_slice %arg10[%add3A_32, %dma_wait3A_61] : memref<10112x128xf32, #tpu.memory_space<vmem_shared>> -> memref<120x128xf32, #tpu.memory_space<vmem_shared>>
    %dma_wait3A_63 = arith.constant 0 : i32
    %dma_wait3A_64 = tpu.memref_slice %arg10[%add3A_32, %dma_wait3A_63] : memref<10112x128xf32, #tpu.memory_space<vmem_shared>> -> memref<120x128xf32, #tpu.memory_space<vmem_shared>>
    %dma_wait3A_65 = arith.constant 0 : i32
    %dma_wait3A_66 = arith.constant 0 : i32
    %dma_wait3A_67 = tpu.memref_slice %arg8[%dma_wait3A_65, %dma_wait3A_66] : memref<128x128xf32, #tpu.memory_space<vmem>> -> memref<120x128xf32, #tpu.memory_space<vmem>>
    tpu.wait_dma2 semaphore(%arg11 : memref<!tpu.dma_semaphore, #tpu.memory_space<semaphore_mem>>) src(%dma_wait3A_67 : memref<120x128xf32, #tpu.memory_space<vmem>>) dst(%dma_wait3A_64 : memref<120x128xf32, #tpu.memory_space<vmem_shared>>)
    %barrier3A = arith.constant 0 : index
    tpu.barrier barrier_id(%barrier3A)
    %mul3A_68 = arith.constant 2 : i32
    %mul3A_69 = arith.muli %add3A, %mul3A_68 : i32
    %add3A_70 = arith.constant 0 : i32
    %add3A_71 = arith.addi %mul3A_69, %add3A_70 : i32
    "tpu.region"() ({
      %run_scoped3A = tpu.sem_alloc : memref<!tpu.dma_semaphore, #tpu.memory_space<semaphore_mem>>
      %dma_start3A_97 = arith.constant 0 : i32
      %dma_start3A_98 = arith.constant 0 : i32
      %dma_start3A_99 = tpu.memref_slice %arg3[%add3A_71, %dma_start3A_97, %dma_start3A_98] : memref<64x40x128xi32, #tpu.memory_space<hbm>> -> memref<1x40x128xi32, #tpu.memory_space<hbm>>
      %dma_start3A_100 = tpu.memref_squeeze %dma_start3A_99 : memref<1x40x128xi32, #tpu.memory_space<hbm>> -> memref<40x128xi32, #tpu.memory_space<hbm>>
      %dma_start3A_101 = arith.constant 0 : i32
      %dma_start3A_102 = arith.constant 0 : i32
      %dma_start3A_103 = tpu.memref_slice %arg3[%add3A_71, %dma_start3A_101, %dma_start3A_102] : memref<64x40x128xi32, #tpu.memory_space<hbm>> -> memref<1x40x128xi32, #tpu.memory_space<hbm>>
      %dma_start3A_104 = tpu.memref_squeeze %dma_start3A_103 : memref<1x40x128xi32, #tpu.memory_space<hbm>> -> memref<40x128xi32, #tpu.memory_space<hbm>>
      tpu.enqueue_dma source(%dma_start3A_104 : memref<40x128xi32, #tpu.memory_space<hbm>>) target(%arg6 : memref<40x128xi32, #tpu.memory_space<vmem>>) target_semaphore(%run_scoped3A : memref<!tpu.dma_semaphore, #tpu.memory_space<semaphore_mem>>)
      %dma_wait3A_105 = arith.constant 0 : i32
      %dma_wait3A_106 = arith.constant 0 : i32
      %dma_wait3A_107 = tpu.memref_slice %arg3[%add3A_71, %dma_wait3A_105, %dma_wait3A_106] : memref<64x40x128xi32, #tpu.memory_space<hbm>> -> memref<1x40x128xi32, #tpu.memory_space<hbm>>
      %dma_wait3A_108 = tpu.memref_squeeze %dma_wait3A_107 : memref<1x40x128xi32, #tpu.memory_space<hbm>> -> memref<40x128xi32, #tpu.memory_space<hbm>>
      %dma_wait3A_109 = arith.constant 0 : i32
      %dma_wait3A_110 = arith.constant 0 : i32
      %dma_wait3A_111 = tpu.memref_slice %arg3[%add3A_71, %dma_wait3A_109, %dma_wait3A_110] : memref<64x40x128xi32, #tpu.memory_space<hbm>> -> memref<1x40x128xi32, #tpu.memory_space<hbm>>
      %dma_wait3A_112 = tpu.memref_squeeze %dma_wait3A_111 : memref<1x40x128xi32, #tpu.memory_space<hbm>> -> memref<40x128xi32, #tpu.memory_space<hbm>>
      tpu.wait_dma2 semaphore(%run_scoped3A : memref<!tpu.dma_semaphore, #tpu.memory_space<semaphore_mem>>) src(%dma_wait3A_112 : memref<40x128xi32, #tpu.memory_space<hbm>>) dst(%arg6 : memref<40x128xi32, #tpu.memory_space<vmem>>)
      tpu.yield
    }) : () -> ()
    %mul3A_72 = arith.constant 2 : i32
    %mul3A_73 = arith.muli %add3A, %mul3A_72 : i32
    %add3A_74 = arith.constant 0 : i32
    %add3A_75 = arith.addi %mul3A_73, %add3A_74 : i32
    "tpu.region"() ({
      %run_scoped3A = tpu.sem_alloc : memref<!tpu.dma_semaphore, #tpu.memory_space<semaphore_mem>>
      %dma_start3A_97 = arith.constant 0 : i32
      %dma_start3A_98 = arith.constant 0 : i32
      %dma_start3A_99 = tpu.memref_slice %arg4[%add3A_75, %dma_start3A_97, %dma_start3A_98] : memref<64x40x128xi32, #tpu.memory_space<hbm>> -> memref<1x40x128xi32, #tpu.memory_space<hbm>>
      %dma_start3A_100 = tpu.memref_squeeze %dma_start3A_99 : memref<1x40x128xi32, #tpu.memory_space<hbm>> -> memref<40x128xi32, #tpu.memory_space<hbm>>
      %dma_start3A_101 = arith.constant 0 : i32
      %dma_start3A_102 = arith.constant 0 : i32
      %dma_start3A_103 = tpu.memref_slice %arg4[%add3A_75, %dma_start3A_101, %dma_start3A_102] : memref<64x40x128xi32, #tpu.memory_space<hbm>> -> memref<1x40x128xi32, #tpu.memory_space<hbm>>
      %dma_start3A_104 = tpu.memref_squeeze %dma_start3A_103 : memref<1x40x128xi32, #tpu.memory_space<hbm>> -> memref<40x128xi32, #tpu.memory_space<hbm>>
      tpu.enqueue_dma source(%dma_start3A_104 : memref<40x128xi32, #tpu.memory_space<hbm>>) target(%arg7 : memref<40x128xi32, #tpu.memory_space<vmem>>) target_semaphore(%run_scoped3A : memref<!tpu.dma_semaphore, #tpu.memory_space<semaphore_mem>>)
      %dma_wait3A_105 = arith.constant 0 : i32
      %dma_wait3A_106 = arith.constant 0 : i32
      %dma_wait3A_107 = tpu.memref_slice %arg4[%add3A_75, %dma_wait3A_105, %dma_wait3A_106] : memref<64x40x128xi32, #tpu.memory_space<hbm>> -> memref<1x40x128xi32, #tpu.memory_space<hbm>>
      %dma_wait3A_108 = tpu.memref_squeeze %dma_wait3A_107 : memref<1x40x128xi32, #tpu.memory_space<hbm>> -> memref<40x128xi32, #tpu.memory_space<hbm>>
      %dma_wait3A_109 = arith.constant 0 : i32
      %dma_wait3A_110 = arith.constant 0 : i32
      %dma_wait3A_111 = tpu.memref_slice %arg4[%add3A_75, %dma_wait3A_109, %dma_wait3A_110] : memref<64x40x128xi32, #tpu.memory_space<hbm>> -> memref<1x40x128xi32, #tpu.memory_space<hbm>>
      %dma_wait3A_112 = tpu.memref_squeeze %dma_wait3A_111 : memref<1x40x128xi32, #tpu.memory_space<hbm>> -> memref<40x128xi32, #tpu.memory_space<hbm>>
      tpu.wait_dma2 semaphore(%run_scoped3A : memref<!tpu.dma_semaphore, #tpu.memory_space<semaphore_mem>>) src(%dma_wait3A_112 : memref<40x128xi32, #tpu.memory_space<hbm>>) dst(%arg7 : memref<40x128xi32, #tpu.memory_space<vmem>>)
      tpu.yield
    }) : () -> ()
    %scan3A_76 = arith.constant 0 : i32
    %scan3A_77 = arith.constant 0 : i32
    %scan3A_78 = arith.constant 20 : i32
    %scan3A_79 = arith.addi %scan3A_77, %scan3A_78 : i32
    %scan3A_80 = arith.constant 1 : i32
    scf.for %scan3A_97 = %scan3A_77 to %scan3A_79 step %scan3A_80  : i32 {
      %mul3A_98 = arith.constant 2 : i32
      %mul3A_99 = arith.muli %mul3A_98, %scan3A_97 : i32
      %dma_start3A_100 = arith.constant 0 : i32
      %dma_start3A_101 = tpu.memref_slice %arg6[%mul3A_99, %dma_start3A_100] : memref<40x128xi32, #tpu.memory_space<vmem>> -> memref<1x128xi32, #tpu.memory_space<vmem>>
      %dma_start3A_102 = tpu.memref_squeeze %dma_start3A_101 : memref<1x128xi32, #tpu.memory_space<vmem>> -> memref<128xi32, #tpu.memory_space<vmem>>
      %dma_start3A_103 = arith.constant 0 : i32
      %dma_start3A_104 = arith.constant 0 : i32
      %dma_start3A_105 = tpu.memref_slice %arg2[%dma_start3A_103, %dma_start3A_104] : memref<10000x128xf32, #tpu.memory_space<hbm>> -> memref<10000x128xf32, #tpu.memory_space<hbm>>
      tpu.enqueue_indirect_dma source(%dma_start3A_105 : memref<10000x128xf32, #tpu.memory_space<hbm>>) target(%arg8 : memref<128x128xf32, #tpu.memory_space<vmem>>) offsets(%dma_start3A_102 : memref<128xi32, #tpu.memory_space<vmem>>) semaphore(%arg11 : memref<!tpu.dma_semaphore, #tpu.memory_space<semaphore_mem>>)
      %add3A_106 = arith.constant 1 : i32
      %add3A_107 = arith.addi %mul3A_99, %add3A_106 : i32
      %dma_start3A_108 = arith.constant 0 : i32
      %dma_start3A_109 = tpu.memref_slice %arg6[%add3A_107, %dma_start3A_108] : memref<40x128xi32, #tpu.memory_space<vmem>> -> memref<1x128xi32, #tpu.memory_space<vmem>>
      %dma_start3A_110 = tpu.memref_squeeze %dma_start3A_109 : memref<1x128xi32, #tpu.memory_space<vmem>> -> memref<128xi32, #tpu.memory_space<vmem>>
      %dma_start3A_111 = arith.constant 0 : i32
      %dma_start3A_112 = arith.constant 0 : i32
      %dma_start3A_113 = tpu.memref_slice %arg2[%dma_start3A_111, %dma_start3A_112] : memref<10000x128xf32, #tpu.memory_space<hbm>> -> memref<10000x128xf32, #tpu.memory_space<hbm>>
      tpu.enqueue_indirect_dma source(%dma_start3A_113 : memref<10000x128xf32, #tpu.memory_space<hbm>>) target(%arg9 : memref<128x128xf32, #tpu.memory_space<vmem>>) offsets(%dma_start3A_110 : memref<128xi32, #tpu.memory_space<vmem>>) semaphore(%arg12 : memref<!tpu.dma_semaphore, #tpu.memory_space<semaphore_mem>>)
      %dma_wait3A_114 = arith.constant 0 : i32
      %dma_wait3A_115 = tpu.memref_slice %arg6[%mul3A_99, %dma_wait3A_114] : memref<40x128xi32, #tpu.memory_space<vmem>> -> memref<1x128xi32, #tpu.memory_space<vmem>>
      %dma_wait3A_116 = tpu.memref_squeeze %dma_wait3A_115 : memref<1x128xi32, #tpu.memory_space<vmem>> -> memref<128xi32, #tpu.memory_space<vmem>>
      %dma_wait3A_117 = arith.constant 0 : i32
      %dma_wait3A_118 = arith.constant 0 : i32
      %dma_wait3A_119 = tpu.memref_slice %arg2[%dma_wait3A_117, %dma_wait3A_118] : memref<10000x128xf32, #tpu.memory_space<hbm>> -> memref<10000x128xf32, #tpu.memory_space<hbm>>
      tpu.wait_indirect_dma semaphore(%arg11 : memref<!tpu.dma_semaphore, #tpu.memory_space<semaphore_mem>>) src(%dma_wait3A_119 : memref<10000x128xf32, #tpu.memory_space<hbm>>) dst(%arg8 : memref<128x128xf32, #tpu.memory_space<vmem>>)
      "tpu.region"() ({
        %run_scoped3A = tpu.sem_alloc : memref<!tpu.dma_semaphore, #tpu.memory_space<semaphore_mem>>
        %dma_start3A_128 = arith.constant 0 : i32
        %dma_start3A_129 = tpu.memref_slice %arg7[%mul3A_99, %dma_start3A_128] : memref<40x128xi32, #tpu.memory_space<vmem>> -> memref<1x128xi32, #tpu.memory_space<vmem>>
        %dma_start3A_130 = tpu.memref_squeeze %dma_start3A_129 : memref<1x128xi32, #tpu.memory_space<vmem>> -> memref<128xi32, #tpu.memory_space<vmem>>
        %dma_start3A_131 = arith.constant 0 : i32
        %dma_start3A_132 = arith.constant 0 : i32
        %dma_start3A_133 = tpu.memref_slice %arg10[%dma_start3A_131, %dma_start3A_132] : memref<10112x128xf32, #tpu.memory_space<vmem_shared>> -> memref<10112x128xf32, #tpu.memory_space<vmem_shared>>
        tpu.enqueue_indirect_dma source(%arg8 : memref<128x128xf32, #tpu.memory_space<vmem>>) target(%dma_start3A_133 : memref<10112x128xf32, #tpu.memory_space<vmem_shared>>) offsets(%dma_start3A_130 : memref<128xi32, #tpu.memory_space<vmem>>) semaphore(%run_scoped3A : memref<!tpu.dma_semaphore, #tpu.memory_space<semaphore_mem>>) {add = true}
        %dma_wait3A_134 = arith.constant 0 : i32
        %dma_wait3A_135 = tpu.memref_slice %arg7[%mul3A_99, %dma_wait3A_134] : memref<40x128xi32, #tpu.memory_space<vmem>> -> memref<1x128xi32, #tpu.memory_space<vmem>>
        %dma_wait3A_136 = tpu.memref_squeeze %dma_wait3A_135 : memref<1x128xi32, #tpu.memory_space<vmem>> -> memref<128xi32, #tpu.memory_space<vmem>>
        %dma_wait3A_137 = arith.constant 0 : i32
        %dma_wait3A_138 = arith.constant 0 : i32
        %dma_wait3A_139 = tpu.memref_slice %arg10[%dma_wait3A_137, %dma_wait3A_138] : memref<10112x128xf32, #tpu.memory_space<vmem_shared>> -> memref<10112x128xf32, #tpu.memory_space<vmem_shared>>
        tpu.wait_indirect_dma semaphore(%run_scoped3A : memref<!tpu.dma_semaphore, #tpu.memory_space<semaphore_mem>>) src(%arg8 : memref<128x128xf32, #tpu.memory_space<vmem>>) dst(%dma_wait3A_139 : memref<10112x128xf32, #tpu.memory_space<vmem_shared>>)
        tpu.yield
      }) : () -> ()
      %dma_wait3A_120 = arith.constant 0 : i32
      %dma_wait3A_121 = tpu.memref_slice %arg6[%add3A_107, %dma_wait3A_120] : memref<40x128xi32, #tpu.memory_space<vmem>> -> memref<1x128xi32, #tpu.memory_space<vmem>>
      %dma_wait3A_122 = tpu.memref_squeeze %dma_wait3A_121 : memref<1x128xi32, #tpu.memory_space<vmem>> -> memref<128xi32, #tpu.memory_space<vmem>>
      %dma_wait3A_123 = arith.constant 0 : i32
      %dma_wait3A_124 = arith.constant 0 : i32
      %dma_wait3A_125 = tpu.memref_slice %arg2[%dma_wait3A_123, %dma_wait3A_124] : memref<10000x128xf32, #tpu.memory_space<hbm>> -> memref<10000x128xf32, #tpu.memory_space<hbm>>
      tpu.wait_indirect_dma semaphore(%arg12 : memref<!tpu.dma_semaphore, #tpu.memory_space<semaphore_mem>>) src(%dma_wait3A_125 : memref<10000x128xf32, #tpu.memory_space<hbm>>) dst(%arg9 : memref<128x128xf32, #tpu.memory_space<vmem>>)
      %add3A_126 = arith.constant 1 : i32
      %add3A_127 = arith.addi %mul3A_99, %add3A_126 : i32
      "tpu.region"() ({
        %run_scoped3A = tpu.sem_alloc : memref<!tpu.dma_semaphore, #tpu.memory_space<semaphore_mem>>
        %dma_start3A_128 = arith.constant 0 : i32
        %dma_start3A_129 = tpu.memref_slice %arg7[%add3A_127, %dma_start3A_128] : memref<40x128xi32, #tpu.memory_space<vmem>> -> memref<1x128xi32, #tpu.memory_space<vmem>>
        %dma_start3A_130 = tpu.memref_squeeze %dma_start3A_129 : memref<1x128xi32, #tpu.memory_space<vmem>> -> memref<128xi32, #tpu.memory_space<vmem>>
        %dma_start3A_131 = arith.constant 0 : i32
        %dma_start3A_132 = arith.constant 0 : i32
        %dma_start3A_133 = tpu.memref_slice %arg10[%dma_start3A_131, %dma_start3A_132] : memref<10112x128xf32, #tpu.memory_space<vmem_shared>> -> memref<10112x128xf32, #tpu.memory_space<vmem_shared>>
        tpu.enqueue_indirect_dma source(%arg9 : memref<128x128xf32, #tpu.memory_space<vmem>>) target(%dma_start3A_133 : memref<10112x128xf32, #tpu.memory_space<vmem_shared>>) offsets(%dma_start3A_130 : memref<128xi32, #tpu.memory_space<vmem>>) semaphore(%run_scoped3A : memref<!tpu.dma_semaphore, #tpu.memory_space<semaphore_mem>>) {add = true}
        %dma_wait3A_134 = arith.constant 0 : i32
        %dma_wait3A_135 = tpu.memref_slice %arg7[%add3A_127, %dma_wait3A_134] : memref<40x128xi32, #tpu.memory_space<vmem>> -> memref<1x128xi32, #tpu.memory_space<vmem>>
        %dma_wait3A_136 = tpu.memref_squeeze %dma_wait3A_135 : memref<1x128xi32, #tpu.memory_space<vmem>> -> memref<128xi32, #tpu.memory_space<vmem>>
        %dma_wait3A_137 = arith.constant 0 : i32
        %dma_wait3A_138 = arith.constant 0 : i32
        %dma_wait3A_139 = tpu.memref_slice %arg10[%dma_wait3A_137, %dma_wait3A_138] : memref<10112x128xf32, #tpu.memory_space<vmem_shared>> -> memref<10112x128xf32, #tpu.memory_space<vmem_shared>>
        tpu.wait_indirect_dma semaphore(%run_scoped3A : memref<!tpu.dma_semaphore, #tpu.memory_space<semaphore_mem>>) src(%arg9 : memref<128x128xf32, #tpu.memory_space<vmem>>) dst(%dma_wait3A_139 : memref<10112x128xf32, #tpu.memory_space<vmem_shared>>)
        tpu.yield
      }) : () -> ()
    }
    %scan3A_81 = arith.constant 20 : i32
    %mul3A_82 = arith.constant 2 : i32
    %mul3A_83 = arith.muli %add3A, %mul3A_82 : i32
    %add3A_84 = arith.constant 1 : i32
    %add3A_85 = arith.addi %mul3A_83, %add3A_84 : i32
    "tpu.region"() ({
      %run_scoped3A = tpu.sem_alloc : memref<!tpu.dma_semaphore, #tpu.memory_space<semaphore_mem>>
      %dma_start3A_97 = arith.constant 0 : i32
      %dma_start3A_98 = arith.constant 0 : i32
      %dma_start3A_99 = tpu.memref_slice %arg3[%add3A_85, %dma_start3A_97, %dma_start3A_98] : memref<64x40x128xi32, #tpu.memory_space<hbm>> -> memref<1x40x128xi32, #tpu.memory_space<hbm>>
      %dma_start3A_100 = tpu.memref_squeeze %dma_start3A_99 : memref<1x40x128xi32, #tpu.memory_space<hbm>> -> memref<40x128xi32, #tpu.memory_space<hbm>>
      %dma_start3A_101 = arith.constant 0 : i32
      %dma_start3A_102 = arith.constant 0 : i32
      %dma_start3A_103 = tpu.memref_slice %arg3[%add3A_85, %dma_start3A_101, %dma_start3A_102] : memref<64x40x128xi32, #tpu.memory_space<hbm>> -> memref<1x40x128xi32, #tpu.memory_space<hbm>>
      %dma_start3A_104 = tpu.memref_squeeze %dma_start3A_103 : memref<1x40x128xi32, #tpu.memory_space<hbm>> -> memref<40x128xi32, #tpu.memory_space<hbm>>
      tpu.enqueue_dma source(%dma_start3A_104 : memref<40x128xi32, #tpu.memory_space<hbm>>) target(%arg6 : memref<40x128xi32, #tpu.memory_space<vmem>>) target_semaphore(%run_scoped3A : memref<!tpu.dma_semaphore, #tpu.memory_space<semaphore_mem>>)
      %dma_wait3A_105 = arith.constant 0 : i32
      %dma_wait3A_106 = arith.constant 0 : i32
      %dma_wait3A_107 = tpu.memref_slice %arg3[%add3A_85, %dma_wait3A_105, %dma_wait3A_106] : memref<64x40x128xi32, #tpu.memory_space<hbm>> -> memref<1x40x128xi32, #tpu.memory_space<hbm>>
      %dma_wait3A_108 = tpu.memref_squeeze %dma_wait3A_107 : memref<1x40x128xi32, #tpu.memory_space<hbm>> -> memref<40x128xi32, #tpu.memory_space<hbm>>
      %dma_wait3A_109 = arith.constant 0 : i32
      %dma_wait3A_110 = arith.constant 0 : i32
      %dma_wait3A_111 = tpu.memref_slice %arg3[%add3A_85, %dma_wait3A_109, %dma_wait3A_110] : memref<64x40x128xi32, #tpu.memory_space<hbm>> -> memref<1x40x128xi32, #tpu.memory_space<hbm>>
      %dma_wait3A_112 = tpu.memref_squeeze %dma_wait3A_111 : memref<1x40x128xi32, #tpu.memory_space<hbm>> -> memref<40x128xi32, #tpu.memory_space<hbm>>
      tpu.wait_dma2 semaphore(%run_scoped3A : memref<!tpu.dma_semaphore, #tpu.memory_space<semaphore_mem>>) src(%dma_wait3A_112 : memref<40x128xi32, #tpu.memory_space<hbm>>) dst(%arg6 : memref<40x128xi32, #tpu.memory_space<vmem>>)
      tpu.yield
    }) : () -> ()
    %mul3A_86 = arith.constant 2 : i32
    %mul3A_87 = arith.muli %add3A, %mul3A_86 : i32
    %add3A_88 = arith.constant 1 : i32
    %add3A_89 = arith.addi %mul3A_87, %add3A_88 : i32
    "tpu.region"() ({
      %run_scoped3A = tpu.sem_alloc : memref<!tpu.dma_semaphore, #tpu.memory_space<semaphore_mem>>
      %dma_start3A_97 = arith.constant 0 : i32
      %dma_start3A_98 = arith.constant 0 : i32
      %dma_start3A_99 = tpu.memref_slice %arg4[%add3A_89, %dma_start3A_97, %dma_start3A_98] : memref<64x40x128xi32, #tpu.memory_space<hbm>> -> memref<1x40x128xi32, #tpu.memory_space<hbm>>
      %dma_start3A_100 = tpu.memref_squeeze %dma_start3A_99 : memref<1x40x128xi32, #tpu.memory_space<hbm>> -> memref<40x128xi32, #tpu.memory_space<hbm>>
      %dma_start3A_101 = arith.constant 0 : i32
      %dma_start3A_102 = arith.constant 0 : i32
      %dma_start3A_103 = tpu.memref_slice %arg4[%add3A_89, %dma_start3A_101, %dma_start3A_102] : memref<64x40x128xi32, #tpu.memory_space<hbm>> -> memref<1x40x128xi32, #tpu.memory_space<hbm>>
      %dma_start3A_104 = tpu.memref_squeeze %dma_start3A_103 : memref<1x40x128xi32, #tpu.memory_space<hbm>> -> memref<40x128xi32, #tpu.memory_space<hbm>>
      tpu.enqueue_dma source(%dma_start3A_104 : memref<40x128xi32, #tpu.memory_space<hbm>>) target(%arg7 : memref<40x128xi32, #tpu.memory_space<vmem>>) target_semaphore(%run_scoped3A : memref<!tpu.dma_semaphore, #tpu.memory_space<semaphore_mem>>)
      %dma_wait3A_105 = arith.constant 0 : i32
      %dma_wait3A_106 = arith.constant 0 : i32
      %dma_wait3A_107 = tpu.memref_slice %arg4[%add3A_89, %dma_wait3A_105, %dma_wait3A_106] : memref<64x40x128xi32, #tpu.memory_space<hbm>> -> memref<1x40x128xi32, #tpu.memory_space<hbm>>
      %dma_wait3A_108 = tpu.memref_squeeze %dma_wait3A_107 : memref<1x40x128xi32, #tpu.memory_space<hbm>> -> memref<40x128xi32, #tpu.memory_space<hbm>>
      %dma_wait3A_109 = arith.constant 0 : i32
      %dma_wait3A_110 = arith.constant 0 : i32
      %dma_wait3A_111 = tpu.memref_slice %arg4[%add3A_89, %dma_wait3A_109, %dma_wait3A_110] : memref<64x40x128xi32, #tpu.memory_space<hbm>> -> memref<1x40x128xi32, #tpu.memory_space<hbm>>
      %dma_wait3A_112 = tpu.memref_squeeze %dma_wait3A_111 : memref<1x40x128xi32, #tpu.memory_space<hbm>> -> memref<40x128xi32, #tpu.memory_space<hbm>>
      tpu.wait_dma2 semaphore(%run_scoped3A : memref<!tpu.dma_semaphore, #tpu.memory_space<semaphore_mem>>) src(%dma_wait3A_112 : memref<40x128xi32, #tpu.memory_space<hbm>>) dst(%arg7 : memref<40x128xi32, #tpu.memory_space<vmem>>)
      tpu.yield
    }) : () -> ()
    %scan3A_90 = arith.constant 0 : i32
    %scan3A_91 = arith.constant 0 : i32
    %scan3A_92 = arith.constant 20 : i32
    %scan3A_93 = arith.addi %scan3A_91, %scan3A_92 : i32
    %scan3A_94 = arith.constant 1 : i32
    scf.for %scan3A_97 = %scan3A_91 to %scan3A_93 step %scan3A_94  : i32 {
      %mul3A_98 = arith.constant 2 : i32
      %mul3A_99 = arith.muli %mul3A_98, %scan3A_97 : i32
      %dma_start3A_100 = arith.constant 0 : i32
      %dma_start3A_101 = tpu.memref_slice %arg6[%mul3A_99, %dma_start3A_100] : memref<40x128xi32, #tpu.memory_space<vmem>> -> memref<1x128xi32, #tpu.memory_space<vmem>>
      %dma_start3A_102 = tpu.memref_squeeze %dma_start3A_101 : memref<1x128xi32, #tpu.memory_space<vmem>> -> memref<128xi32, #tpu.memory_space<vmem>>
      %dma_start3A_103 = arith.constant 0 : i32
      %dma_start3A_104 = arith.constant 0 : i32
      %dma_start3A_105 = tpu.memref_slice %arg2[%dma_start3A_103, %dma_start3A_104] : memref<10000x128xf32, #tpu.memory_space<hbm>> -> memref<10000x128xf32, #tpu.memory_space<hbm>>
      tpu.enqueue_indirect_dma source(%dma_start3A_105 : memref<10000x128xf32, #tpu.memory_space<hbm>>) target(%arg8 : memref<128x128xf32, #tpu.memory_space<vmem>>) offsets(%dma_start3A_102 : memref<128xi32, #tpu.memory_space<vmem>>) semaphore(%arg11 : memref<!tpu.dma_semaphore, #tpu.memory_space<semaphore_mem>>)
      %add3A_106 = arith.constant 1 : i32
      %add3A_107 = arith.addi %mul3A_99, %add3A_106 : i32
      %dma_start3A_108 = arith.constant 0 : i32
      %dma_start3A_109 = tpu.memref_slice %arg6[%add3A_107, %dma_start3A_108] : memref<40x128xi32, #tpu.memory_space<vmem>> -> memref<1x128xi32, #tpu.memory_space<vmem>>
      %dma_start3A_110 = tpu.memref_squeeze %dma_start3A_109 : memref<1x128xi32, #tpu.memory_space<vmem>> -> memref<128xi32, #tpu.memory_space<vmem>>
      %dma_start3A_111 = arith.constant 0 : i32
      %dma_start3A_112 = arith.constant 0 : i32
      %dma_start3A_113 = tpu.memref_slice %arg2[%dma_start3A_111, %dma_start3A_112] : memref<10000x128xf32, #tpu.memory_space<hbm>> -> memref<10000x128xf32, #tpu.memory_space<hbm>>
      tpu.enqueue_indirect_dma source(%dma_start3A_113 : memref<10000x128xf32, #tpu.memory_space<hbm>>) target(%arg9 : memref<128x128xf32, #tpu.memory_space<vmem>>) offsets(%dma_start3A_110 : memref<128xi32, #tpu.memory_space<vmem>>) semaphore(%arg12 : memref<!tpu.dma_semaphore, #tpu.memory_space<semaphore_mem>>)
      %dma_wait3A_114 = arith.constant 0 : i32
      %dma_wait3A_115 = tpu.memref_slice %arg6[%mul3A_99, %dma_wait3A_114] : memref<40x128xi32, #tpu.memory_space<vmem>> -> memref<1x128xi32, #tpu.memory_space<vmem>>
      %dma_wait3A_116 = tpu.memref_squeeze %dma_wait3A_115 : memref<1x128xi32, #tpu.memory_space<vmem>> -> memref<128xi32, #tpu.memory_space<vmem>>
      %dma_wait3A_117 = arith.constant 0 : i32
      %dma_wait3A_118 = arith.constant 0 : i32
      %dma_wait3A_119 = tpu.memref_slice %arg2[%dma_wait3A_117, %dma_wait3A_118] : memref<10000x128xf32, #tpu.memory_space<hbm>> -> memref<10000x128xf32, #tpu.memory_space<hbm>>
      tpu.wait_indirect_dma semaphore(%arg11 : memref<!tpu.dma_semaphore, #tpu.memory_space<semaphore_mem>>) src(%dma_wait3A_119 : memref<10000x128xf32, #tpu.memory_space<hbm>>) dst(%arg8 : memref<128x128xf32, #tpu.memory_space<vmem>>)
      "tpu.region"() ({
        %run_scoped3A = tpu.sem_alloc : memref<!tpu.dma_semaphore, #tpu.memory_space<semaphore_mem>>
        %dma_start3A_128 = arith.constant 0 : i32
        %dma_start3A_129 = tpu.memref_slice %arg7[%mul3A_99, %dma_start3A_128] : memref<40x128xi32, #tpu.memory_space<vmem>> -> memref<1x128xi32, #tpu.memory_space<vmem>>
        %dma_start3A_130 = tpu.memref_squeeze %dma_start3A_129 : memref<1x128xi32, #tpu.memory_space<vmem>> -> memref<128xi32, #tpu.memory_space<vmem>>
        %dma_start3A_131 = arith.constant 0 : i32
        %dma_start3A_132 = arith.constant 0 : i32
        %dma_start3A_133 = tpu.memref_slice %arg10[%dma_start3A_131, %dma_start3A_132] : memref<10112x128xf32, #tpu.memory_space<vmem_shared>> -> memref<10112x128xf32, #tpu.memory_space<vmem_shared>>
        tpu.enqueue_indirect_dma source(%arg8 : memref<128x128xf32, #tpu.memory_space<vmem>>) target(%dma_start3A_133 : memref<10112x128xf32, #tpu.memory_space<vmem_shared>>) offsets(%dma_start3A_130 : memref<128xi32, #tpu.memory_space<vmem>>) semaphore(%run_scoped3A : memref<!tpu.dma_semaphore, #tpu.memory_space<semaphore_mem>>) {add = true}
        %dma_wait3A_134 = arith.constant 0 : i32
        %dma_wait3A_135 = tpu.memref_slice %arg7[%mul3A_99, %dma_wait3A_134] : memref<40x128xi32, #tpu.memory_space<vmem>> -> memref<1x128xi32, #tpu.memory_space<vmem>>
        %dma_wait3A_136 = tpu.memref_squeeze %dma_wait3A_135 : memref<1x128xi32, #tpu.memory_space<vmem>> -> memref<128xi32, #tpu.memory_space<vmem>>
        %dma_wait3A_137 = arith.constant 0 : i32
        %dma_wait3A_138 = arith.constant 0 : i32
        %dma_wait3A_139 = tpu.memref_slice %arg10[%dma_wait3A_137, %dma_wait3A_138] : memref<10112x128xf32, #tpu.memory_space<vmem_shared>> -> memref<10112x128xf32, #tpu.memory_space<vmem_shared>>
        tpu.wait_indirect_dma semaphore(%run_scoped3A : memref<!tpu.dma_semaphore, #tpu.memory_space<semaphore_mem>>) src(%arg8 : memref<128x128xf32, #tpu.memory_space<vmem>>) dst(%dma_wait3A_139 : memref<10112x128xf32, #tpu.memory_space<vmem_shared>>)
        tpu.yield
      }) : () -> ()
      %dma_wait3A_120 = arith.constant 0 : i32
      %dma_wait3A_121 = tpu.memref_slice %arg6[%add3A_107, %dma_wait3A_120] : memref<40x128xi32, #tpu.memory_space<vmem>> -> memref<1x128xi32, #tpu.memory_space<vmem>>
      %dma_wait3A_122 = tpu.memref_squeeze %dma_wait3A_121 : memref<1x128xi32, #tpu.memory_space<vmem>> -> memref<128xi32, #tpu.memory_space<vmem>>
      %dma_wait3A_123 = arith.constant 0 : i32
      %dma_wait3A_124 = arith.constant 0 : i32
      %dma_wait3A_125 = tpu.memref_slice %arg2[%dma_wait3A_123, %dma_wait3A_124] : memref<10000x128xf32, #tpu.memory_space<hbm>> -> memref<10000x128xf32, #tpu.memory_space<hbm>>
      tpu.wait_indirect_dma semaphore(%arg12 : memref<!tpu.dma_semaphore, #tpu.memory_space<semaphore_mem>>) src(%dma_wait3A_125 : memref<10000x128xf32, #tpu.memory_space<hbm>>) dst(%arg9 : memref<128x128xf32, #tpu.memory_space<vmem>>)
      %add3A_126 = arith.constant 1 : i32
      %add3A_127 = arith.addi %mul3A_99, %add3A_126 : i32
      "tpu.region"() ({
        %run_scoped3A = tpu.sem_alloc : memref<!tpu.dma_semaphore, #tpu.memory_space<semaphore_mem>>
        %dma_start3A_128 = arith.constant 0 : i32
        %dma_start3A_129 = tpu.memref_slice %arg7[%add3A_127, %dma_start3A_128] : memref<40x128xi32, #tpu.memory_space<vmem>> -> memref<1x128xi32, #tpu.memory_space<vmem>>
        %dma_start3A_130 = tpu.memref_squeeze %dma_start3A_129 : memref<1x128xi32, #tpu.memory_space<vmem>> -> memref<128xi32, #tpu.memory_space<vmem>>
        %dma_start3A_131 = arith.constant 0 : i32
        %dma_start3A_132 = arith.constant 0 : i32
        %dma_start3A_133 = tpu.memref_slice %arg10[%dma_start3A_131, %dma_start3A_132] : memref<10112x128xf32, #tpu.memory_space<vmem_shared>> -> memref<10112x128xf32, #tpu.memory_space<vmem_shared>>
        tpu.enqueue_indirect_dma source(%arg9 : memref<128x128xf32, #tpu.memory_space<vmem>>) target(%dma_start3A_133 : memref<10112x128xf32, #tpu.memory_space<vmem_shared>>) offsets(%dma_start3A_130 : memref<128xi32, #tpu.memory_space<vmem>>) semaphore(%run_scoped3A : memref<!tpu.dma_semaphore, #tpu.memory_space<semaphore_mem>>) {add = true}
        %dma_wait3A_134 = arith.constant 0 : i32
        %dma_wait3A_135 = tpu.memref_slice %arg7[%add3A_127, %dma_wait3A_134] : memref<40x128xi32, #tpu.memory_space<vmem>> -> memref<1x128xi32, #tpu.memory_space<vmem>>
        %dma_wait3A_136 = tpu.memref_squeeze %dma_wait3A_135 : memref<1x128xi32, #tpu.memory_space<vmem>> -> memref<128xi32, #tpu.memory_space<vmem>>
        %dma_wait3A_137 = arith.constant 0 : i32
        %dma_wait3A_138 = arith.constant 0 : i32
        %dma_wait3A_139 = tpu.memref_slice %arg10[%dma_wait3A_137, %dma_wait3A_138] : memref<10112x128xf32, #tpu.memory_space<vmem_shared>> -> memref<10112x128xf32, #tpu.memory_space<vmem_shared>>
        tpu.wait_indirect_dma semaphore(%run_scoped3A : memref<!tpu.dma_semaphore, #tpu.memory_space<semaphore_mem>>) src(%arg9 : memref<128x128xf32, #tpu.memory_space<vmem>>) dst(%dma_wait3A_139 : memref<10112x128xf32, #tpu.memory_space<vmem_shared>>)
        tpu.yield
      }) : () -> ()
    }
    %scan3A_95 = arith.constant 20 : i32
    %barrier3A_96 = arith.constant 0 : index
    tpu.barrier barrier_id(%barrier3A_96)
    "tpu.region"() ({
      %run_scoped3A = tpu.sem_alloc : memref<!tpu.dma_semaphore, #tpu.memory_space<semaphore_mem>>
      %dma_start3A_97 = arith.constant 0 : i32
      %dma_start3A_98 = tpu.memref_slice %arg5[%arg0, %mul3A_2, %dma_start3A_97] : memref<2x10112x128xf32, #tpu.memory_space<hbm>> -> memref<1x632x128xf32, #tpu.memory_space<hbm>>
      %dma_start3A_99 = tpu.memref_squeeze %dma_start3A_98 : memref<1x632x128xf32, #tpu.memory_space<hbm>> -> memref<632x128xf32, #tpu.memory_space<hbm>>
      %dma_start3A_100 = arith.constant 0 : i32
      %dma_start3A_101 = tpu.memref_slice %arg10[%mul3A_2, %dma_start3A_100] : memref<10112x128xf32, #tpu.memory_space<vmem_shared>> -> memref<632x128xf32, #tpu.memory_space<vmem_shared>>
      tpu.enqueue_dma source(%dma_start3A_101 : memref<632x128xf32, #tpu.memory_space<vmem_shared>>) target(%dma_start3A_99 : memref<632x128xf32, #tpu.memory_space<hbm>>) target_semaphore(%run_scoped3A : memref<!tpu.dma_semaphore, #tpu.memory_space<semaphore_mem>>)
      %dma_wait3A_102 = arith.constant 0 : i32
      %dma_wait3A_103 = tpu.memref_slice %arg5[%arg0, %mul3A_2, %dma_wait3A_102] : memref<2x10112x128xf32, #tpu.memory_space<hbm>> -> memref<1x632x128xf32, #tpu.memory_space<hbm>>
      %dma_wait3A_104 = tpu.memref_squeeze %dma_wait3A_103 : memref<1x632x128xf32, #tpu.memory_space<hbm>> -> memref<632x128xf32, #tpu.memory_space<hbm>>
      %dma_wait3A_105 = arith.constant 0 : i32
      %dma_wait3A_106 = tpu.memref_slice %arg10[%mul3A_2, %dma_wait3A_105] : memref<10112x128xf32, #tpu.memory_space<vmem_shared>> -> memref<632x128xf32, #tpu.memory_space<vmem_shared>>
      tpu.wait_dma2 semaphore(%run_scoped3A : memref<!tpu.dma_semaphore, #tpu.memory_space<semaphore_mem>>) src(%dma_wait3A_106 : memref<632x128xf32, #tpu.memory_space<vmem_shared>>) dst(%dma_wait3A_104 : memref<632x128xf32, #tpu.memory_space<hbm>>)
      tpu.yield
    }) : () -> ()
    return
  }
}

module attributes {stable_mosaic.version = 14 : i64} {
  func.func @_mlp0_body(%arg0: memref<2x10112x128xf32, #tpu.memory_space<vmem>>, %arg1: memref<32x5x10112xf32, #tpu.memory_space<vmem>>, %arg2: memref<10000x128xf32, #tpu.memory_space<vmem>>, %arg3: memref<5x1xf32, #tpu.memory_space<vmem>>, %arg4: memref<5x128xf32, #tpu.memory_space<vmem>>, %arg5: memref<128x256xf32, #tpu.memory_space<vmem>>, %arg6: memref<1x256xf32, #tpu.memory_space<vmem>>, %arg7: memref<1x256xf32, #tpu.memory_space<vmem>>, %arg8: memref<1x256xf32, #tpu.memory_space<vmem>>, %arg9: memref<256x128xf32, #tpu.memory_space<vmem>>, %arg10: memref<1x128xf32, #tpu.memory_space<vmem>>, %arg11: memref<10000x128xf32, #tpu.memory_space<vmem>>) attributes {dimension_semantics = [], scalar_prefetch = 0 : i64, scratch_operands = 0 : i64, tpu.core_type = #tpu.core_type<tc>} {
    %get3A = arith.constant 0 : index
    %get3A_0 = arith.constant 0 : index
    %get3A_1 = arith.constant 0 : index
    %get3A_2 = vector.load %arg0[%get3A, %get3A_0, %get3A_1] : memref<2x10112x128xf32, #tpu.memory_space<vmem>>, vector<1x10000x128xf32>
    %get3A_3 = vector.shape_cast %get3A_2 : vector<1x10000x128xf32> to vector<10000x128xf32>
    %get3A_4 = arith.constant 1 : index
    %get3A_5 = arith.constant 0 : index
    %get3A_6 = arith.constant 0 : index
    %get3A_7 = vector.load %arg0[%get3A_4, %get3A_5, %get3A_6] : memref<2x10112x128xf32, #tpu.memory_space<vmem>>, vector<1x10000x128xf32>
    %get3A_8 = vector.shape_cast %get3A_7 : vector<1x10000x128xf32> to vector<10000x128xf32>
    %add3A = arith.addf %get3A_3, %get3A_8 : vector<10000x128xf32>
    %get3A_9 = arith.constant 0 : index
    %get3A_10 = arith.constant 0 : index
    %get3A_11 = vector.load %arg2[%get3A_9, %get3A_10] : memref<10000x128xf32, #tpu.memory_space<vmem>>, vector<10000x128xf32>
    %add3A_12 = arith.addf %add3A, %get3A_11 : vector<10000x128xf32>
    %get3A_13 = arith.constant 0 : index
    %get3A_14 = arith.constant 0 : index
    %get3A_15 = arith.constant 0 : index
    %get3A_16 = vector.load %arg1[%get3A_13, %get3A_14, %get3A_15] : memref<32x5x10112xf32, #tpu.memory_space<vmem>>, vector<32x5x10112xf32>
    %reduce_sum3A = arith.constant dense<0.000000e+00> : vector<5x10112xf32>
    %reduce_sum3A_17 = vector.multi_reduction <add>, %get3A_16, %reduce_sum3A [0] : vector<32x5x10112xf32> to vector<5x10112xf32>
    %slice3A = vector.extract_strided_slice %reduce_sum3A_17 {offsets = [0, 0], sizes = [5, 10000], strides = [1, 1]} : vector<5x10112xf32> to vector<5x10000xf32>
    %get3A_18 = arith.constant 0 : index
    %get3A_19 = arith.constant 0 : index
    %get3A_20 = vector.load %arg3[%get3A_18, %get3A_19] : memref<5x1xf32, #tpu.memory_space<vmem>>, vector<5x1xf32>
    %add3A_21 = vector.broadcast %get3A_20 : vector<5x1xf32> to vector<5x10000xf32>
    %add3A_22 = arith.addf %slice3A, %add3A_21 : vector<5x10000xf32>
    %get3A_23 = arith.constant 0 : index
    %get3A_24 = arith.constant 0 : index
    %get3A_25 = vector.load %arg4[%get3A_23, %get3A_24] : memref<5x128xf32, #tpu.memory_space<vmem>>, vector<5x128xf32>
    %dot_general3A = arith.constant dense<0.000000e+00> : vector<10000x128xf32>
    %dot_general3A_26 = tpu.matmul %add3A_22, %get3A_25, %dot_general3A {dimension_numbers = #tpu.dot_dimension_numbers<[0], [0], [1], [1], [0, 1, 1, 1], [], []>, transpose_lhs_hint = false} : vector<5x10000xf32>, vector<5x128xf32>, vector<10000x128xf32> -> vector<10000x128xf32>
    %add3A_27 = arith.addf %add3A_12, %dot_general3A_26 : vector<10000x128xf32>
    %get3A_28 = arith.constant 0 : index
    %get3A_29 = arith.constant 0 : index
    %get3A_30 = vector.load %arg5[%get3A_28, %get3A_29] : memref<128x256xf32, #tpu.memory_space<vmem>>, vector<128x256xf32>
    %dot_general3A_31 = arith.constant dense<0.000000e+00> : vector<10000x256xf32>
    %dot_general3A_32 = tpu.matmul %add3A_27, %get3A_30, %dot_general3A_31 {dimension_numbers = #tpu.dot_dimension_numbers<[1], [0], [0], [1], [0, 0, 1, 1], [], []>, transpose_lhs_hint = false} : vector<10000x128xf32>, vector<128x256xf32>, vector<10000x256xf32> -> vector<10000x256xf32>
    %get3A_33 = arith.constant 0 : index
    %get3A_34 = arith.constant 0 : index
    %get3A_35 = vector.load %arg6[%get3A_33, %get3A_34] : memref<1x256xf32, #tpu.memory_space<vmem>>, vector<1x256xf32>
    %add3A_36 = vector.broadcast %get3A_35 : vector<1x256xf32> to vector<10000x256xf32>
    %add3A_37 = arith.addf %dot_general3A_32, %add3A_36 : vector<10000x256xf32>
    %reduce_sum3A_38 = arith.constant dense<0.000000e+00> : vector<256xf32>
    %reduce_sum3A_39 = vector.multi_reduction <add>, %add3A_37, %reduce_sum3A_38 [0] : vector<10000x256xf32> to vector<256xf32>
    %broadcast_in_dim3A = vector.shape_cast %reduce_sum3A_39 : vector<256xf32> to vector<1x256xf32>
    %div3A = arith.constant 1.000000e+04 : f32
    %div3A_40 = vector.broadcast %div3A : f32 to vector<1x256xf32>
    %div3A_41 = arith.divf %broadcast_in_dim3A, %div3A_40 : vector<1x256xf32>
    %sub3A = vector.broadcast %div3A_41 : vector<1x256xf32> to vector<10000x256xf32>
    %sub3A_42 = arith.subf %add3A_37, %sub3A : vector<10000x256xf32>
    %sub3A_43 = vector.broadcast %div3A_41 : vector<1x256xf32> to vector<10000x256xf32>
    %sub3A_44 = arith.subf %add3A_37, %sub3A_43 : vector<10000x256xf32>
    %mul3A = arith.mulf %sub3A_42, %sub3A_44 : vector<10000x256xf32>
    %reduce_sum3A_45 = arith.constant dense<0.000000e+00> : vector<256xf32>
    %reduce_sum3A_46 = vector.multi_reduction <add>, %mul3A, %reduce_sum3A_45 [0] : vector<10000x256xf32> to vector<256xf32>
    %broadcast_in_dim3A_47 = vector.shape_cast %reduce_sum3A_46 : vector<256xf32> to vector<1x256xf32>
    %div3A_48 = arith.constant 1.000000e+04 : f32
    %div3A_49 = vector.broadcast %div3A_48 : f32 to vector<1x256xf32>
    %div3A_50 = arith.divf %broadcast_in_dim3A_47, %div3A_49 : vector<1x256xf32>
    %sub3A_51 = vector.broadcast %div3A_41 : vector<1x256xf32> to vector<10000x256xf32>
    %sub3A_52 = arith.subf %add3A_37, %sub3A_51 : vector<10000x256xf32>
    %add3A_53 = arith.constant 9.99999974E-6 : f32
    %add3A_54 = vector.broadcast %add3A_53 : f32 to vector<1x256xf32>
    %add3A_55 = arith.addf %div3A_50, %add3A_54 : vector<1x256xf32>
    %rsqrt3A = math.rsqrt %add3A_55 : vector<1x256xf32>
    %mul3A_56 = vector.broadcast %rsqrt3A : vector<1x256xf32> to vector<10000x256xf32>
    %mul3A_57 = arith.mulf %sub3A_52, %mul3A_56 : vector<10000x256xf32>
    %get3A_58 = arith.constant 0 : index
    %get3A_59 = arith.constant 0 : index
    %get3A_60 = vector.load %arg7[%get3A_58, %get3A_59] : memref<1x256xf32, #tpu.memory_space<vmem>>, vector<1x256xf32>
    %mul3A_61 = vector.broadcast %get3A_60 : vector<1x256xf32> to vector<10000x256xf32>
    %mul3A_62 = arith.mulf %mul3A_57, %mul3A_61 : vector<10000x256xf32>
    %get3A_63 = arith.constant 0 : index
    %get3A_64 = arith.constant 0 : index
    %get3A_65 = vector.load %arg8[%get3A_63, %get3A_64] : memref<1x256xf32, #tpu.memory_space<vmem>>, vector<1x256xf32>
    %add3A_66 = vector.broadcast %get3A_65 : vector<1x256xf32> to vector<10000x256xf32>
    %add3A_67 = arith.addf %mul3A_62, %add3A_66 : vector<10000x256xf32>
    %max3A = arith.constant 0.000000e+00 : f32
    %max3A_68 = vector.broadcast %max3A : f32 to vector<10000x256xf32>
    %max3A_69 = arith.maximumf %add3A_67, %max3A_68 : vector<10000x256xf32>
    %get3A_70 = arith.constant 0 : index
    %get3A_71 = arith.constant 0 : index
    %get3A_72 = vector.load %arg9[%get3A_70, %get3A_71] : memref<256x128xf32, #tpu.memory_space<vmem>>, vector<256x128xf32>
    %dot_general3A_73 = arith.constant dense<0.000000e+00> : vector<10000x128xf32>
    %dot_general3A_74 = tpu.matmul %max3A_69, %get3A_72, %dot_general3A_73 {dimension_numbers = #tpu.dot_dimension_numbers<[1], [0], [0], [1], [0, 0, 1, 1], [], []>, transpose_lhs_hint = false} : vector<10000x256xf32>, vector<256x128xf32>, vector<10000x128xf32> -> vector<10000x128xf32>
    %get3A_75 = arith.constant 0 : index
    %get3A_76 = arith.constant 0 : index
    %get3A_77 = vector.load %arg10[%get3A_75, %get3A_76] : memref<1x128xf32, #tpu.memory_space<vmem>>, vector<1x128xf32>
    %add3A_78 = vector.broadcast %get3A_77 : vector<1x128xf32> to vector<10000x128xf32>
    %add3A_79 = arith.addf %dot_general3A_74, %add3A_78 : vector<10000x128xf32>
    %max3A_80 = arith.constant 0.000000e+00 : f32
    %max3A_81 = vector.broadcast %max3A_80 : f32 to vector<10000x128xf32>
    %max3A_82 = arith.maximumf %add3A_79, %max3A_81 : vector<10000x128xf32>
    %swap3A = arith.constant 0 : index
    %swap3A_83 = arith.constant 0 : index
    %swap3A_84 = vector.load %arg11[%swap3A, %swap3A_83] : memref<10000x128xf32, #tpu.memory_space<vmem>>, vector<10000x128xf32>
    tpu.vector_store %arg11[%swap3A, %swap3A_83], %max3A_82 {strides = array<i32>} : memref<10000x128xf32, #tpu.memory_space<vmem>>, vector<10000x128xf32>,
    return
  }
}

module attributes {stable_mosaic.version = 14 : i64} {
  func.func @_mlp1_body(%arg0: memref<2x10112x128xf32, #tpu.memory_space<vmem>>, %arg1: memref<32x5x10112xf32, #tpu.memory_space<vmem>>, %arg2: memref<10000x128xf32, #tpu.memory_space<vmem>>, %arg3: memref<5x1xf32, #tpu.memory_space<vmem>>, %arg4: memref<5x128xf32, #tpu.memory_space<vmem>>, %arg5: memref<128x256xf32, #tpu.memory_space<vmem>>, %arg6: memref<128x256xf32, #tpu.memory_space<vmem>>, %arg7: memref<1x256xf32, #tpu.memory_space<vmem>>, %arg8: memref<1x256xf32, #tpu.memory_space<vmem>>, %arg9: memref<1x256xf32, #tpu.memory_space<vmem>>, %arg10: memref<256x128xf32, #tpu.memory_space<vmem>>, %arg11: memref<1x128xf32, #tpu.memory_space<vmem>>, %arg12: memref<10000x128xf32, #tpu.memory_space<vmem>>) attributes {dimension_semantics = [], scalar_prefetch = 0 : i64, scratch_operands = 0 : i64, tpu.core_type = #tpu.core_type<tc>} {
    %get3A = arith.constant 0 : index
    %get3A_0 = arith.constant 0 : index
    %get3A_1 = arith.constant 0 : index
    %get3A_2 = vector.load %arg0[%get3A, %get3A_0, %get3A_1] : memref<2x10112x128xf32, #tpu.memory_space<vmem>>, vector<1x10000x128xf32>
    %get3A_3 = vector.shape_cast %get3A_2 : vector<1x10000x128xf32> to vector<10000x128xf32>
    %get3A_4 = arith.constant 1 : index
    %get3A_5 = arith.constant 0 : index
    %get3A_6 = arith.constant 0 : index
    %get3A_7 = vector.load %arg0[%get3A_4, %get3A_5, %get3A_6] : memref<2x10112x128xf32, #tpu.memory_space<vmem>>, vector<1x10000x128xf32>
    %get3A_8 = vector.shape_cast %get3A_7 : vector<1x10000x128xf32> to vector<10000x128xf32>
    %add3A = arith.addf %get3A_3, %get3A_8 : vector<10000x128xf32>
    %get3A_9 = arith.constant 0 : index
    %get3A_10 = arith.constant 0 : index
    %get3A_11 = vector.load %arg2[%get3A_9, %get3A_10] : memref<10000x128xf32, #tpu.memory_space<vmem>>, vector<10000x128xf32>
    %add3A_12 = arith.addf %add3A, %get3A_11 : vector<10000x128xf32>
    %get3A_13 = arith.constant 0 : index
    %get3A_14 = arith.constant 0 : index
    %get3A_15 = arith.constant 0 : index
    %get3A_16 = vector.load %arg1[%get3A_13, %get3A_14, %get3A_15] : memref<32x5x10112xf32, #tpu.memory_space<vmem>>, vector<32x5x10112xf32>
    %reduce_sum3A = arith.constant dense<0.000000e+00> : vector<5x10112xf32>
    %reduce_sum3A_17 = vector.multi_reduction <add>, %get3A_16, %reduce_sum3A [0] : vector<32x5x10112xf32> to vector<5x10112xf32>
    %slice3A = vector.extract_strided_slice %reduce_sum3A_17 {offsets = [0, 0], sizes = [5, 10000], strides = [1, 1]} : vector<5x10112xf32> to vector<5x10000xf32>
    %get3A_18 = arith.constant 0 : index
    %get3A_19 = arith.constant 0 : index
    %get3A_20 = vector.load %arg3[%get3A_18, %get3A_19] : memref<5x1xf32, #tpu.memory_space<vmem>>, vector<5x1xf32>
    %add3A_21 = vector.broadcast %get3A_20 : vector<5x1xf32> to vector<5x10000xf32>
    %add3A_22 = arith.addf %slice3A, %add3A_21 : vector<5x10000xf32>
    %get3A_23 = arith.constant 0 : index
    %get3A_24 = arith.constant 0 : index
    %get3A_25 = vector.load %arg4[%get3A_23, %get3A_24] : memref<5x128xf32, #tpu.memory_space<vmem>>, vector<5x128xf32>
    %dot_general3A = arith.constant dense<0.000000e+00> : vector<10000x128xf32>
    %dot_general3A_26 = tpu.matmul %add3A_22, %get3A_25, %dot_general3A {dimension_numbers = #tpu.dot_dimension_numbers<[0], [0], [1], [1], [0, 1, 1, 1], [], []>, transpose_lhs_hint = false} : vector<5x10000xf32>, vector<5x128xf32>, vector<10000x128xf32> -> vector<10000x128xf32>
    %get3A_27 = arith.constant 0 : index
    %get3A_28 = arith.constant 0 : index
    %get3A_29 = vector.load %arg5[%get3A_27, %get3A_28] : memref<128x256xf32, #tpu.memory_space<vmem>>, vector<128x256xf32>
    %dot_general3A_30 = arith.constant dense<0.000000e+00> : vector<10000x256xf32>
    %dot_general3A_31 = tpu.matmul %add3A_12, %get3A_29, %dot_general3A_30 {dimension_numbers = #tpu.dot_dimension_numbers<[1], [0], [0], [1], [0, 0, 1, 1], [], []>, transpose_lhs_hint = false} : vector<10000x128xf32>, vector<128x256xf32>, vector<10000x256xf32> -> vector<10000x256xf32>
    %get3A_32 = arith.constant 0 : index
    %get3A_33 = arith.constant 0 : index
    %get3A_34 = vector.load %arg6[%get3A_32, %get3A_33] : memref<128x256xf32, #tpu.memory_space<vmem>>, vector<128x256xf32>
    %dot_general3A_35 = arith.constant dense<0.000000e+00> : vector<10000x256xf32>
    %dot_general3A_36 = tpu.matmul %dot_general3A_26, %get3A_34, %dot_general3A_35 {dimension_numbers = #tpu.dot_dimension_numbers<[1], [0], [0], [1], [0, 0, 1, 1], [], []>, transpose_lhs_hint = false} : vector<10000x128xf32>, vector<128x256xf32>, vector<10000x256xf32> -> vector<10000x256xf32>
    %add3A_37 = arith.addf %dot_general3A_31, %dot_general3A_36 : vector<10000x256xf32>
    %get3A_38 = arith.constant 0 : index
    %get3A_39 = arith.constant 0 : index
    %get3A_40 = vector.load %arg7[%get3A_38, %get3A_39] : memref<1x256xf32, #tpu.memory_space<vmem>>, vector<1x256xf32>
    %add3A_41 = vector.broadcast %get3A_40 : vector<1x256xf32> to vector<10000x256xf32>
    %add3A_42 = arith.addf %add3A_37, %add3A_41 : vector<10000x256xf32>
    %reduce_sum3A_43 = arith.constant dense<0.000000e+00> : vector<256xf32>
    %reduce_sum3A_44 = vector.multi_reduction <add>, %add3A_42, %reduce_sum3A_43 [0] : vector<10000x256xf32> to vector<256xf32>
    %broadcast_in_dim3A = vector.shape_cast %reduce_sum3A_44 : vector<256xf32> to vector<1x256xf32>
    %div3A = arith.constant 1.000000e+04 : f32
    %div3A_45 = vector.broadcast %div3A : f32 to vector<1x256xf32>
    %div3A_46 = arith.divf %broadcast_in_dim3A, %div3A_45 : vector<1x256xf32>
    %sub3A = vector.broadcast %div3A_46 : vector<1x256xf32> to vector<10000x256xf32>
    %sub3A_47 = arith.subf %add3A_42, %sub3A : vector<10000x256xf32>
    %sub3A_48 = vector.broadcast %div3A_46 : vector<1x256xf32> to vector<10000x256xf32>
    %sub3A_49 = arith.subf %add3A_42, %sub3A_48 : vector<10000x256xf32>
    %mul3A = arith.mulf %sub3A_47, %sub3A_49 : vector<10000x256xf32>
    %reduce_sum3A_50 = arith.constant dense<0.000000e+00> : vector<256xf32>
    %reduce_sum3A_51 = vector.multi_reduction <add>, %mul3A, %reduce_sum3A_50 [0] : vector<10000x256xf32> to vector<256xf32>
    %broadcast_in_dim3A_52 = vector.shape_cast %reduce_sum3A_51 : vector<256xf32> to vector<1x256xf32>
    %div3A_53 = arith.constant 1.000000e+04 : f32
    %div3A_54 = vector.broadcast %div3A_53 : f32 to vector<1x256xf32>
    %div3A_55 = arith.divf %broadcast_in_dim3A_52, %div3A_54 : vector<1x256xf32>
    %sub3A_56 = vector.broadcast %div3A_46 : vector<1x256xf32> to vector<10000x256xf32>
    %sub3A_57 = arith.subf %add3A_42, %sub3A_56 : vector<10000x256xf32>
    %add3A_58 = arith.constant 9.99999974E-6 : f32
    %add3A_59 = vector.broadcast %add3A_58 : f32 to vector<1x256xf32>
    %add3A_60 = arith.addf %div3A_55, %add3A_59 : vector<1x256xf32>
    %rsqrt3A = math.rsqrt %add3A_60 : vector<1x256xf32>
    %mul3A_61 = vector.broadcast %rsqrt3A : vector<1x256xf32> to vector<10000x256xf32>
    %mul3A_62 = arith.mulf %sub3A_57, %mul3A_61 : vector<10000x256xf32>
    %get3A_63 = arith.constant 0 : index
    %get3A_64 = arith.constant 0 : index
    %get3A_65 = vector.load %arg8[%get3A_63, %get3A_64] : memref<1x256xf32, #tpu.memory_space<vmem>>, vector<1x256xf32>
    %mul3A_66 = vector.broadcast %get3A_65 : vector<1x256xf32> to vector<10000x256xf32>
    %mul3A_67 = arith.mulf %mul3A_62, %mul3A_66 : vector<10000x256xf32>
    %get3A_68 = arith.constant 0 : index
    %get3A_69 = arith.constant 0 : index
    %get3A_70 = vector.load %arg9[%get3A_68, %get3A_69] : memref<1x256xf32, #tpu.memory_space<vmem>>, vector<1x256xf32>
    %add3A_71 = vector.broadcast %get3A_70 : vector<1x256xf32> to vector<10000x256xf32>
    %add3A_72 = arith.addf %mul3A_67, %add3A_71 : vector<10000x256xf32>
    %max3A = arith.constant 0.000000e+00 : f32
    %max3A_73 = vector.broadcast %max3A : f32 to vector<10000x256xf32>
    %max3A_74 = arith.maximumf %add3A_72, %max3A_73 : vector<10000x256xf32>
    %get3A_75 = arith.constant 0 : index
    %get3A_76 = arith.constant 0 : index
    %get3A_77 = vector.load %arg10[%get3A_75, %get3A_76] : memref<256x128xf32, #tpu.memory_space<vmem>>, vector<256x128xf32>
    %dot_general3A_78 = arith.constant dense<0.000000e+00> : vector<10000x128xf32>
    %dot_general3A_79 = tpu.matmul %max3A_74, %get3A_77, %dot_general3A_78 {dimension_numbers = #tpu.dot_dimension_numbers<[1], [0], [0], [1], [0, 0, 1, 1], [], []>, transpose_lhs_hint = false} : vector<10000x256xf32>, vector<256x128xf32>, vector<10000x128xf32> -> vector<10000x128xf32>
    %get3A_80 = arith.constant 0 : index
    %get3A_81 = arith.constant 0 : index
    %get3A_82 = vector.load %arg11[%get3A_80, %get3A_81] : memref<1x128xf32, #tpu.memory_space<vmem>>, vector<1x128xf32>
    %add3A_83 = vector.broadcast %get3A_82 : vector<1x128xf32> to vector<10000x128xf32>
    %add3A_84 = arith.addf %dot_general3A_79, %add3A_83 : vector<10000x128xf32>
    %swap3A = arith.constant 0 : index
    %swap3A_85 = arith.constant 0 : index
    %swap3A_86 = vector.load %arg12[%swap3A, %swap3A_85] : memref<10000x128xf32, #tpu.memory_space<vmem>>, vector<10000x128xf32>
    tpu.vector_store %arg12[%swap3A, %swap3A_85], %add3A_84 {strides = array<i32>} : memref<10000x128xf32, #tpu.memory_space<vmem>>, vector<10000x128xf32>,
    return
  }
}

</mosaic_0001>

<sc_bundles>
// kernel: kernel.10.cloned.1.call-start
scs
__scs_entry_jumppad:
0x0: {  	(pc) =	sbr.rel $0x88, $3  }
0x1: {  	(tag) =	ssettag $0x0;
	lr =	simm.s32 $0x1  }
0x2: {  	[smem:$0x3F8C] =	sst lr;
	_ =	strace $0xD0000000  }
0x3: {  	_ = 	snop  }
0x4: {  	_ = 	snop  }
0x5: {  	_ = 	snop  }
0x6: {  	_ = 	snop  }
0x7: {  	_ = 	snop  }
__scs_overlays_trampoline_lowered:
0x8: {  	[smem:$0x3F9B] =	sst s0  }
0x9: {  	[smem:$0x3F9C] =	sst s1  }
0xa: {  	[smem:$0x3F9D] =	sst s2  }
0xb: {  	[smem:$0x3F9E] =	sst s3  }
0xc: {  	[smem:$0x3F9F] =	sst s4  }
0xd: {  	[smem:$0x3FA0] =	sst s5  }
0xe: {  	[smem:$0x3FA1] =	sst s6  }
0xf: {  	[smem:$0x3FA2] =	sst s7  }
0x10: {  	[smem:$0x3FA3] =	sst s8  }
0x11: {  	[smem:$0x3FA4] =	sst s9;
	s0 =	simm.s32 @!p0 $0x0  }
0x12: {  	s1 =	sld [smem:$0x3F8A];
	s0 =	simm.s32 @p0 $0x1  }
0x13: {  	[smem:$0x3FA5] =	sst s0;
	s0 =	simm.s32 @!p1 $0x0  }
0x14: {  	s2 =	sld [smem:$0x3F89];
	s0 =	simm.s32 @p1 $0x1  }
0x15: {  	[smem:$0x3FA6] =	sst s0;
	s0 =	simm.s32 @!p2 $0x0  }
0x16: {  	s3 =	sld [smem:$0x3FDB];
	s0 =	simm.s32 @p2 $0x1  }
0x17: {  	s4 =	simm.s32 $0x1BF5;
	[smem:$0x3FA8] =	sst s0  }
0x18: {  	s0 =	sld [smem:$0x3F8B];
	_ =	swait.ge [sflag:s4], $0x0  }
0x19: {  	s7 =	sld [smem:$0x3F8C]  }
0x1a: {  	s8 =	sadd.s32 $0xFFFFE003, lr  }
0x1b: {  	s9 =	sadd.s32 $0xFFFFFEF7, lr;
	s5 =	simm.s32 $0xFFFFFFFF;
	p2 =	slt.u32 s8, $0xFFFFF086  }
0x1c: {  	p1 =	slt.u32 s9, $0xF7A;
	s5 =	simm.s32 @!p2 $0x0  }
0x1d: {  	s5 =	simm.s32 @p1 $0x1;
	p0 =	seq.s32 s7, s2  }
0x1e: {  	s7 =	smul.u32 @!p0 $0xF7A, s2;
	p2 =	seq.s32 @!p0 s5, $0x0  }
0x1f: {  	s9 =	smul.u32 $0xF7A, s1;
	s8 =	simm.s32 @!p0 $0x1BF5;
	p2 =	por !p2, p0  }
0x20: {  	[sflag:s8] =	ssyncset.s32 @!p0 $0xFFFFF086;
	s6 =	sadd.s32 @!p0 s3, s7;
	s7 =	simm.s32 @!p0 $0x108  }
0x21: {  	s3 =	sadd.s32 s3, s9;
	s6 =	sadd.s32 @!p0 $0x88, s6;
	s7 =	simm.s32 @p2 $0x1082  }
0x22: {  	[simem:s7], [sflag:s8] =	dma.local @!p0 [hbm:s6], $0xF7A  }
0x23: {  	s9 =	sor.u32 $0xD0000000, s2;
	s6 =	simm.s32 $0x108;
	_ =	swait.ge @!p0 [sflag:s8], $0x0  }
0x24: {  	s3 =	sadd.s32 $0x88, s3;
	s6 =	simm.s32 @!p1 $0x1082;
	[sflag:s4] =	ssyncset.s32 $0xFFFFF086  }
0x25: {  	[simem:s6], [sflag:s4] =	dma.local [hbm:s3], $0xF7A  }
0x26: {  	[smem:$0x3F8C] =	sst s1;
	(tag) =	ssettag s2;
	_ =	strace s9  }
0x27: {  	s1 =	sld [smem:$0x3F9C]  }
0x28: {  	s2 =	sld [smem:$0x3F9D]  }
0x29: {  	s4 =	sld [smem:$0x3F9F]  }
0x2a: {  	p0 =	seq.s32 s5, $0x0;
	s5 =	sld [smem:$0x3FA0]  }
0x2b: {  	s6 =	sld [smem:$0x3FA1]  }
0x2c: {  	s7 =	sld [smem:$0x3FA2]  }
0x2d: {  	s3 =	simm.s32 $0x108;
	s8 =	sld [smem:$0x3FA3]  }
0x2e: {  	s3 =	simm.s32 @!p0 $0x1082;
	s9 =	sld [smem:$0x3FA4]  }
0x2f: {  	lr =	sadd.s32 s0, s3;
	s0 =	sld [smem:$0x3F9B]  }
0x30: {  	s3 =	sld [smem:$0x3F9E]  }
0x31: {  	[smem:$0x3FA7] =	sst s10  }
0x32: {  	s10 =	sld [smem:$0x3FA5];
	_ =	sdelay $0x3  }
0x33: {  	p0 =	seq.s32 s10, $0x1;
	s10 =	sld [smem:$0x3FA7];
	_ =	sdelay $0x3  }
0x34: {  	[smem:$0x3FA7] =	sst s10  }
0x35: {  	s10 =	sld [smem:$0x3FA6];
	_ =	sdelay $0x3  }
0x36: {  	p1 =	seq.s32 s10, $0x1;
	s10 =	sld [smem:$0x3FA7];
	_ =	sdelay $0x3  }
0x37: {  	[smem:$0x3FA7] =	sst s10  }
0x38: {  	s10 =	sld [smem:$0x3FA8]  }
0x39: {  	_ = 	snop;
	(pc) =	sbr.ind lr, $3  }
0x3a: {  	_ = 	snop  }
0x3b: {  	_ = 	snop  }
0x3c: {  	p2 =	seq.s32 s10, $0x1;
	s10 =	sld [smem:$0x3FA7]  }
0x3d: {  	_ =	shalt  }
0x3e: {  	_ =	shalt  }
0x3f: {  	_ =	shalt  }
0x40: {  	_ =	shalt  }
0x41: {  	_ =	shalt  }
0x42: {  	_ =	shalt  }
0x43: {  	_ =	shalt  }
0x44: {  	_ =	shalt  }
0x45: {  	_ =	shalt  }
0x46: {  	_ =	shalt  }
0x47: {  	_ =	shalt  }
0x48: {  	_ =	shalt  }
0x49: {  	_ =	shalt  }
0x4a: {  	_ =	shalt  }
0x4b: {  	_ =	shalt  }
0x4c: {  	_ =	shalt  }
0x4d: {  	_ =	shalt  }
0x4e: {  	_ =	shalt  }
0x4f: {  	_ =	shalt  }
0x50: {  	_ =	shalt  }
0x51: {  	_ =	shalt  }
0x52: {  	_ =	shalt  }
0x53: {  	_ =	shalt  }
0x54: {  	_ =	shalt  }
0x55: {  	_ =	shalt  }
0x56: {  	_ =	shalt  }
0x57: {  	_ =	shalt  }
0x58: {  	_ =	shalt  }
0x59: {  	_ =	shalt  }
0x5a: {  	_ =	shalt  }
0x5b: {  	_ =	shalt  }
0x5c: {  	_ =	shalt  }
0x5d: {  	_ =	shalt  }
0x5e: {  	_ =	shalt  }
0x5f: {  	_ =	shalt  }
0x60: {  	_ =	shalt  }
0x61: {  	_ =	shalt  }
0x62: {  	_ =	shalt  }
0x63: {  	_ =	shalt  }
0x64: {  	_ =	shalt  }
0x65: {  	_ =	shalt  }
0x66: {  	_ =	shalt  }
0x67: {  	_ =	shalt  }
0x68: {  	_ =	shalt  }
0x69: {  	_ =	shalt  }
0x6a: {  	_ =	shalt  }
0x6b: {  	_ =	shalt  }
0x6c: {  	_ =	shalt  }
0x6d: {  	_ =	shalt  }
0x6e: {  	_ =	shalt  }
0x6f: {  	_ =	shalt  }
0x70: {  	_ =	shalt  }
0x71: {  	_ =	shalt  }
0x72: {  	_ =	shalt  }
0x73: {  	_ =	shalt  }
0x74: {  	_ =	shalt  }
0x75: {  	_ =	shalt  }
0x76: {  	_ =	shalt  }
0x77: {  	_ =	shalt  }
0x78: {  	_ =	shalt  }
0x79: {  	_ =	shalt  }
0x7a: {  	_ =	shalt  }
0x7b: {  	_ =	shalt  }
0x7c: {  	_ =	shalt  }
0x7d: {  	_ =	shalt  }
0x7e: {  	_ =	shalt  }
0x7f: {  	_ =	shalt  }
0x80: {  	_ =	shalt  }
0x81: {  	_ =	shalt  }
0x82: {  	_ =	shalt  }
0x83: {  	_ =	shalt  }
0x84: {  	_ =	shalt  }
0x85: {  	_ =	shalt  }
0x86: {  	_ =	shalt  }
0x87: {  	_ =	shalt  }
.Lfunc_end0:
.L_simem_size_0:
called_computation.1_lowered:
.L_overlay_start_0:
0x88: {  	s2 =	sld [smem:$0x3FD9]  }
0x89: {  	s3 =	sld [smem:$0x3FFE];
	_ =	sdelay $0x1  }
0x8a: {  	s1 =	srdreg.scid  }
0x8b: {  	s0 =	sand.u32 $0x1, s1  }
0x8c: {  	s17 =	sshll.u32 s0, $0xA;
	s2 =	sadd.s32 s3, s2  }
0x8d: {  	s2 =	sadd.s32 s2, s17  }
0x8e: {  	[smem:$0x3FB3] =	sst s2  }
0x8f: {  	_ = 	snop  }
0x90: {  	s2 =	sld [smem:$0x3FD0];
	(tm) =	ssettm $0x1  }
0x91: {  	s18 =	sld [smem:$0x3FFB];
	_ =	sdelay $0x3  }
0x92: {  	_ =	strace s18  }
0x93: {  	s3 =	sld [smem:$0x3FFC];
	_ =	sdelay $0x3  }
0x94: {  	_ =	strace s3  }
0x95: {  	s3 =	sld [smem:$0x3FFD];
	_ =	sdelay $0x3  }
0x96: {  	_ =	strace s3  }
0x97: {  	_ =	strace $0x8FFFFFFF  }
0x98: {  	s19 =	sld [smem:$0x3FDB];
	_ =	sdelay $0x1  }
0x99: {  	s4 =	simm.s32 $_scs_section_size  }
0x9a: {  	s5 =	simm.s32 $_size__tile_overlayer_lowered;
	s6 =	simm.s32 $_tile_overlayer_lowered  }
0x9b: {  	s22 =	simm.s32 $0x1BFF;
	s21 =	sshll.u32 s6, $0x1;
	s3 =	sadd.s32 s4, s19  }
0x9c: {  	s7 =	simm.s32 $0x0;
	s20 =	sshll.u32 s5, $0x1;
	s5 =	sadd.s32 s21, s3  }
0x9d: {  	[timem:s7], [sflag:s22] =	dma.local [hbm:s5], s20  }
0x9e: {  	_ =	swait.ge [sflag:s22], s20  }
0x9f: {  	s4 =	ssub.s32 $0x0, s20;
	[sflag:s22] =	ssyncset.done $0x0  }
0xa0: {  	[sflag:s22] =	ssyncadd.s32 s4;
	_ =	sdelay $0x1  }
0xa1: {  	s23 =	simm.s32 $0x1B8B  }
0xa2: {  	_ =	swait.ge [sflag:s23], $0x1  }
0xa3: {  	[sflag:s23] =	ssyncset.done $0x0  }
0xa4: {  	s25 =	simm.s32 $0x1B8E;
	s24 =	sld [smem:$0x3FFE];
	[sflag:s23] =	ssyncadd.s32 $0xFFFFFFFF  }
0xa5: {  	s26 =	simm.s32 $execute0_lowered;
	[smem:$0x3FD2] =	sst s25  }
0xa6: {  	s5 =	sshll.u32 s26, $0x1;
	_ =	strace $0x80000046;
	[dreg:$0x1] =	wrdreg $0xFFFFFFFF  }
0xa7: {  	s28 =	simm.s32 $_size_execute0_lowered;
	s3 =	sadd.s32 s3, s5;
	[dreg:$0x0] =	wrdreg $0x0  }
0xa8: {  	s5 =	sshll.u32 s28, $0x1;
	[dreg:$0x2] =	wrdreg s3  }
0xa9: {  	[dreg:$0x3] =	wrdreg s5  }
0xaa: {  	[dreg:$0x4] =	wrdreg $0xC0  }
0xab: {  	_ =	task [dreg:s7], $0x5FFFF  }
0xac: {  	[dreg:$0x1] =	wrdreg $0xFFFFFFFF  }
0xad: {  	[dreg:$0x0] =	wrdreg $0x60  }
0xae: {  	[dreg:$0x2] =	wrdreg s24  }
0xaf: {  	[dreg:$0x3] =	wrdreg s2  }
0xb0: {  	[dreg:$0x4] =	wrdreg $0xA  }
0xb1: {  	_ =	task.clear_ibuf [dreg:s7], $0x5FFFF;
	_ =	strace $0x90000046  }
0xb2: {  	s29 =	simm.s32 $0xA;
	_ =	strace $0x80000048  }
0xb3: {  	_ =	swait.ge [sflag:s29], $0x1  }
0xb4: {  	[sflag:s29] =	ssyncadd.s32 $0xFFFFFFFF  }
0xb5: {  	_ =	strace $0x90000048  }
0xb6: {  	_ =	sfence  }
0xb7: {  	s30 =	sld [smem:$0x0];
	_ =	sdelay $0x2  }
0xb8: {  	s31 =	sshll.u32 s1, $0xD;
	s1 =	sshrl.u32 s1, $0x2  }
0xb9: {  	s3 =	sand.u32 $0x4000, s31;
	s1 =	sadd.s32 s1, s30  }
0xba: {  	s0 =	sor.u32 s3, s0;
	s1 =	sshll.u32 s1, $0x11  }
0xbb: {  	s0 =	sor.u32 s1, s0  }
0xbc: {  	s0 =	sadd.s32 $0x8F2B, s0  }
0xbd: {  	[sflag:s0] =	ssyncadd.remote.s32 $0x1  }
0xbe: {  	_ =	sfence.sel $0xFFFF  }
0xbf: {  	[dreg:$0x0] =	wrdreg $0xFFFFFFFF;
	(pc) =	sbr.abs _section_cstart, $3  }
0xc0: {  	[dreg:$0x1] =	wrdreg $0xFFFFFFFF  }
0xc1: {  	_ =	task.clear_ibuf [dreg:s7], $0x2FFFF;
	_ =	strace $0x9FFFFFFF  }
0xc2: {  	(tm) =	ssettm $0x7FFFFFFF  }
0xc3: {  	_ =	shalt  }
tec
execute0_lowered:
.L_overlay_start_1:
0x0: {  	(tag) =	ssettag $0x1  }
0x1: {  	s0 =	rddreg [dreg:$0x0]  }
0x2: {  	s1 =	rddreg [dreg:$0x1];
	s2 =	srdreg.scid  }
0x3: {  	s3 =	simm.s32 $0x0;
	s5 =	stileid.u32;
	s2 =	sand.u32 $0x1, s2  }
0x4: {  	s28 =	simm.s32 $0x11800;
	s29 =	simm.s32 $0x1400;
	s4 =	sshll.u32 s2, $0x4  }
0x5: {  	s30 =	simm.s32 $0x2800;
	s31 =	simm.s32 $0x3C00;
	s4 =	sor.u32 s5, s4  }
0x6: {  	[smem:$0x7FF] =	sst s3;
	s22 =	sadd.s32 $0x3FA00, s0;
	s6 =	smul.u32 $0x5, s4  }
0x7: {  	s13 =	sadd.s32 $0x3A00, s0;
	s2 =	ssub.s32 $0x2, s2;
	s7 =	smul.u32 $0x500, s4  }
0x8: {  	s0 =	sadd.s32 $0x49A00, s0;
	s8 =	sshrl.u32 s2, $0x1;
	s16 =	smul.u32 $0x1900, s4  }
0x9: {  	_ =	strace $0x80000047;
	s2 =	ssub.s32 s2, s8;
	s10 =	smul.u32 $0x2800, s4  }
0xa: {  	s4 =	smul.u32 $0xC800, s4;
	s21 =	smax.u32 s2, $0x1;
	s2 =	simm.s32 $0x6400  }
0xb: {  	s6 =	sadd.s32 $0x1, s6;
	s7 =	sadd.s32 s22, s7;
	s23 =	sadd.s32 s13, s16  }
0xc: {  	s18 =	sadd.s32 $0xA00, s16;
	s19 =	sadd.s32 $0xF00, s16;
	s20 =	sadd.s32 $0x1400, s16  }
0xd: {  	s10 =	sshrl.u32 s10, $0x3;
	s11 =	sshrl.u32 s4, $0x3;
	s25 =	sadd.s32 $0x5000, s4  }
0xe: {  	s26 =	sadd.s32 $0x7800, s4;
	s4 =	sadd.s32 $0xA000, s4;
	[dreg:$0x3] =	wrdreg s7  }
0xf: {  	s16 =	sadd.s32 s0, s16;
	s17 =	smul.u32 $0x500, s6;
	[dreg:$0x4] =	wrdreg s23  }
0x10: {  	s6 =	smul.u32 $0x2800, s6;
	s7 =	sadd.s32 s13, s18;
	s8 =	sadd.s32 s13, s19  }
0x11: {  	s9 =	sadd.s32 s13, s20;
	s5 =	sadd.s32 s22, s10;
	s11 =	sadd.s32 s13, s11  }
0x12: {  	s4 =	sshrl.u32 s4, $0x3;
	s18 =	sadd.s32 s0, s18;
	s19 =	sadd.s32 s0, s19  }
0x13: {  	s20 =	sadd.s32 s0, s20;
	s22 =	simm.s32 $0x7800;
	s23 =	simm.s32 $0x1  }
0x14: {  	s10 =	sadd.s32 $0x280, s5;
	s11 =	sadd.s32 $0x280, s11;
	s5 =	sshrl.u32 s25, $0x3  }
0x15: {  	s4 =	sadd.s32 s13, s4;
	s25 =	simm.s32 $0xC800;
	s24 =	sadd.s32 s13, s17  }
0x16: {  	s6 =	sshrl.u32 s6, $0x3;
	s5 =	sadd.s32 s13, s5;
	s15 =	sadd.s32 $0x280, s4  }
0x17: {  	s17 =	sadd.s32 s0, s17;
	s0 =	simm.s32 $0x5000;
	s6 =	sadd.s32 s13, s6  }
0x18: {  	s4 =	simm.s32 $0x0;
	s12 =	sadd.s32 $0x280, s6;
	s6 =	sshrl.u32 s26, $0x3  }
0x19: {  	[dreg:$0x5] =	wrdreg s24;
	s24 =	simm.s32 $0xA000;
	s6 =	sadd.s32 s13, s6  }
0x1a: {  	s26 =	simm.s32 $0xF000;
	s13 =	sadd.s32 $0x280, s5;
	s14 =	sadd.s32 $0x280, s6  }
.LBB2_1:
0x1b: {  	[tilespmem:s22], [sflag:$0x1] =	stream.linear.gather [hbm4b:s1+s3], $0x2780, $0x38;
	[tilespmem:$0x14000] =	vst v63  }
0x1c: {  	_ =	swait.ge [sflag:s23], $0x2780  }
0x1d: {  	[sflag:s23] =	ssyncset.done $0x0  }
0x1e: {  	[sflag:s23] =	ssyncadd.s32 $0xFFFFD880  }
0x1f: {  	[tilespmem:s24], [sflag:$0x1] =	stream.linear.gather [hbm4b:s1+s3], $0x2780, $0x38;
	[tilespmem:$0x14000] =	vst v63  }
0x20: {  	_ =	swait.ge [sflag:s23], $0x2780  }
0x21: {  	[sflag:s23] =	ssyncset.done $0x0  }
0x22: {  	[sflag:s23] =	ssyncadd.s32 $0xFFFFD880  }
0x23: {  	[tilespmem:s25], [sflag:$0x1] =	stream.linear.gather [hbm4b:s1+s3], $0x2780, $0x38;
	[tilespmem:$0x14000] =	vst v63  }
0x24: {  	_ =	swait.ge [sflag:s23], $0x2780  }
0x25: {  	[sflag:s23] =	ssyncset.done $0x0  }
0x26: {  	[sflag:s23] =	ssyncadd.s32 $0xFFFFD880  }
0x27: {  	[tilespmem:s26], [sflag:$0x1] =	stream.linear.gather [hbm4b:s1+s3], $0x2780, $0x38;
	[tilespmem:$0x14000] =	vst v63  }
0x28: {  	_ =	swait.ge [sflag:s23], $0x2780  }
0x29: {  	[sflag:s23] =	ssyncset.done $0x0  }
0x2a: {  	[sflag:s23] =	ssyncadd.s32 $0xFFFFD880  }
0x2b: {  	[tilespmem:s28], [sflag:$0x1] =	stream.linear.gather [hbm4b:s1+s3], $0x2780, $0x38;
	[tilespmem:$0x14000] =	vst v63  }
0x2c: {  	_ =	swait.ge [sflag:s23], $0x2780  }
0x2d: {  	[sflag:s23] =	ssyncset.done $0x0  }
0x2e: {  	s5 =	rddreg [dreg:$0x3];
	[sflag:s23] =	ssyncadd.s32 $0xFFFFD880  }
0x2f: {  	[tilespmem:s3], [sflag:$0x1] =	stream.linear.gather [hbm4b:s5+s3], $0x1400, $0x38;
	[tilespmem:$0x14000] =	vst v63  }
0x30: {  	_ =	swait.ge [sflag:s23], $0x1400  }
0x31: {  	[sflag:s23] =	ssyncset.done $0x0  }
0x32: {  	s6 =	rddreg [dreg:$0x4];
	[sflag:s23] =	ssyncadd.s32 $0xFFFFEC00  }
0x33: {  	[tilespmem:s29], [sflag:$0x1] =	stream.linear.gather [hbm4b:s6+s3], $0x1400, $0x38;
	[tilespmem:$0x14000] =	vst v63  }
0x34: {  	_ =	swait.ge [sflag:s23], $0x1400  }
0x35: {  	[sflag:s23] =	ssyncset.done $0x0  }
0x36: {  	s6 =	rddreg [dreg:$0x5];
	[sflag:s23] =	ssyncadd.s32 $0xFFFFEC00  }
0x37: {  	[tilespmem:s30], [sflag:$0x1] =	stream.linear.gather [hbm4b:s6+s3], $0x1400, $0x38;
	[tilespmem:$0x14000] =	vst v63  }
0x38: {  	_ =	swait.ge [sflag:s23], $0x1400  }
0x39: {  	[sflag:s23] =	ssyncset.done $0x0  }
0x3a: {  	[sflag:s23] =	ssyncadd.s32 $0xFFFFEC00  }
0x3b: {  	[tilespmem:s31], [sflag:$0x1] =	stream.linear.gather [hbm4b:s7+s3], $0x1400, $0x38;
	[tilespmem:$0x14000] =	vst v63  }
0x3c: {  	_ =	swait.ge [sflag:s23], $0x1400  }
0x3d: {  	[sflag:s23] =	ssyncset.done $0x0  }
0x3e: {  	[sflag:s23] =	ssyncadd.s32 $0xFFFFEC00  }
0x3f: {  	[tilespmem:s0], [sflag:$0x1] =	stream.linear.gather [hbm4b:s8+s3], $0x1400, $0x38;
	[tilespmem:$0x14000] =	vst v63  }
0x40: {  	_ =	swait.ge [sflag:s23], $0x1400  }
0x41: {  	[sflag:s23] =	ssyncset.done $0x0  }
0x42: {  	[sflag:s23] =	ssyncadd.s32 $0xFFFFEC00  }
0x43: {  	[tilespmem:s2], [sflag:$0x1] =	stream.linear.gather [hbm4b:s9+s3], $0x1400, $0x38;
	[tilespmem:$0x14000] =	vst v63  }
0x44: {  	_ =	swait.ge [sflag:s23], $0x1400  }
0x45: {  	[sflag:s23] =	ssyncset.done $0x0  }
0x46: {  	s5 =	simm.s32 $0x0;
	[sflag:s23] =	ssyncadd.s32 $0xFFFFEC00  }
.LBB2_2:
0x47: {  	s6 =	sshra.s32 s5, $0x2  }
0x48: {  	v0 =	vld [tilespmem:s6+$0x0];
	_ =	sdelay $0x2  }
0x49: {  	v1 =	vld [tilespmem:s6+$0x1400];
	_ =	sdelay $0x4  }
0x4a: {  	[tilespmem:v0+s22+$0x0] =	vst.idx.add.f32.msk $0xffff, v1  }
0x4b: {  	v1 =	vld [tilespmem:s6+$0x2800];
	_ =	sdelay $0x4  }
0x4c: {  	[tilespmem:v0+s24+$0x0] =	vst.idx.add.f32.msk $0xffff, v1  }
0x4d: {  	v1 =	vld [tilespmem:s6+$0x3C00];
	_ =	sdelay $0x4  }
0x4e: {  	[tilespmem:v0+s25+$0x0] =	vst.idx.add.f32.msk $0xffff, v1  }
0x4f: {  	v1 =	vld [tilespmem:s6+$0x5000];
	_ =	sdelay $0x4  }
0x50: {  	[tilespmem:v0+s26+$0x0] =	vst.idx.add.f32.msk $0xffff, v1  }
0x51: {  	v1 =	vld [tilespmem:s6+$0x6400];
	_ =	sdelay $0x4  }
0x52: {  	[tilespmem:v0+s28+$0x0] =	vst.idx.add.f32.msk $0xffff, v1  }
0x53: {  	v0 =	vld [tilespmem:s6+$0x10];
	_ =	sdelay $0x2  }
0x54: {  	v1 =	vld [tilespmem:s6+$0x1410];
	_ =	sdelay $0x4  }
0x55: {  	[tilespmem:v0+s22+$0x0] =	vst.idx.add.f32.msk $0xffff, v1  }
0x56: {  	v1 =	vld [tilespmem:s6+$0x2810];
	_ =	sdelay $0x4  }
0x57: {  	[tilespmem:v0+s24+$0x0] =	vst.idx.add.f32.msk $0xffff, v1  }
0x58: {  	v1 =	vld [tilespmem:s6+$0x3C10];
	_ =	sdelay $0x4  }
0x59: {  	[tilespmem:v0+s25+$0x0] =	vst.idx.add.f32.msk $0xffff, v1  }
0x5a: {  	v1 =	vld [tilespmem:s6+$0x5010];
	_ =	sdelay $0x4  }
0x5b: {  	[tilespmem:v0+s26+$0x0] =	vst.idx.add.f32.msk $0xffff, v1  }
0x5c: {  	v1 =	vld [tilespmem:s6+$0x6410];
	_ =	sdelay $0x4  }
0x5d: {  	[tilespmem:v0+s28+$0x0] =	vst.idx.add.f32.msk $0xffff, v1  }
0x5e: {  	v0 =	vld [tilespmem:s6+$0x20];
	_ =	sdelay $0x2  }
0x5f: {  	v1 =	vld [tilespmem:s6+$0x1420];
	_ =	sdelay $0x4  }
0x60: {  	[tilespmem:v0+s22+$0x0] =	vst.idx.add.f32.msk $0xffff, v1  }
0x61: {  	v1 =	vld [tilespmem:s6+$0x2820];
	_ =	sdelay $0x4  }
0x62: {  	[tilespmem:v0+s24+$0x0] =	vst.idx.add.f32.msk $0xffff, v1  }
0x63: {  	v1 =	vld [tilespmem:s6+$0x3C20];
	_ =	sdelay $0x4  }
0x64: {  	[tilespmem:v0+s25+$0x0] =	vst.idx.add.f32.msk $0xffff, v1  }
0x65: {  	v1 =	vld [tilespmem:s6+$0x5020];
	_ =	sdelay $0x4  }
0x66: {  	[tilespmem:v0+s26+$0x0] =	vst.idx.add.f32.msk $0xffff, v1  }
0x67: {  	v1 =	vld [tilespmem:s6+$0x6420];
	_ =	sdelay $0x4  }
0x68: {  	[tilespmem:v0+s28+$0x0] =	vst.idx.add.f32.msk $0xffff, v1  }
0x69: {  	v0 =	vld [tilespmem:s6+$0x30];
	_ =	sdelay $0x2  }
0x6a: {  	v1 =	vld [tilespmem:s6+$0x1430];
	_ =	sdelay $0x4  }
0x6b: {  	[tilespmem:v0+s22+$0x0] =	vst.idx.add.f32.msk $0xffff, v1  }
0x6c: {  	v1 =	vld [tilespmem:s6+$0x2830];
	_ =	sdelay $0x4  }
0x6d: {  	[tilespmem:v0+s24+$0x0] =	vst.idx.add.f32.msk $0xffff, v1  }
0x6e: {  	v1 =	vld [tilespmem:s6+$0x3C30];
	_ =	sdelay $0x4  }
0x6f: {  	[tilespmem:v0+s25+$0x0] =	vst.idx.add.f32.msk $0xffff, v1  }
0x70: {  	v1 =	vld [tilespmem:s6+$0x5030];
	_ =	sdelay $0x4  }
0x71: {  	[tilespmem:v0+s26+$0x0] =	vst.idx.add.f32.msk $0xffff, v1  }
0x72: {  	v1 =	vld [tilespmem:s6+$0x6430];
	_ =	sdelay $0x4  }
0x73: {  	[tilespmem:v0+s28+$0x0] =	vst.idx.add.f32.msk $0xffff, v1  }
0x74: {  	v0 =	vld [tilespmem:s6+$0x40];
	_ =	sdelay $0x2  }
0x75: {  	v1 =	vld [tilespmem:s6+$0x1440];
	_ =	sdelay $0x4  }
0x76: {  	[tilespmem:v0+s22+$0x0] =	vst.idx.add.f32.msk $0xffff, v1  }
0x77: {  	v1 =	vld [tilespmem:s6+$0x2840];
	_ =	sdelay $0x4  }
0x78: {  	[tilespmem:v0+s24+$0x0] =	vst.idx.add.f32.msk $0xffff, v1  }
0x79: {  	v1 =	vld [tilespmem:s6+$0x3C40];
	_ =	sdelay $0x4  }
0x7a: {  	[tilespmem:v0+s25+$0x0] =	vst.idx.add.f32.msk $0xffff, v1  }
0x7b: {  	v1 =	vld [tilespmem:s6+$0x5040];
	_ =	sdelay $0x4  }
0x7c: {  	[tilespmem:v0+s26+$0x0] =	vst.idx.add.f32.msk $0xffff, v1  }
0x7d: {  	v1 =	vld [tilespmem:s6+$0x6440];
	_ =	sdelay $0x4  }
0x7e: {  	[tilespmem:v0+s28+$0x0] =	vst.idx.add.f32.msk $0xffff, v1  }
0x7f: {  	v0 =	vld [tilespmem:s6+$0x50];
	_ =	sdelay $0x2  }
0x80: {  	v1 =	vld [tilespmem:s6+$0x1450];
	_ =	sdelay $0x4  }
0x81: {  	[tilespmem:v0+s22+$0x0] =	vst.idx.add.f32.msk $0xffff, v1  }
0x82: {  	v1 =	vld [tilespmem:s6+$0x2850];
	_ =	sdelay $0x4  }
0x83: {  	[tilespmem:v0+s24+$0x0] =	vst.idx.add.f32.msk $0xffff, v1  }
0x84: {  	v1 =	vld [tilespmem:s6+$0x3C50];
	_ =	sdelay $0x4  }
0x85: {  	[tilespmem:v0+s25+$0x0] =	vst.idx.add.f32.msk $0xffff, v1  }
0x86: {  	v1 =	vld [tilespmem:s6+$0x5050];
	_ =	sdelay $0x4  }
0x87: {  	[tilespmem:v0+s26+$0x0] =	vst.idx.add.f32.msk $0xffff, v1  }
0x88: {  	v1 =	vld [tilespmem:s6+$0x6450];
	_ =	sdelay $0x4  }
0x89: {  	[tilespmem:v0+s28+$0x0] =	vst.idx.add.f32.msk $0xffff, v1  }
0x8a: {  	v0 =	vld [tilespmem:s6+$0x60];
	_ =	sdelay $0x2  }
0x8b: {  	v1 =	vld [tilespmem:s6+$0x1460];
	_ =	sdelay $0x4  }
0x8c: {  	[tilespmem:v0+s22+$0x0] =	vst.idx.add.f32.msk $0xffff, v1  }
0x8d: {  	v1 =	vld [tilespmem:s6+$0x2860];
	_ =	sdelay $0x4  }
0x8e: {  	[tilespmem:v0+s24+$0x0] =	vst.idx.add.f32.msk $0xffff, v1  }
0x8f: {  	v1 =	vld [tilespmem:s6+$0x3C60];
	_ =	sdelay $0x4  }
0x90: {  	[tilespmem:v0+s25+$0x0] =	vst.idx.add.f32.msk $0xffff, v1  }
0x91: {  	v1 =	vld [tilespmem:s6+$0x5060];
	_ =	sdelay $0x4  }
0x92: {  	[tilespmem:v0+s26+$0x0] =	vst.idx.add.f32.msk $0xffff, v1  }
0x93: {  	v1 =	vld [tilespmem:s6+$0x6460];
	_ =	sdelay $0x4  }
0x94: {  	[tilespmem:v0+s28+$0x0] =	vst.idx.add.f32.msk $0xffff, v1  }
0x95: {  	v0 =	vld [tilespmem:s6+$0x70];
	_ =	sdelay $0x2  }
0x96: {  	v1 =	vld [tilespmem:s6+$0x1470];
	_ =	sdelay $0x4  }
0x97: {  	[tilespmem:v0+s22+$0x0] =	vst.idx.add.f32.msk $0xffff, v1  }
0x98: {  	v1 =	vld [tilespmem:s6+$0x2870];
	_ =	sdelay $0x4  }
0x99: {  	[tilespmem:v0+s24+$0x0] =	vst.idx.add.f32.msk $0xffff, v1  }
0x9a: {  	v1 =	vld [tilespmem:s6+$0x3C70];
	_ =	sdelay $0x4  }
0x9b: {  	[tilespmem:v0+s25+$0x0] =	vst.idx.add.f32.msk $0xffff, v1  }
0x9c: {  	v1 =	vld [tilespmem:s6+$0x5070];
	_ =	sdelay $0x4  }
0x9d: {  	[tilespmem:v0+s26+$0x0] =	vst.idx.add.f32.msk $0xffff, v1  }
0x9e: {  	p0 =	sne.s32 s5, $0x4E00;
	v1 =	vld [tilespmem:s6+$0x6470]  }
.Ltmp0:
0x9f: {  	_ = 	snop;
	(pc) =	sbr.rel @p0 .LBB2_2-.Ltmp0, $2  }
0xa0: {  	_ =	sdelay $0x2  }
0xa1: {  	s5 =	sadd.s32 $0x200, s5;
	[tilespmem:v0+s28+$0x0] =	vst.idx.add.f32.msk $0xffff, v1  }
0xa2: {  	s5 =	simm.s32 $0x0  }
0xa3: {  	[tilespmem:s5], [sflag:$0x1] =	stream.linear.gather [hbm4b:s10+s5], $0x1400, $0x38;
	[tilespmem:$0x14000] =	vst v63  }
0xa4: {  	_ =	swait.ge [sflag:s23], $0x1400  }
0xa5: {  	[sflag:s23] =	ssyncset.done $0x0  }
0xa6: {  	[sflag:s23] =	ssyncadd.s32 $0xFFFFEC00  }
0xa7: {  	[tilespmem:s29], [sflag:$0x1] =	stream.linear.gather [hbm4b:s11+s5], $0x1400, $0x38;
	[tilespmem:$0x14000] =	vst v63  }
0xa8: {  	_ =	swait.ge [sflag:s23], $0x1400  }
0xa9: {  	[sflag:s23] =	ssyncset.done $0x0  }
0xaa: {  	[sflag:s23] =	ssyncadd.s32 $0xFFFFEC00  }
0xab: {  	[tilespmem:s30], [sflag:$0x1] =	stream.linear.gather [hbm4b:s12+s5], $0x1400, $0x38;
	[tilespmem:$0x14000] =	vst v63  }
0xac: {  	_ =	swait.ge [sflag:s23], $0x1400  }
0xad: {  	[sflag:s23] =	ssyncset.done $0x0  }
0xae: {  	[sflag:s23] =	ssyncadd.s32 $0xFFFFEC00  }
0xaf: {  	[tilespmem:s31], [sflag:$0x1] =	stream.linear.gather [hbm4b:s13+s5], $0x1400, $0x38;
	[tilespmem:$0x14000] =	vst v63  }
0xb0: {  	_ =	swait.ge [sflag:s23], $0x1400  }
0xb1: {  	[sflag:s23] =	ssyncset.done $0x0  }
0xb2: {  	[sflag:s23] =	ssyncadd.s32 $0xFFFFEC00  }
0xb3: {  	[tilespmem:s0], [sflag:$0x1] =	stream.linear.gather [hbm4b:s14+s5], $0x1400, $0x38;
	[tilespmem:$0x14000] =	vst v63  }
0xb4: {  	_ =	swait.ge [sflag:s23], $0x1400  }
0xb5: {  	[sflag:s23] =	ssyncset.done $0x0  }
0xb6: {  	[sflag:s23] =	ssyncadd.s32 $0xFFFFEC00  }
0xb7: {  	[tilespmem:s2], [sflag:$0x1] =	stream.linear.gather [hbm4b:s15+s5], $0x1400, $0x38;
	[tilespmem:$0x14000] =	vst v63  }
0xb8: {  	_ =	swait.ge [sflag:s23], $0x1400  }
0xb9: {  	[sflag:s23] =	ssyncset.done $0x0  }
0xba: {  	[sflag:s23] =	ssyncadd.s32 $0xFFFFEC00  }
.LBB2_4:
0xbb: {  	s6 =	sshra.s32 s5, $0x2  }
0xbc: {  	v0 =	vld [tilespmem:s6+$0x0];
	_ =	sdelay $0x2  }
0xbd: {  	v1 =	vld [tilespmem:s6+$0x1400];
	_ =	sdelay $0x4  }
0xbe: {  	[tilespmem:v0+s22+$0x0] =	vst.idx.add.f32.msk $0xffff, v1  }
0xbf: {  	v1 =	vld [tilespmem:s6+$0x2800];
	_ =	sdelay $0x4  }
0xc0: {  	[tilespmem:v0+s24+$0x0] =	vst.idx.add.f32.msk $0xffff, v1  }
0xc1: {  	v1 =	vld [tilespmem:s6+$0x3C00];
	_ =	sdelay $0x4  }
0xc2: {  	[tilespmem:v0+s25+$0x0] =	vst.idx.add.f32.msk $0xffff, v1  }
0xc3: {  	v1 =	vld [tilespmem:s6+$0x5000];
	_ =	sdelay $0x4  }
0xc4: {  	[tilespmem:v0+s26+$0x0] =	vst.idx.add.f32.msk $0xffff, v1  }
0xc5: {  	v1 =	vld [tilespmem:s6+$0x6400];
	_ =	sdelay $0x4  }
0xc6: {  	[tilespmem:v0+s28+$0x0] =	vst.idx.add.f32.msk $0xffff, v1  }
0xc7: {  	v0 =	vld [tilespmem:s6+$0x10];
	_ =	sdelay $0x2  }
0xc8: {  	v1 =	vld [tilespmem:s6+$0x1410];
	_ =	sdelay $0x4  }
0xc9: {  	[tilespmem:v0+s22+$0x0] =	vst.idx.add.f32.msk $0xffff, v1  }
0xca: {  	v1 =	vld [tilespmem:s6+$0x2810];
	_ =	sdelay $0x4  }
0xcb: {  	[tilespmem:v0+s24+$0x0] =	vst.idx.add.f32.msk $0xffff, v1  }
0xcc: {  	v1 =	vld [tilespmem:s6+$0x3C10];
	_ =	sdelay $0x4  }
0xcd: {  	[tilespmem:v0+s25+$0x0] =	vst.idx.add.f32.msk $0xffff, v1  }
0xce: {  	v1 =	vld [tilespmem:s6+$0x5010];
	_ =	sdelay $0x4  }
0xcf: {  	[tilespmem:v0+s26+$0x0] =	vst.idx.add.f32.msk $0xffff, v1  }
0xd0: {  	v1 =	vld [tilespmem:s6+$0x6410];
	_ =	sdelay $0x4  }
0xd1: {  	[tilespmem:v0+s28+$0x0] =	vst.idx.add.f32.msk $0xffff, v1  }
0xd2: {  	v0 =	vld [tilespmem:s6+$0x20];
	_ =	sdelay $0x2  }
0xd3: {  	v1 =	vld [tilespmem:s6+$0x1420];
	_ =	sdelay $0x4  }
0xd4: {  	[tilespmem:v0+s22+$0x0] =	vst.idx.add.f32.msk $0xffff, v1  }
0xd5: {  	v1 =	vld [tilespmem:s6+$0x2820];
	_ =	sdelay $0x4  }
0xd6: {  	[tilespmem:v0+s24+$0x0] =	vst.idx.add.f32.msk $0xffff, v1  }
0xd7: {  	v1 =	vld [tilespmem:s6+$0x3C20];
	_ =	sdelay $0x4  }
0xd8: {  	[tilespmem:v0+s25+$0x0] =	vst.idx.add.f32.msk $0xffff, v1  }
0xd9: {  	v1 =	vld [tilespmem:s6+$0x5020];
	_ =	sdelay $0x4  }
0xda: {  	[tilespmem:v0+s26+$0x0] =	vst.idx.add.f32.msk $0xffff, v1  }
0xdb: {  	v1 =	vld [tilespmem:s6+$0x6420];
	_ =	sdelay $0x4  }
0xdc: {  	[tilespmem:v0+s28+$0x0] =	vst.idx.add.f32.msk $0xffff, v1  }
0xdd: {  	v0 =	vld [tilespmem:s6+$0x30];
	_ =	sdelay $0x2  }
0xde: {  	v1 =	vld [tilespmem:s6+$0x1430];
	_ =	sdelay $0x4  }
0xdf: {  	[tilespmem:v0+s22+$0x0] =	vst.idx.add.f32.msk $0xffff, v1  }
0xe0: {  	v1 =	vld [tilespmem:s6+$0x2830];
	_ =	sdelay $0x4  }
0xe1: {  	[tilespmem:v0+s24+$0x0] =	vst.idx.add.f32.msk $0xffff, v1  }
0xe2: {  	v1 =	vld [tilespmem:s6+$0x3C30];
	_ =	sdelay $0x4  }
0xe3: {  	[tilespmem:v0+s25+$0x0] =	vst.idx.add.f32.msk $0xffff, v1  }
0xe4: {  	v1 =	vld [tilespmem:s6+$0x5030];
	_ =	sdelay $0x4  }
0xe5: {  	[tilespmem:v0+s26+$0x0] =	vst.idx.add.f32.msk $0xffff, v1  }
0xe6: {  	v1 =	vld [tilespmem:s6+$0x6430];
	_ =	sdelay $0x4  }
0xe7: {  	[tilespmem:v0+s28+$0x0] =	vst.idx.add.f32.msk $0xffff, v1  }
0xe8: {  	v0 =	vld [tilespmem:s6+$0x40];
	_ =	sdelay $0x2  }
0xe9: {  	v1 =	vld [tilespmem:s6+$0x1440];
	_ =	sdelay $0x4  }
0xea: {  	[tilespmem:v0+s22+$0x0] =	vst.idx.add.f32.msk $0xffff, v1  }
0xeb: {  	v1 =	vld [tilespmem:s6+$0x2840];
	_ =	sdelay $0x4  }
0xec: {  	[tilespmem:v0+s24+$0x0] =	vst.idx.add.f32.msk $0xffff, v1  }
0xed: {  	v1 =	vld [tilespmem:s6+$0x3C40];
	_ =	sdelay $0x4  }
0xee: {  	[tilespmem:v0+s25+$0x0] =	vst.idx.add.f32.msk $0xffff, v1  }
0xef: {  	v1 =	vld [tilespmem:s6+$0x5040];
	_ =	sdelay $0x4  }
0xf0: {  	[tilespmem:v0+s26+$0x0] =	vst.idx.add.f32.msk $0xffff, v1  }
0xf1: {  	v1 =	vld [tilespmem:s6+$0x6440];
	_ =	sdelay $0x4  }
0xf2: {  	[tilespmem:v0+s28+$0x0] =	vst.idx.add.f32.msk $0xffff, v1  }
0xf3: {  	v0 =	vld [tilespmem:s6+$0x50];
	_ =	sdelay $0x2  }
0xf4: {  	v1 =	vld [tilespmem:s6+$0x1450];
	_ =	sdelay $0x4  }
0xf5: {  	[tilespmem:v0+s22+$0x0] =	vst.idx.add.f32.msk $0xffff, v1  }
0xf6: {  	v1 =	vld [tilespmem:s6+$0x2850];
	_ =	sdelay $0x4  }
0xf7: {  	[tilespmem:v0+s24+$0x0] =	vst.idx.add.f32.msk $0xffff, v1  }
0xf8: {  	v1 =	vld [tilespmem:s6+$0x3C50];
	_ =	sdelay $0x4  }
0xf9: {  	[tilespmem:v0+s25+$0x0] =	vst.idx.add.f32.msk $0xffff, v1  }
0xfa: {  	v1 =	vld [tilespmem:s6+$0x5050];
	_ =	sdelay $0x4  }
0xfb: {  	[tilespmem:v0+s26+$0x0] =	vst.idx.add.f32.msk $0xffff, v1  }
0xfc: {  	v1 =	vld [tilespmem:s6+$0x6450];
	_ =	sdelay $0x4  }
0xfd: {  	[tilespmem:v0+s28+$0x0] =	vst.idx.add.f32.msk $0xffff, v1  }
0xfe: {  	v0 =	vld [tilespmem:s6+$0x60];
	_ =	sdelay $0x2  }
0xff: {  	v1 =	vld [tilespmem:s6+$0x1460];
	_ =	sdelay $0x4  }
0x100: {  	[tilespmem:v0+s22+$0x0] =	vst.idx.add.f32.msk $0xffff, v1  }
0x101: {  	v1 =	vld [tilespmem:s6+$0x2860];
	_ =	sdelay $0x4  }
0x102: {  	[tilespmem:v0+s24+$0x0] =	vst.idx.add.f32.msk $0xffff, v1  }
0x103: {  	v1 =	vld [tilespmem:s6+$0x3C60];
	_ =	sdelay $0x4  }
0x104: {  	[tilespmem:v0+s25+$0x0] =	vst.idx.add.f32.msk $0xffff, v1  }
0x105: {  	v1 =	vld [tilespmem:s6+$0x5060];
	_ =	sdelay $0x4  }
0x106: {  	[tilespmem:v0+s26+$0x0] =	vst.idx.add.f32.msk $0xffff, v1  }
0x107: {  	v1 =	vld [tilespmem:s6+$0x6460];
	_ =	sdelay $0x4  }
0x108: {  	[tilespmem:v0+s28+$0x0] =	vst.idx.add.f32.msk $0xffff, v1  }
0x109: {  	v0 =	vld [tilespmem:s6+$0x70];
	_ =	sdelay $0x2  }
0x10a: {  	v1 =	vld [tilespmem:s6+$0x1470];
	_ =	sdelay $0x4  }
0x10b: {  	[tilespmem:v0+s22+$0x0] =	vst.idx.add.f32.msk $0xffff, v1  }
0x10c: {  	v1 =	vld [tilespmem:s6+$0x2870];
	_ =	sdelay $0x4  }
0x10d: {  	[tilespmem:v0+s24+$0x0] =	vst.idx.add.f32.msk $0xffff, v1  }
0x10e: {  	v1 =	vld [tilespmem:s6+$0x3C70];
	_ =	sdelay $0x4  }
0x10f: {  	[tilespmem:v0+s25+$0x0] =	vst.idx.add.f32.msk $0xffff, v1  }
0x110: {  	v1 =	vld [tilespmem:s6+$0x5070];
	_ =	sdelay $0x4  }
0x111: {  	[tilespmem:v0+s26+$0x0] =	vst.idx.add.f32.msk $0xffff, v1  }
0x112: {  	p0 =	sne.s32 s5, $0x4E00;
	v1 =	vld [tilespmem:s6+$0x6470]  }
.Ltmp1:
0x113: {  	_ = 	snop;
	(pc) =	sbr.rel @p0 .LBB2_4-.Ltmp1, $2  }
0x114: {  	_ =	sdelay $0x2  }
0x115: {  	s5 =	sadd.s32 $0x200, s5;
	[tilespmem:v0+s28+$0x0] =	vst.idx.add.f32.msk $0xffff, v1  }
0x116: {  	[hbm4b:s16+s3] =	stream.linear.scatter [tilespmem:s22], [sflag:$0x1], $0x2780, $0x38;
	[tilespmem:$0x14000] =	vst v63  }
0x117: {  	_ =	swait.ge [sflag:s23], $0x2780  }
0x118: {  	[sflag:s23] =	ssyncset.done $0x0  }
0x119: {  	[sflag:s23] =	ssyncadd.s32 $0xFFFFD880  }
0x11a: {  	[hbm4b:s17+s3] =	stream.linear.scatter [tilespmem:s24], [sflag:$0x1], $0x2780, $0x38;
	[tilespmem:$0x14000] =	vst v63  }
0x11b: {  	_ =	swait.ge [sflag:s23], $0x2780  }
0x11c: {  	[sflag:s23] =	ssyncset.done $0x0  }
0x11d: {  	[sflag:s23] =	ssyncadd.s32 $0xFFFFD880  }
0x11e: {  	[hbm4b:s18+s3] =	stream.linear.scatter [tilespmem:s25], [sflag:$0x1], $0x2780, $0x38;
	[tilespmem:$0x14000] =	vst v63  }
0x11f: {  	_ =	swait.ge [sflag:s23], $0x2780  }
0x120: {  	[sflag:s23] =	ssyncset.done $0x0  }
0x121: {  	[sflag:s23] =	ssyncadd.s32 $0xFFFFD880  }
0x122: {  	[hbm4b:s19+s3] =	stream.linear.scatter [tilespmem:s26], [sflag:$0x1], $0x2780, $0x38;
	[tilespmem:$0x14000] =	vst v63  }
0x123: {  	s4 =	sadd.s32 $0x1, s4;
	_ =	swait.ge [sflag:s23], $0x2780  }
0x124: {  	p0 =	sne.s32 s4, s21;
	[sflag:s23] =	ssyncset.done $0x0  }
.Ltmp2:
0x125: {  	[sflag:s23] =	ssyncadd.s32 $0xFFFFD880;
	(pc) =	sbr.rel @p0 .LBB2_1-.Ltmp2, $4  }
0x126: {  	[hbm4b:s20+s3] =	stream.linear.scatter [tilespmem:s28], [sflag:$0x1], $0x2780, $0x38;
	[tilespmem:$0x14000] =	vst v63  }
0x127: {  	_ =	swait.ge [sflag:s23], $0x2780  }
0x128: {  	[sflag:s23] =	ssyncset.done $0x0  }
0x129: {  	[sflag:s23] =	ssyncadd.s32 $0xFFFFD880  }
0x12a: {  	_ =	sfence.sel $0x180000  }
0x12b: {  	[bflag:$0x0] =	sbarrier.arrive $0xFFFF  }
0x12c: {  	_ =	strace $0x90000047  }
0x12d: {  	s0 =	stileid.u32;
	[bflag:$0x2] =	sbarrier.arrive $0xFFFF  }
0x12e: {  	p0 =	sne.s32 s0, $0x0;
	s0 =	rddreg [dreg:$0x2]  }
0x12f: {  	s0 =	sadd.s32 @!p0 $0x100000, s0  }
0x130: {  	[sflag:s0] =	ssyncadd.tile.s32 @!p0 $0x1;
	_ =	shalt  }
.Lfunc_end2:
_tile_overlayer_lowered:
.L_overlay_start_2:
0x131: {  	(tag) =	ssettag $0x2  }
0x132: {  	s0 =	rddreg [dreg:$0x0];
	s2 =	stileid.u32  }
0x133: {  	s1 =	rddreg [dreg:$0x1];
	p0 =	sne.s32 s2, $0x0  }
0x134: {  	s3 =	rddreg [dreg:$0x2];
	[bflag:$0x3] =	sbarrier.arrive $0xFFFF;
	s2 =	simm.s32 @!p0 $0x1C01  }
0x135: {  	[timem:s3], [sflag:s2] =	dma.local @!p0 [hbm:s0], s1  }
0x136: {  	s0 =	simm.s32 @!p0 $0x1  }
0x137: {  	_ =	swait.ge @!p0 [sflag:s0], s1  }
0x138: {  	s1 =	ssub.s32 @!p0 $0x0, s1;
	[sflag:s0] =	ssyncset.done @!p0 $0x0  }
0x139: {  	[sflag:s0] =	ssyncadd.s32 @!p0 s1  }
0x13a: {  	[bflag:$0x3] =	sbarrier.arrive $0xFFFF  }
0x13b: {  	_ =	shalt  }

// kernel: kernel.13.cloned.1.call-start
scs
__scs_entry_jumppad:
0x0: {  	(pc) =	sbr.rel $0x88, $3  }
0x1: {  	(tag) =	ssettag $0x0;
	lr =	simm.s32 $0x1  }
0x2: {  	[smem:$0x3F8C] =	sst lr;
	_ =	strace $0xD0000000  }
0x3: {  	_ = 	snop  }
0x4: {  	_ = 	snop  }
0x5: {  	_ = 	snop  }
0x6: {  	_ = 	snop  }
0x7: {  	_ = 	snop  }
__scs_overlays_trampoline_lowered:
0x8: {  	[smem:$0x3F9B] =	sst s0  }
0x9: {  	[smem:$0x3F9C] =	sst s1  }
0xa: {  	[smem:$0x3F9D] =	sst s2  }
0xb: {  	[smem:$0x3F9E] =	sst s3  }
0xc: {  	[smem:$0x3F9F] =	sst s4  }
0xd: {  	[smem:$0x3FA0] =	sst s5  }
0xe: {  	[smem:$0x3FA1] =	sst s6  }
0xf: {  	[smem:$0x3FA2] =	sst s7  }
0x10: {  	[smem:$0x3FA3] =	sst s8  }
0x11: {  	[smem:$0x3FA4] =	sst s9;
	s0 =	simm.s32 @!p0 $0x0  }
0x12: {  	s1 =	sld [smem:$0x3F8A];
	s0 =	simm.s32 @p0 $0x1  }
0x13: {  	[smem:$0x3FA5] =	sst s0;
	s0 =	simm.s32 @!p1 $0x0  }
0x14: {  	s2 =	sld [smem:$0x3F89];
	s0 =	simm.s32 @p1 $0x1  }
0x15: {  	[smem:$0x3FA6] =	sst s0;
	s0 =	simm.s32 @!p2 $0x0  }
0x16: {  	s3 =	sld [smem:$0x3FDB];
	s0 =	simm.s32 @p2 $0x1  }
0x17: {  	s4 =	simm.s32 $0x1BF5;
	[smem:$0x3FA8] =	sst s0  }
0x18: {  	s0 =	sld [smem:$0x3F8B];
	_ =	swait.ge [sflag:s4], $0x0  }
0x19: {  	s7 =	sld [smem:$0x3F8C]  }
0x1a: {  	s8 =	sadd.s32 $0xFFFFE003, lr  }
0x1b: {  	s9 =	sadd.s32 $0xFFFFFEF7, lr;
	s5 =	simm.s32 $0xFFFFFFFF;
	p2 =	slt.u32 s8, $0xFFFFF086  }
0x1c: {  	p1 =	slt.u32 s9, $0xF7A;
	s5 =	simm.s32 @!p2 $0x0  }
0x1d: {  	s5 =	simm.s32 @p1 $0x1;
	p0 =	seq.s32 s7, s2  }
0x1e: {  	s7 =	smul.u32 @!p0 $0xF7A, s2;
	p2 =	seq.s32 @!p0 s5, $0x0  }
0x1f: {  	s9 =	smul.u32 $0xF7A, s1;
	s8 =	simm.s32 @!p0 $0x1BF5;
	p2 =	por !p2, p0  }
0x20: {  	[sflag:s8] =	ssyncset.s32 @!p0 $0xFFFFF086;
	s6 =	sadd.s32 @!p0 s3, s7;
	s7 =	simm.s32 @!p0 $0x108  }
0x21: {  	s3 =	sadd.s32 s3, s9;
	s6 =	sadd.s32 @!p0 $0x88, s6;
	s7 =	simm.s32 @p2 $0x1082  }
0x22: {  	[simem:s7], [sflag:s8] =	dma.local @!p0 [hbm:s6], $0xF7A  }
0x23: {  	s9 =	sor.u32 $0xD0000000, s2;
	s6 =	simm.s32 $0x108;
	_ =	swait.ge @!p0 [sflag:s8], $0x0  }
0x24: {  	s3 =	sadd.s32 $0x88, s3;
	s6 =	simm.s32 @!p1 $0x1082;
	[sflag:s4] =	ssyncset.s32 $0xFFFFF086  }
0x25: {  	[simem:s6], [sflag:s4] =	dma.local [hbm:s3], $0xF7A  }
0x26: {  	[smem:$0x3F8C] =	sst s1;
	(tag) =	ssettag s2;
	_ =	strace s9  }
0x27: {  	s1 =	sld [smem:$0x3F9C]  }
0x28: {  	s2 =	sld [smem:$0x3F9D]  }
0x29: {  	s4 =	sld [smem:$0x3F9F]  }
0x2a: {  	p0 =	seq.s32 s5, $0x0;
	s5 =	sld [smem:$0x3FA0]  }
0x2b: {  	s6 =	sld [smem:$0x3FA1]  }
0x2c: {  	s7 =	sld [smem:$0x3FA2]  }
0x2d: {  	s3 =	simm.s32 $0x108;
	s8 =	sld [smem:$0x3FA3]  }
0x2e: {  	s3 =	simm.s32 @!p0 $0x1082;
	s9 =	sld [smem:$0x3FA4]  }
0x2f: {  	lr =	sadd.s32 s0, s3;
	s0 =	sld [smem:$0x3F9B]  }
0x30: {  	s3 =	sld [smem:$0x3F9E]  }
0x31: {  	[smem:$0x3FA7] =	sst s10  }
0x32: {  	s10 =	sld [smem:$0x3FA5];
	_ =	sdelay $0x3  }
0x33: {  	p0 =	seq.s32 s10, $0x1;
	s10 =	sld [smem:$0x3FA7];
	_ =	sdelay $0x3  }
0x34: {  	[smem:$0x3FA7] =	sst s10  }
0x35: {  	s10 =	sld [smem:$0x3FA6];
	_ =	sdelay $0x3  }
0x36: {  	p1 =	seq.s32 s10, $0x1;
	s10 =	sld [smem:$0x3FA7];
	_ =	sdelay $0x3  }
0x37: {  	[smem:$0x3FA7] =	sst s10  }
0x38: {  	s10 =	sld [smem:$0x3FA8]  }
0x39: {  	_ = 	snop;
	(pc) =	sbr.ind lr, $3  }
0x3a: {  	_ = 	snop  }
0x3b: {  	_ = 	snop  }
0x3c: {  	p2 =	seq.s32 s10, $0x1;
	s10 =	sld [smem:$0x3FA7]  }
0x3d: {  	_ =	shalt  }
0x3e: {  	_ =	shalt  }
0x3f: {  	_ =	shalt  }
0x40: {  	_ =	shalt  }
0x41: {  	_ =	shalt  }
0x42: {  	_ =	shalt  }
0x43: {  	_ =	shalt  }
0x44: {  	_ =	shalt  }
0x45: {  	_ =	shalt  }
0x46: {  	_ =	shalt  }
0x47: {  	_ =	shalt  }
0x48: {  	_ =	shalt  }
0x49: {  	_ =	shalt  }
0x4a: {  	_ =	shalt  }
0x4b: {  	_ =	shalt  }
0x4c: {  	_ =	shalt  }
0x4d: {  	_ =	shalt  }
0x4e: {  	_ =	shalt  }
0x4f: {  	_ =	shalt  }
0x50: {  	_ =	shalt  }
0x51: {  	_ =	shalt  }
0x52: {  	_ =	shalt  }
0x53: {  	_ =	shalt  }
0x54: {  	_ =	shalt  }
0x55: {  	_ =	shalt  }
0x56: {  	_ =	shalt  }
0x57: {  	_ =	shalt  }
0x58: {  	_ =	shalt  }
0x59: {  	_ =	shalt  }
0x5a: {  	_ =	shalt  }
0x5b: {  	_ =	shalt  }
0x5c: {  	_ =	shalt  }
0x5d: {  	_ =	shalt  }
0x5e: {  	_ =	shalt  }
0x5f: {  	_ =	shalt  }
0x60: {  	_ =	shalt  }
0x61: {  	_ =	shalt  }
0x62: {  	_ =	shalt  }
0x63: {  	_ =	shalt  }
0x64: {  	_ =	shalt  }
0x65: {  	_ =	shalt  }
0x66: {  	_ =	shalt  }
0x67: {  	_ =	shalt  }
0x68: {  	_ =	shalt  }
0x69: {  	_ =	shalt  }
0x6a: {  	_ =	shalt  }
0x6b: {  	_ =	shalt  }
0x6c: {  	_ =	shalt  }
0x6d: {  	_ =	shalt  }
0x6e: {  	_ =	shalt  }
0x6f: {  	_ =	shalt  }
0x70: {  	_ =	shalt  }
0x71: {  	_ =	shalt  }
0x72: {  	_ =	shalt  }
0x73: {  	_ =	shalt  }
0x74: {  	_ =	shalt  }
0x75: {  	_ =	shalt  }
0x76: {  	_ =	shalt  }
0x77: {  	_ =	shalt  }
0x78: {  	_ =	shalt  }
0x79: {  	_ =	shalt  }
0x7a: {  	_ =	shalt  }
0x7b: {  	_ =	shalt  }
0x7c: {  	_ =	shalt  }
0x7d: {  	_ =	shalt  }
0x7e: {  	_ =	shalt  }
0x7f: {  	_ =	shalt  }
0x80: {  	_ =	shalt  }
0x81: {  	_ =	shalt  }
0x82: {  	_ =	shalt  }
0x83: {  	_ =	shalt  }
0x84: {  	_ =	shalt  }
0x85: {  	_ =	shalt  }
0x86: {  	_ =	shalt  }
0x87: {  	_ =	shalt  }
.Lfunc_end0:
.L_simem_size_0:
called_computation.2_lowered:
.L_overlay_start_0:
0x88: {  	s2 =	sld [smem:$0x3FD9]  }
0x89: {  	s3 =	sld [smem:$0x3FFE];
	_ =	sdelay $0x1  }
0x8a: {  	s1 =	srdreg.scid  }
0x8b: {  	s0 =	sand.u32 $0x1, s1  }
0x8c: {  	s17 =	sshll.u32 s0, $0xA;
	s2 =	sadd.s32 s3, s2  }
0x8d: {  	s2 =	sadd.s32 s2, s17  }
0x8e: {  	[smem:$0x3FB3] =	sst s2  }
0x8f: {  	_ = 	snop  }
0x90: {  	s2 =	sld [smem:$0x3FD0];
	(tm) =	ssettm $0x1  }
0x91: {  	s18 =	sld [smem:$0x3FFB];
	_ =	sdelay $0x3  }
0x92: {  	_ =	strace s18  }
0x93: {  	s3 =	sld [smem:$0x3FFC];
	_ =	sdelay $0x3  }
0x94: {  	_ =	strace s3  }
0x95: {  	s3 =	sld [smem:$0x3FFD];
	_ =	sdelay $0x3  }
0x96: {  	_ =	strace s3  }
0x97: {  	_ =	strace $0x8FFFFFFF  }
0x98: {  	s19 =	sld [smem:$0x3FDB];
	_ =	sdelay $0x1  }
0x99: {  	s4 =	simm.s32 $_scs_section_size  }
0x9a: {  	s5 =	simm.s32 $_size__tile_overlayer_lowered;
	s6 =	simm.s32 $_tile_overlayer_lowered  }
0x9b: {  	s22 =	simm.s32 $0x1BFF;
	s21 =	sshll.u32 s6, $0x1;
	s3 =	sadd.s32 s4, s19  }
0x9c: {  	s7 =	simm.s32 $0x0;
	s20 =	sshll.u32 s5, $0x1;
	s5 =	sadd.s32 s21, s3  }
0x9d: {  	[timem:s7], [sflag:s22] =	dma.local [hbm:s5], s20  }
0x9e: {  	_ =	swait.ge [sflag:s22], s20  }
0x9f: {  	s4 =	ssub.s32 $0x0, s20;
	[sflag:s22] =	ssyncset.done $0x0  }
0xa0: {  	[sflag:s22] =	ssyncadd.s32 s4;
	_ =	sdelay $0x1  }
0xa1: {  	s23 =	simm.s32 $0x1B8B  }
0xa2: {  	_ =	swait.ge [sflag:s23], $0x1  }
0xa3: {  	[sflag:s23] =	ssyncset.done $0x0  }
0xa4: {  	s25 =	simm.s32 $0x1B8E;
	s24 =	sld [smem:$0x3FFE];
	[sflag:s23] =	ssyncadd.s32 $0xFFFFFFFF  }
0xa5: {  	s26 =	simm.s32 $execute0_lowered;
	[smem:$0x3FD2] =	sst s25  }
0xa6: {  	s5 =	sshll.u32 s26, $0x1;
	_ =	strace $0x8000004C;
	[dreg:$0x1] =	wrdreg $0xFFFFFFFF  }
0xa7: {  	s28 =	simm.s32 $_size_execute0_lowered;
	s3 =	sadd.s32 s3, s5;
	[dreg:$0x0] =	wrdreg $0x0  }
0xa8: {  	s5 =	sshll.u32 s28, $0x1;
	[dreg:$0x2] =	wrdreg s3  }
0xa9: {  	[dreg:$0x3] =	wrdreg s5  }
0xaa: {  	[dreg:$0x4] =	wrdreg $0xC0  }
0xab: {  	_ =	task [dreg:s7], $0x5FFFF  }
0xac: {  	[dreg:$0x1] =	wrdreg $0xFFFFFFFF  }
0xad: {  	[dreg:$0x0] =	wrdreg $0x60  }
0xae: {  	[dreg:$0x2] =	wrdreg s2  }
0xaf: {  	[dreg:$0x3] =	wrdreg s24  }
0xb0: {  	[dreg:$0x4] =	wrdreg $0xA8000  }
0xb1: {  	[dreg:$0x5] =	wrdreg $0x9  }
0xb2: {  	_ =	task.clear_ibuf [dreg:s7], $0x6FFFF;
	_ =	strace $0x9000004C  }
0xb3: {  	s29 =	simm.s32 $0x9;
	_ =	strace $0x8000004E  }
0xb4: {  	_ =	swait.ge [sflag:s29], $0x1  }
0xb5: {  	[sflag:s29] =	ssyncadd.s32 $0xFFFFFFFF  }
0xb6: {  	_ =	strace $0x9000004E  }
0xb7: {  	_ =	sfence  }
0xb8: {  	s30 =	sld [smem:$0x0];
	_ =	sdelay $0x2  }
0xb9: {  	s31 =	sshll.u32 s1, $0xD;
	s1 =	sshrl.u32 s1, $0x2  }
0xba: {  	s3 =	sand.u32 $0x4000, s31;
	s1 =	sadd.s32 s1, s30  }
0xbb: {  	s0 =	sor.u32 s3, s0;
	s1 =	sshll.u32 s1, $0x11  }
0xbc: {  	s0 =	sor.u32 s1, s0  }
0xbd: {  	s0 =	sadd.s32 $0x8F2B, s0  }
0xbe: {  	[sflag:s0] =	ssyncadd.remote.s32 $0x1  }
0xbf: {  	_ =	sfence.sel $0xFFFF  }
0xc0: {  	[dreg:$0x0] =	wrdreg $0xFFFFFFFF;
	(pc) =	sbr.abs _section_cstart, $3  }
0xc1: {  	[dreg:$0x1] =	wrdreg $0xFFFFFFFF  }
0xc2: {  	_ =	task.clear_ibuf [dreg:s7], $0x2FFFF;
	_ =	strace $0x9FFFFFFF  }
0xc3: {  	(tm) =	ssettm $0x7FFFFFFF  }
tec
execute0_lowered:
.L_overlay_start_1:
0x0: {  	(tag) =	ssettag $0x1  }
0x1: {  	s0 =	rddreg [dreg:$0x0]  }
0x2: {  	s5 =	rddreg [dreg:$0x1];
	s1 =	srdreg.scid  }
0x3: {  	s3 =	rddreg [dreg:$0x2];
	s2 =	stileid.u32  }
0x4: {  	s4 =	simm.s32 $0x0;
	s17 =	simm.s32 $0x1;
	s18 =	simm.s32 $0x3  }
0x5: {  	s19 =	simm.s32 $0x1400;
	s20 =	simm.s32 $0x80;
	s21 =	simm.s32 $0x6800  }
0x6: {  	s6 =	sand.u32 $0x1, s1;
	s1 =	rddreg [dreg:$0x3];
	s8 =	smul.u32 $0x13C00, s2  }
0x7: {  	s22 =	simm.s32 $0x2;
	[smem:$0x7FF] =	sst s4;
	s29 =	smul.u32 $0x4F000, s2  }
0x8: {  	s12 =	sadd.s32 $0x35A00, s5;
	s13 =	sadd.s32 $0x3FA00, s5;
	s7 =	smul.u32 $0x13C000, s6  }
0x9: {  	s31 =	sshll.u32 s2, $0x1;
	s30 =	sshll.u32 s6, $0x5;
	s6 =	ssub.s32 $0x2, s6  }
0xa: {  	_ =	strace $0x8000004D;
	s9 =	sshrl.u32 s6, $0x1;
	s7 =	sadd.s32 s8, s7  }
0xb: {  	s8 =	sshrl.u32 s29, $0x2;
	s15 =	ssub.s32 s6, s9;
	s7 =	sshrl.u32 s7, $0x3  }
0xc: {  	s14 =	sadd.s32 s7, s5;
	s7 =	sor.u32 s31, s30;
	s5 =	sadd.s32 s8, s3  }
0xd: {  	s15 =	smax.u32 s15, $0x1;
	s10 =	smul.u32 $0x1400, s7;
	s6 =	sadd.s32 $0x4000, s5  }
0xe: {  	s11 =	smul.u32 $0x280, s7;
	s7 =	sadd.s32 $0x8000, s5;
	s8 =	sadd.s32 $0xC000, s5  }
0xf: {  	s9 =	sadd.s32 $0x10000, s5;
	s14 =	sadd.s32 $0x49A00, s14;
	s16 =	sshrl.u32 s10, $0x3  }
0x10: {  	s10 =	sadd.s32 s12, s11;
	s11 =	sadd.s32 s13, s11;
	s16 =	sadd.s32 $0x280, s16  }
0x11: {  	v0 =	vimm.f32 $0.0e+00;
	s12 =	sadd.s32 s12, s16;
	s13 =	sadd.s32 s13, s16;
	s16 =	simm.s32 $0x2800  }
.LBB2_1:
0x12: {  	s23 =	simm.s32 $0x0;
	s24 =	simm.s32 $0x200  }
.LBB2_2:
0x13: {  	p0 =	sne.s32 s24, $0xFE00;
	[tilespmem:s23+$0x2870] =	vst v0  }
0x14: {  	[tilespmem:s23+$0x2800] =	vst v0  }
0x15: {  	[tilespmem:s23+$0x2810] =	vst v0  }
.Ltmp0:
0x16: {  	[tilespmem:s23+$0x2820] =	vst v0;
	(pc) =	sbr.rel @p0 .LBB2_2-.Ltmp0, $4  }
0x17: {  	[tilespmem:s23+$0x2830] =	vst v0  }
0x18: {  	[tilespmem:s23+$0x2840] =	vst v0  }
0x19: {  	[tilespmem:s23+$0x2850] =	vst v0  }
0x1a: {  	[tilespmem:s23+$0x2860] =	vst v0;
	s23 =	sshra.s32 s24, $0x2;
	s24 =	sadd.s32 $0x200, s24  }
0x1b: {  	[tilespmem:s23+$0x2870] =	vst v0  }
0x1c: {  	[tilespmem:s23+$0x2800] =	vst v0  }
0x1d: {  	[tilespmem:s23+$0x2810] =	vst v0  }
0x1e: {  	[tilespmem:s23+$0x2820] =	vst v0  }
0x1f: {  	[tilespmem:s23+$0x2830] =	vst v0  }
0x20: {  	[tilespmem:s23+$0x2840] =	vst v0  }
0x21: {  	[tilespmem:s23+$0x2850] =	vst v0  }
0x22: {  	[tilespmem:s23+$0x2860] =	vst v0  }
0x23: {  	[spmem:s5] =	stream.linear.scatter [tilespmem:s16], [sflag:$0x1], $0x4000, $0x38;
	[tilespmem:$0x1E400] =	vst v63  }
0x24: {  	_ = 	snop  }
0x25: {  	[spmem:s6] =	stream.linear.scatter [tilespmem:s16], [sflag:$0x1], $0x4000, $0x38;
	[tilespmem:$0x1E400] =	vst v63  }
0x26: {  	_ = 	snop  }
0x27: {  	[spmem:s7] =	stream.linear.scatter [tilespmem:s16], [sflag:$0x1], $0x4000, $0x38;
	[tilespmem:$0x1E400] =	vst v63  }
0x28: {  	_ = 	snop  }
0x29: {  	[spmem:s8] =	stream.linear.scatter [tilespmem:s16], [sflag:$0x1], $0x4000, $0x38;
	[tilespmem:$0x1E400] =	vst v63  }
0x2a: {  	_ = 	snop  }
0x2b: {  	[spmem:s9] =	stream.linear.scatter [tilespmem:s16], [sflag:$0x1], $0x3C00, $0x38;
	[tilespmem:$0x1E400] =	vst v63  }
0x2c: {  	_ =	swait.ge [sflag:s17], $0x4000  }
0x2d: {  	[sflag:s17] =	ssyncset.done $0x0  }
0x2e: {  	[sflag:s17] =	ssyncadd.s32 $0xFFFFC000  }
0x2f: {  	_ =	swait.ge [sflag:s17], $0x4000  }
0x30: {  	[sflag:s17] =	ssyncset.done $0x0  }
0x31: {  	[sflag:s17] =	ssyncadd.s32 $0xFFFFC000  }
0x32: {  	_ =	swait.ge [sflag:s17], $0x4000  }
0x33: {  	[sflag:s17] =	ssyncset.done $0x0  }
0x34: {  	[sflag:s17] =	ssyncadd.s32 $0xFFFFC000  }
0x35: {  	_ =	swait.ge [sflag:s17], $0x4000  }
0x36: {  	[sflag:s17] =	ssyncset.done $0x0  }
0x37: {  	[sflag:s17] =	ssyncadd.s32 $0xFFFFC000  }
0x38: {  	_ =	swait.ge [sflag:s17], $0x3C00  }
0x39: {  	[sflag:s17] =	ssyncset.done $0x0  }
0x3a: {  	[sflag:s17] =	ssyncadd.s32 $0xFFFFC400  }
0x3b: {  	s26 =	simm.s32 $0x0;
	[bflag:$0x0] =	sbarrier.arrive $0xFFFF  }
0x3c: {  	[tilespmem:s26], [sflag:$0x3] =	stream.linear.gather [hbm4b:s10+s26], $0x1400, $0x38;
	[tilespmem:$0x1E400] =	vst v63  }
0x3d: {  	_ =	swait.ge [sflag:s18], $0x1400  }
0x3e: {  	[sflag:s18] =	ssyncset.done $0x0  }
0x3f: {  	[sflag:s18] =	ssyncadd.s32 $0xFFFFEC00  }
0x40: {  	[tilespmem:s19], [sflag:$0x3] =	stream.linear.gather [hbm4b:s11+s26], $0x1400, $0x38;
	[tilespmem:$0x1E400] =	vst v63  }
0x41: {  	_ =	swait.ge [sflag:s18], $0x1400  }
0x42: {  	[sflag:s18] =	ssyncset.done $0x0  }
0x43: {  	s28 =	simm.s32 $0x0;
	[sflag:s18] =	ssyncadd.s32 $0xFFFFEC00  }
0x44: {  	[tilespmem:s16], [sflag:$0x1] =	stream.indirect.gather [hbm4b:s0+s20], $0x80, s28, s20, $0xb8;
	[tilespmem:$0x1E400] =	vst v63  }
0x45: {  	s29 =	simm.s32 $0x80  }
0x46: {  	[tilespmem:s21], [sflag:$0x2] =	stream.indirect.gather [hbm4b:s0+s20], $0x80, s29, s20, $0xb8;
	[tilespmem:$0x1E400] =	vst v63  }
0x47: {  	_ =	swait.ge [sflag:s17], $0x4000  }
0x48: {  	[sflag:s17] =	ssyncset.done $0x0  }
0x49: {  	s30 =	simm.s32 $0x1400;
	[sflag:s17] =	ssyncadd.s32 $0xFFFFC000  }
0x4a: {  	[spmem:s3] =	stream.indirect.scatter.add.f32 [tilespmem:s16], [sflag:$0x3], $0x80, s30, s20, $0xb8;
	[tilespmem:$0x1E400] =	vst v63  }
0x4b: {  	_ =	swait.ge [sflag:s18], $0x4000  }
0x4c: {  	[sflag:s18] =	ssyncset.done $0x0  }
0x4d: {  	[sflag:s18] =	ssyncadd.s32 $0xFFFFC000  }
0x4e: {  	_ =	swait.ge [sflag:s22], $0x4000  }
0x4f: {  	[sflag:s22] =	ssyncset.done $0x0  }
0x50: {  	s31 =	simm.s32 $0x1480;
	[sflag:s22] =	ssyncadd.s32 $0xFFFFC000  }
0x51: {  	[spmem:s3] =	stream.indirect.scatter.add.f32 [tilespmem:s21], [sflag:$0x3], $0x80, s31, s20, $0xb8;
	[tilespmem:$0x1E400] =	vst v63  }
0x52: {  	_ =	swait.ge [sflag:s18], $0x4000  }
0x53: {  	s23 =	simm.s32 $0x400;
	s24 =	simm.s32 $0x800;
	[sflag:s18] =	ssyncset.done $0x0  }
.LBB2_4:
0x54: {  	s25 =	sshra.s32 s23, $0x2  }
0x55: {  	[sflag:s18] =	ssyncadd.s32 $0xFFFFC000;
	s23 =	smov.u32 s24;
	s26 =	sadd.s32 $0x400, s24  }
0x56: {  	[tilespmem:s16], [sflag:$0x1] =	stream.indirect.gather [hbm4b:s0+s20], $0x80, s25, s20, $0xb8;
	[tilespmem:$0x1E400] =	vst v63  }
0x57: {  	p0 =	sne.s32 s24, $0x4C00;
	s24 =	sadd.s32 $0x80, s25  }
0x58: {  	[tilespmem:s21], [sflag:$0x2] =	stream.indirect.gather [hbm4b:s0+s20], $0x80, s24, s20, $0xb8;
	[tilespmem:$0x1E400] =	vst v63  }
0x59: {  	_ =	swait.ge [sflag:s17], $0x4000  }
0x5a: {  	[sflag:s17] =	ssyncset.done $0x0  }
0x5b: {  	s24 =	sadd.s32 $0x1400, s25;
	[sflag:s17] =	ssyncadd.s32 $0xFFFFC000  }
0x5c: {  	[spmem:s3] =	stream.indirect.scatter.add.f32 [tilespmem:s16], [sflag:$0x3], $0x80, s24, s20, $0xb8;
	[tilespmem:$0x1E400] =	vst v63  }
0x5d: {  	_ =	swait.ge [sflag:s18], $0x4000  }
0x5e: {  	[sflag:s18] =	ssyncset.done $0x0  }
0x5f: {  	[sflag:s18] =	ssyncadd.s32 $0xFFFFC000  }
0x60: {  	_ =	swait.ge [sflag:s22], $0x4000  }
.Ltmp1:
0x61: {  	[sflag:s22] =	ssyncset.done $0x0;
	(pc) =	sbr.rel @p0 .LBB2_4-.Ltmp1, $4  }
0x62: {  	s24 =	sadd.s32 $0x1480, s25;
	[sflag:s22] =	ssyncadd.s32 $0xFFFFC000  }
0x63: {  	[spmem:s3] =	stream.indirect.scatter.add.f32 [tilespmem:s21], [sflag:$0x3], $0x80, s24, s20, $0xb8;
	[tilespmem:$0x1E400] =	vst v63  }
0x64: {  	_ =	swait.ge [sflag:s18], $0x4000  }
0x65: {  	s24 =	smov.u32 s26;
	[sflag:s18] =	ssyncset.done $0x0  }
0x66: {  	s23 =	sshra.s32 s23, $0x2;
	[sflag:s18] =	ssyncadd.s32 $0xFFFFC000  }
0x67: {  	[tilespmem:s16], [sflag:$0x1] =	stream.indirect.gather [hbm4b:s0+s20], $0x80, s23, s20, $0xb8;
	[tilespmem:$0x1E400] =	vst v63  }
0x68: {  	s24 =	sadd.s32 $0x80, s23  }
0x69: {  	[tilespmem:s21], [sflag:$0x2] =	stream.indirect.gather [hbm4b:s0+s20], $0x80, s24, s20, $0xb8;
	[tilespmem:$0x1E400] =	vst v63  }
0x6a: {  	_ =	swait.ge [sflag:s17], $0x4000  }
0x6b: {  	[sflag:s17] =	ssyncset.done $0x0  }
0x6c: {  	s25 =	sadd.s32 $0x1400, s23;
	[sflag:s17] =	ssyncadd.s32 $0xFFFFC000  }
0x6d: {  	[spmem:s3] =	stream.indirect.scatter.add.f32 [tilespmem:s16], [sflag:$0x3], $0x80, s25, s20, $0xb8;
	[tilespmem:$0x1E400] =	vst v63  }
0x6e: {  	_ =	swait.ge [sflag:s18], $0x4000  }
0x6f: {  	[sflag:s18] =	ssyncset.done $0x0  }
0x70: {  	[sflag:s18] =	ssyncadd.s32 $0xFFFFC000  }
0x71: {  	_ =	swait.ge [sflag:s22], $0x4000  }
0x72: {  	[sflag:s22] =	ssyncset.done $0x0  }
0x73: {  	s23 =	sadd.s32 $0x1480, s23;
	[sflag:s22] =	ssyncadd.s32 $0xFFFFC000  }
0x74: {  	[spmem:s3] =	stream.indirect.scatter.add.f32 [tilespmem:s21], [sflag:$0x3], $0x80, s23, s20, $0xb8;
	[tilespmem:$0x1E400] =	vst v63  }
0x75: {  	_ =	swait.ge [sflag:s18], $0x4000  }
0x76: {  	[sflag:s18] =	ssyncset.done $0x0  }
0x77: {  	s26 =	simm.s32 $0x0;
	[sflag:s18] =	ssyncadd.s32 $0xFFFFC000  }
0x78: {  	[tilespmem:s26], [sflag:$0x3] =	stream.linear.gather [hbm4b:s12+s26], $0x1400, $0x38;
	[tilespmem:$0x1E400] =	vst v63  }
0x79: {  	_ =	swait.ge [sflag:s18], $0x1400  }
0x7a: {  	[sflag:s18] =	ssyncset.done $0x0  }
0x7b: {  	[sflag:s18] =	ssyncadd.s32 $0xFFFFEC00  }
0x7c: {  	[tilespmem:s19], [sflag:$0x3] =	stream.linear.gather [hbm4b:s13+s26], $0x1400, $0x38;
	[tilespmem:$0x1E400] =	vst v63  }
0x7d: {  	_ =	swait.ge [sflag:s18], $0x1400  }
0x7e: {  	[sflag:s18] =	ssyncset.done $0x0  }
0x7f: {  	s28 =	simm.s32 $0x0;
	[sflag:s18] =	ssyncadd.s32 $0xFFFFEC00  }
0x80: {  	[tilespmem:s16], [sflag:$0x1] =	stream.indirect.gather [hbm4b:s0+s20], $0x80, s28, s20, $0xb8;
	[tilespmem:$0x1E400] =	vst v63  }
0x81: {  	s29 =	simm.s32 $0x80  }
0x82: {  	[tilespmem:s21], [sflag:$0x2] =	stream.indirect.gather [hbm4b:s0+s20], $0x80, s29, s20, $0xb8;
	[tilespmem:$0x1E400] =	vst v63  }
0x83: {  	_ =	swait.ge [sflag:s17], $0x4000  }
0x84: {  	[sflag:s17] =	ssyncset.done $0x0  }
0x85: {  	s30 =	simm.s32 $0x1400;
	[sflag:s17] =	ssyncadd.s32 $0xFFFFC000  }
0x86: {  	[spmem:s3] =	stream.indirect.scatter.add.f32 [tilespmem:s16], [sflag:$0x3], $0x80, s30, s20, $0xb8;
	[tilespmem:$0x1E400] =	vst v63  }
0x87: {  	_ =	swait.ge [sflag:s18], $0x4000  }
0x88: {  	[sflag:s18] =	ssyncset.done $0x0  }
0x89: {  	[sflag:s18] =	ssyncadd.s32 $0xFFFFC000  }
0x8a: {  	_ =	swait.ge [sflag:s22], $0x4000  }
0x8b: {  	[sflag:s22] =	ssyncset.done $0x0  }
0x8c: {  	s31 =	simm.s32 $0x1480;
	[sflag:s22] =	ssyncadd.s32 $0xFFFFC000  }
0x8d: {  	[spmem:s3] =	stream.indirect.scatter.add.f32 [tilespmem:s21], [sflag:$0x3], $0x80, s31, s20, $0xb8;
	[tilespmem:$0x1E400] =	vst v63  }
0x8e: {  	_ =	swait.ge [sflag:s18], $0x4000  }
0x8f: {  	s24 =	simm.s32 $0x800;
	s23 =	simm.s32 $0x400;
	[sflag:s18] =	ssyncset.done $0x0  }
.LBB2_6:
0x90: {  	s25 =	sshra.s32 s23, $0x2  }
0x91: {  	[sflag:s18] =	ssyncadd.s32 $0xFFFFC000;
	s23 =	smov.u32 s24;
	s26 =	sadd.s32 $0x400, s24  }
0x92: {  	[tilespmem:s16], [sflag:$0x1] =	stream.indirect.gather [hbm4b:s0+s20], $0x80, s25, s20, $0xb8;
	[tilespmem:$0x1E400] =	vst v63  }
0x93: {  	p0 =	sne.s32 s24, $0x4C00;
	s24 =	sadd.s32 $0x80, s25  }
0x94: {  	[tilespmem:s21], [sflag:$0x2] =	stream.indirect.gather [hbm4b:s0+s20], $0x80, s24, s20, $0xb8;
	[tilespmem:$0x1E400] =	vst v63  }
0x95: {  	_ =	swait.ge [sflag:s17], $0x4000  }
0x96: {  	[sflag:s17] =	ssyncset.done $0x0  }
0x97: {  	s24 =	sadd.s32 $0x1400, s25;
	[sflag:s17] =	ssyncadd.s32 $0xFFFFC000  }
0x98: {  	[spmem:s3] =	stream.indirect.scatter.add.f32 [tilespmem:s16], [sflag:$0x3], $0x80, s24, s20, $0xb8;
	[tilespmem:$0x1E400] =	vst v63  }
0x99: {  	_ =	swait.ge [sflag:s18], $0x4000  }
0x9a: {  	[sflag:s18] =	ssyncset.done $0x0  }
0x9b: {  	[sflag:s18] =	ssyncadd.s32 $0xFFFFC000  }
0x9c: {  	_ =	swait.ge [sflag:s22], $0x4000  }
.Ltmp2:
0x9d: {  	[sflag:s22] =	ssyncset.done $0x0;
	(pc) =	sbr.rel @p0 .LBB2_6-.Ltmp2, $4  }
0x9e: {  	s24 =	sadd.s32 $0x1480, s25;
	[sflag:s22] =	ssyncadd.s32 $0xFFFFC000  }
0x9f: {  	[spmem:s3] =	stream.indirect.scatter.add.f32 [tilespmem:s21], [sflag:$0x3], $0x80, s24, s20, $0xb8;
	[tilespmem:$0x1E400] =	vst v63  }
0xa0: {  	_ =	swait.ge [sflag:s18], $0x4000  }
0xa1: {  	s24 =	smov.u32 s26;
	[sflag:s18] =	ssyncset.done $0x0  }
0xa2: {  	s23 =	sshra.s32 s23, $0x2;
	[sflag:s18] =	ssyncadd.s32 $0xFFFFC000  }
0xa3: {  	[tilespmem:s16], [sflag:$0x1] =	stream.indirect.gather [hbm4b:s0+s20], $0x80, s23, s20, $0xb8;
	[tilespmem:$0x1E400] =	vst v63  }
0xa4: {  	s24 =	sadd.s32 $0x80, s23  }
0xa5: {  	[tilespmem:s21], [sflag:$0x2] =	stream.indirect.gather [hbm4b:s0+s20], $0x80, s24, s20, $0xb8;
	[tilespmem:$0x1E400] =	vst v63  }
0xa6: {  	_ =	swait.ge [sflag:s17], $0x4000  }
0xa7: {  	[sflag:s17] =	ssyncset.done $0x0  }
0xa8: {  	s29 =	sadd.s32 $0x1400, s23;
	[sflag:s17] =	ssyncadd.s32 $0xFFFFC000  }
0xa9: {  	[spmem:s3] =	stream.indirect.scatter.add.f32 [tilespmem:s16], [sflag:$0x3], $0x80, s29, s20, $0xb8;
	[tilespmem:$0x1E400] =	vst v63  }
0xaa: {  	_ =	swait.ge [sflag:s18], $0x4000  }
0xab: {  	[sflag:s18] =	ssyncset.done $0x0  }
0xac: {  	[sflag:s18] =	ssyncadd.s32 $0xFFFFC000  }
0xad: {  	_ =	swait.ge [sflag:s22], $0x4000  }
0xae: {  	[sflag:s22] =	ssyncset.done $0x0  }
0xaf: {  	s23 =	sadd.s32 $0x1480, s23;
	[sflag:s22] =	ssyncadd.s32 $0xFFFFC000  }
0xb0: {  	[spmem:s3] =	stream.indirect.scatter.add.f32 [tilespmem:s21], [sflag:$0x3], $0x80, s23, s20, $0xb8;
	[tilespmem:$0x1E400] =	vst v63  }
0xb1: {  	_ =	swait.ge [sflag:s18], $0x4000  }
0xb2: {  	s30 =	sshll.u32 s2, $0x6;
	s4 =	sadd.s32 $0x1, s4;
	[sflag:s18] =	ssyncset.done $0x0  }
0xb3: {  	s31 =	sshrl.u32 s5, $0x3;
	p0 =	sne.s32 s4, s15;
	[sflag:s18] =	ssyncadd.s32 $0xFFFFC000  }
.Ltmp3:
0xb4: {  	s23 =	sor.u32 $0x1C03, s30;
	[bflag:$0x0] =	sbarrier.arrive $0xFFFF;
	(pc) =	sbr.rel @p0 .LBB2_1-.Ltmp3, $4  }
0xb5: {  	[hbm:s14], [sflag:s23] =	dma.local [spmem:s31], $0x2780  }
0xb6: {  	_ =	swait.ge [sflag:s18], $0x2780  }
0xb7: {  	[sflag:s18] =	ssyncset.done $0x0  }
0xb8: {  	[sflag:s18] =	ssyncadd.s32 $0xFFFFD880  }
0xb9: {  	_ =	sfence.sel $0x180000  }
0xba: {  	[bflag:$0x0] =	sbarrier.arrive $0xFFFF  }
0xbb: {  	p0 =	sne.s32 s2, $0x0;
	_ =	strace $0x9000004D  }
0xbc: {  	s0 =	sadd.s32 @!p0 $0x100000, s1;
	[bflag:$0x2] =	sbarrier.arrive $0xFFFF  }
0xbd: {  	[sflag:s0] =	ssyncadd.tile.s32 @!p0 $0x1;
	_ =	shalt  }
.Lfunc_end2:
_tile_overlayer_lowered:
.L_overlay_start_2:
0xbe: {  	(tag) =	ssettag $0x2  }
0xbf: {  	s0 =	rddreg [dreg:$0x0];
	s2 =	stileid.u32  }
0xc0: {  	s1 =	rddreg [dreg:$0x1];
	p0 =	sne.s32 s2, $0x0  }
0xc1: {  	s3 =	rddreg [dreg:$0x2];
	[bflag:$0x3] =	sbarrier.arrive $0xFFFF;
	s2 =	simm.s32 @!p0 $0x1C03  }
0xc2: {  	[timem:s3], [sflag:s2] =	dma.local @!p0 [hbm:s0], s1  }
0xc3: {  	s0 =	simm.s32 @!p0 $0x3  }
0xc4: {  	_ =	swait.ge @!p0 [sflag:s0], s1  }
0xc5: {  	s1 =	ssub.s32 @!p0 $0x0, s1;
	[sflag:s0] =	ssyncset.done @!p0 $0x0  }
0xc6: {  	[sflag:s0] =	ssyncadd.s32 @!p0 s1  }
0xc7: {  	[bflag:$0x3] =	sbarrier.arrive $0xFFFF  }
0xc8: {  	_ =	shalt  }

// kernel: kernel.7.cloned.1.call-start
scs
__scs_entry_jumppad:
0x0: {  	(pc) =	sbr.rel $0x88, $3  }
0x1: {  	(tag) =	ssettag $0x0;
	lr =	simm.s32 $0x1  }
0x2: {  	[smem:$0x3F8C] =	sst lr;
	_ =	strace $0xD0000000  }
0x3: {  	_ = 	snop  }
0x4: {  	_ = 	snop  }
0x5: {  	_ = 	snop  }
0x6: {  	_ = 	snop  }
0x7: {  	_ = 	snop  }
__scs_overlays_trampoline_lowered:
0x8: {  	[smem:$0x3F9B] =	sst s0  }
0x9: {  	[smem:$0x3F9C] =	sst s1  }
0xa: {  	[smem:$0x3F9D] =	sst s2  }
0xb: {  	[smem:$0x3F9E] =	sst s3  }
0xc: {  	[smem:$0x3F9F] =	sst s4  }
0xd: {  	[smem:$0x3FA0] =	sst s5  }
0xe: {  	[smem:$0x3FA1] =	sst s6  }
0xf: {  	[smem:$0x3FA2] =	sst s7  }
0x10: {  	[smem:$0x3FA3] =	sst s8  }
0x11: {  	[smem:$0x3FA4] =	sst s9;
	s0 =	simm.s32 @!p0 $0x0  }
0x12: {  	s1 =	sld [smem:$0x3F8A];
	s0 =	simm.s32 @p0 $0x1  }
0x13: {  	[smem:$0x3FA5] =	sst s0;
	s0 =	simm.s32 @!p1 $0x0  }
0x14: {  	s2 =	sld [smem:$0x3F89];
	s0 =	simm.s32 @p1 $0x1  }
0x15: {  	[smem:$0x3FA6] =	sst s0;
	s0 =	simm.s32 @!p2 $0x0  }
0x16: {  	s3 =	sld [smem:$0x3FDB];
	s0 =	simm.s32 @p2 $0x1  }
0x17: {  	s4 =	simm.s32 $0x1BF5;
	[smem:$0x3FA8] =	sst s0  }
0x18: {  	s0 =	sld [smem:$0x3F8B];
	_ =	swait.ge [sflag:s4], $0x0  }
0x19: {  	s7 =	sld [smem:$0x3F8C]  }
0x1a: {  	s8 =	sadd.s32 $0xFFFFE003, lr  }
0x1b: {  	s9 =	sadd.s32 $0xFFFFFEF7, lr;
	s5 =	simm.s32 $0xFFFFFFFF;
	p2 =	slt.u32 s8, $0xFFFFF086  }
0x1c: {  	p1 =	slt.u32 s9, $0xF7A;
	s5 =	simm.s32 @!p2 $0x0  }
0x1d: {  	s5 =	simm.s32 @p1 $0x1;
	p0 =	seq.s32 s7, s2  }
0x1e: {  	s7 =	smul.u32 @!p0 $0xF7A, s2;
	p2 =	seq.s32 @!p0 s5, $0x0  }
0x1f: {  	s9 =	smul.u32 $0xF7A, s1;
	s8 =	simm.s32 @!p0 $0x1BF5;
	p2 =	por !p2, p0  }
0x20: {  	[sflag:s8] =	ssyncset.s32 @!p0 $0xFFFFF086;
	s6 =	sadd.s32 @!p0 s3, s7;
	s7 =	simm.s32 @!p0 $0x108  }
0x21: {  	s3 =	sadd.s32 s3, s9;
	s6 =	sadd.s32 @!p0 $0x88, s6;
	s7 =	simm.s32 @p2 $0x1082  }
0x22: {  	[simem:s7], [sflag:s8] =	dma.local @!p0 [hbm:s6], $0xF7A  }
0x23: {  	s9 =	sor.u32 $0xD0000000, s2;
	s6 =	simm.s32 $0x108;
	_ =	swait.ge @!p0 [sflag:s8], $0x0  }
0x24: {  	s3 =	sadd.s32 $0x88, s3;
	s6 =	simm.s32 @!p1 $0x1082;
	[sflag:s4] =	ssyncset.s32 $0xFFFFF086  }
0x25: {  	[simem:s6], [sflag:s4] =	dma.local [hbm:s3], $0xF7A  }
0x26: {  	[smem:$0x3F8C] =	sst s1;
	(tag) =	ssettag s2;
	_ =	strace s9  }
0x27: {  	s1 =	sld [smem:$0x3F9C]  }
0x28: {  	s2 =	sld [smem:$0x3F9D]  }
0x29: {  	s4 =	sld [smem:$0x3F9F]  }
0x2a: {  	p0 =	seq.s32 s5, $0x0;
	s5 =	sld [smem:$0x3FA0]  }
0x2b: {  	s6 =	sld [smem:$0x3FA1]  }
0x2c: {  	s7 =	sld [smem:$0x3FA2]  }
0x2d: {  	s3 =	simm.s32 $0x108;
	s8 =	sld [smem:$0x3FA3]  }
0x2e: {  	s3 =	simm.s32 @!p0 $0x1082;
	s9 =	sld [smem:$0x3FA4]  }
0x2f: {  	lr =	sadd.s32 s0, s3;
	s0 =	sld [smem:$0x3F9B]  }
0x30: {  	s3 =	sld [smem:$0x3F9E]  }
0x31: {  	[smem:$0x3FA7] =	sst s10  }
0x32: {  	s10 =	sld [smem:$0x3FA5];
	_ =	sdelay $0x3  }
0x33: {  	p0 =	seq.s32 s10, $0x1;
	s10 =	sld [smem:$0x3FA7];
	_ =	sdelay $0x3  }
0x34: {  	[smem:$0x3FA7] =	sst s10  }
0x35: {  	s10 =	sld [smem:$0x3FA6];
	_ =	sdelay $0x3  }
0x36: {  	p1 =	seq.s32 s10, $0x1;
	s10 =	sld [smem:$0x3FA7];
	_ =	sdelay $0x3  }
0x37: {  	[smem:$0x3FA7] =	sst s10  }
0x38: {  	s10 =	sld [smem:$0x3FA8]  }
0x39: {  	_ = 	snop;
	(pc) =	sbr.ind lr, $3  }
0x3a: {  	_ = 	snop  }
0x3b: {  	_ = 	snop  }
0x3c: {  	p2 =	seq.s32 s10, $0x1;
	s10 =	sld [smem:$0x3FA7]  }
0x3d: {  	_ =	shalt  }
0x3e: {  	_ =	shalt  }
0x3f: {  	_ =	shalt  }
0x40: {  	_ =	shalt  }
0x41: {  	_ =	shalt  }
0x42: {  	_ =	shalt  }
0x43: {  	_ =	shalt  }
0x44: {  	_ =	shalt  }
0x45: {  	_ =	shalt  }
0x46: {  	_ =	shalt  }
0x47: {  	_ =	shalt  }
0x48: {  	_ =	shalt  }
0x49: {  	_ =	shalt  }
0x4a: {  	_ =	shalt  }
0x4b: {  	_ =	shalt  }
0x4c: {  	_ =	shalt  }
0x4d: {  	_ =	shalt  }
0x4e: {  	_ =	shalt  }
0x4f: {  	_ =	shalt  }
0x50: {  	_ =	shalt  }
0x51: {  	_ =	shalt  }
0x52: {  	_ =	shalt  }
0x53: {  	_ =	shalt  }
0x54: {  	_ =	shalt  }
0x55: {  	_ =	shalt  }
0x56: {  	_ =	shalt  }
0x57: {  	_ =	shalt  }
0x58: {  	_ =	shalt  }
0x59: {  	_ =	shalt  }
0x5a: {  	_ =	shalt  }
0x5b: {  	_ =	shalt  }
0x5c: {  	_ =	shalt  }
0x5d: {  	_ =	shalt  }
0x5e: {  	_ =	shalt  }
0x5f: {  	_ =	shalt  }
0x60: {  	_ =	shalt  }
0x61: {  	_ =	shalt  }
0x62: {  	_ =	shalt  }
0x63: {  	_ =	shalt  }
0x64: {  	_ =	shalt  }
0x65: {  	_ =	shalt  }
0x66: {  	_ =	shalt  }
0x67: {  	_ =	shalt  }
0x68: {  	_ =	shalt  }
0x69: {  	_ =	shalt  }
0x6a: {  	_ =	shalt  }
0x6b: {  	_ =	shalt  }
0x6c: {  	_ =	shalt  }
0x6d: {  	_ =	shalt  }
0x6e: {  	_ =	shalt  }
0x6f: {  	_ =	shalt  }
0x70: {  	_ =	shalt  }
0x71: {  	_ =	shalt  }
0x72: {  	_ =	shalt  }
0x73: {  	_ =	shalt  }
0x74: {  	_ =	shalt  }
0x75: {  	_ =	shalt  }
0x76: {  	_ =	shalt  }
0x77: {  	_ =	shalt  }
0x78: {  	_ =	shalt  }
0x79: {  	_ =	shalt  }
0x7a: {  	_ =	shalt  }
0x7b: {  	_ =	shalt  }
0x7c: {  	_ =	shalt  }
0x7d: {  	_ =	shalt  }
0x7e: {  	_ =	shalt  }
0x7f: {  	_ =	shalt  }
0x80: {  	_ =	shalt  }
0x81: {  	_ =	shalt  }
0x82: {  	_ =	shalt  }
0x83: {  	_ =	shalt  }
0x84: {  	_ =	shalt  }
0x85: {  	_ =	shalt  }
0x86: {  	_ =	shalt  }
0x87: {  	_ =	shalt  }
.Lfunc_end0:
.L_simem_size_0:
called_computation_lowered:
.L_overlay_start_0:
0x88: {  	s2 =	sld [smem:$0x3FD9]  }
0x89: {  	s3 =	sld [smem:$0x3FFE];
	_ =	sdelay $0x1  }
0x8a: {  	s1 =	srdreg.scid  }
0x8b: {  	s0 =	sand.u32 $0x1, s1  }
0x8c: {  	s17 =	sshll.u32 s0, $0xA;
	s2 =	sadd.s32 s3, s2  }
0x8d: {  	s2 =	sadd.s32 s2, s17  }
0x8e: {  	[smem:$0x3FB3] =	sst s2  }
0x8f: {  	_ = 	snop  }
0x90: {  	s18 =	sld [smem:$0x3FC9];
	(tm) =	ssettm $0x1  }
0x91: {  	s19 =	sld [smem:$0x3FFB];
	_ =	sdelay $0x3  }
0x92: {  	_ =	strace s19  }
0x93: {  	s2 =	sld [smem:$0x3FFC];
	_ =	sdelay $0x3  }
0x94: {  	_ =	strace s2  }
0x95: {  	s2 =	sld [smem:$0x3FFD];
	_ =	sdelay $0x3  }
0x96: {  	_ =	strace s2  }
0x97: {  	_ =	strace $0x8FFFFFFF  }
0x98: {  	s20 =	sld [smem:$0x3FDB];
	_ =	sdelay $0x1  }
0x99: {  	s4 =	simm.s32 $_scs_section_size  }
0x9a: {  	s5 =	simm.s32 $_size__tile_overlayer_lowered;
	s6 =	simm.s32 $_tile_overlayer_lowered  }
0x9b: {  	s7 =	simm.s32 $0x1BFF;
	s21 =	sshll.u32 s6, $0x1;
	s4 =	sadd.s32 s4, s20  }
0x9c: {  	s22 =	simm.s32 $0x0;
	s5 =	sshll.u32 s5, $0x1;
	s6 =	sadd.s32 s21, s4  }
0x9d: {  	[timem:s22], [sflag:s7] =	dma.local [hbm:s6], s5  }
0x9e: {  	_ =	swait.ge [sflag:s7], s5  }
0x9f: {  	s5 =	ssub.s32 $0x0, s5;
	[sflag:s7] =	ssyncset.done $0x0  }
0xa0: {  	[sflag:s7] =	ssyncadd.s32 s5;
	_ =	sdelay $0x1  }
0xa1: {  	s23 =	simm.s32 $0x1B8B  }
0xa2: {  	_ =	swait.ge [sflag:s23], $0x1  }
0xa3: {  	[sflag:s23] =	ssyncset.done $0x0  }
0xa4: {  	[sflag:s23] =	ssyncadd.s32 $0xFFFFFFFF  }
0xa5: {  	s5 =	sld [smem:$0x0]  }
0xa6: {  	s6 =	sand.u32 $0xFFFFFFFE, s1  }
0xa7: {  	p0 =	sne.s32 s1, s6  }
0xa8: {  	s6 =	sshll.u32 @p0 s6, $0xE  }
0xa9: {  	s6 =	sadd.s32 @p0 $0x11B8D, s6;
	s7 =	sshll.u32 @p0 s5, $0x11  }
0xaa: {  	s6 =	sor.u32 @p0 s7, s6  }
0xab: {  	[sflag:s6] =	ssyncadd.remote.s32 @p0 $0x1;
	_ =	sdelay $0x1  }
0xac: {  	s6 =	simm.s32 @p0 $0x1B8D  }
0xad: {  	_ =	swait.eq @p0 [sflag:s6], $0x1  }
0xae: {  	[sflag:s6] =	ssyncadd.s32 @p0 $0xFFFFFFFF  }
0xaf: {  	s7 =	sshll.u32 @!p0 s1, $0xE  }
0xb0: {  	s7 =	sor.u32 @!p0 $0x4000, s7;
	s6 =	simm.s32 @!p0 $0x1B8D  }
0xb1: {  	s5 =	sshll.u32 @!p0 s5, $0x11;
	s7 =	sadd.s32 @!p0 $0x11B8D, s7;
	_ =	swait.eq @!p0 [sflag:s6], $0x1  }
0xb2: {  	s5 =	sor.u32 @!p0 s5, s7;
	[sflag:s6] =	ssyncadd.s32 @!p0 $0xFFFFFFFF  }
0xb3: {  	s25 =	simm.s32 $0x1B8E;
	s24 =	sld [smem:$0x3FFE];
	[sflag:s5] =	ssyncadd.remote.s32 @!p0 $0x1  }
0xb4: {  	s26 =	simm.s32 $execute0_lowered;
	[smem:$0x3FD2] =	sst s25  }
0xb5: {  	s6 =	sshll.u32 s26, $0x1;
	_ =	strace $0x80000049;
	[dreg:$0x1] =	wrdreg $0xFFFFFFFF  }
0xb6: {  	s28 =	simm.s32 $_size_execute0_lowered;
	s4 =	sadd.s32 s4, s6;
	[dreg:$0x0] =	wrdreg $0x0  }
0xb7: {  	s6 =	sshll.u32 s28, $0x1;
	[dreg:$0x2] =	wrdreg s4  }
0xb8: {  	[dreg:$0x3] =	wrdreg s6  }
0xb9: {  	[dreg:$0x4] =	wrdreg $0xC0  }
0xba: {  	_ =	task [dreg:s22], $0x5FFFF  }
0xbb: {  	[dreg:$0x1] =	wrdreg $0xFFFFFFFF  }
0xbc: {  	[dreg:$0x0] =	wrdreg $0x60  }
0xbd: {  	[dreg:$0x2] =	wrdreg s18  }
0xbe: {  	[dreg:$0x3] =	wrdreg s24  }
0xbf: {  	[dreg:$0x4] =	wrdreg $0xA8000  }
0xc0: {  	[dreg:$0x5] =	wrdreg $0x9  }
0xc1: {  	_ =	task.clear_ibuf [dreg:s22], $0x6FFFF;
	_ =	strace $0x90000049  }
0xc2: {  	s29 =	simm.s32 $0x9;
	_ =	strace $0x8000004B  }
0xc3: {  	_ =	swait.ge [sflag:s29], $0x1  }
0xc4: {  	[sflag:s29] =	ssyncadd.s32 $0xFFFFFFFF  }
0xc5: {  	_ =	strace $0x9000004B  }
0xc6: {  	_ =	sfence  }
0xc7: {  	s30 =	sld [smem:$0x0];
	_ =	sdelay $0x2  }
0xc8: {  	s31 =	sshll.u32 s1, $0xD;
	s1 =	sshrl.u32 s1, $0x2  }
0xc9: {  	s4 =	sand.u32 $0x4000, s31;
	s1 =	sadd.s32 s1, s30  }
0xca: {  	s0 =	sor.u32 s4, s0;
	s1 =	sshll.u32 s1, $0x11  }
0xcb: {  	s0 =	sor.u32 s1, s0  }
0xcc: {  	s0 =	sadd.s32 $0x8F2B, s0  }
0xcd: {  	[sflag:s0] =	ssyncadd.remote.s32 $0x1  }
0xce: {  	_ =	sfence.sel $0xFFFF  }
0xcf: {  	[dreg:$0x0] =	wrdreg $0xFFFFFFFF;
	(pc) =	sbr.abs _section_cstart, $3  }
0xd0: {  	[dreg:$0x1] =	wrdreg $0xFFFFFFFF  }
0xd1: {  	_ =	task.clear_ibuf [dreg:s22], $0x2FFFF;
	_ =	strace $0x9FFFFFFF  }
0xd2: {  	(tm) =	ssettm $0x7FFFFFFF  }
0xd3: {  	_ =	shalt  }
tec
execute0_lowered:
.L_overlay_start_1:
0x0: {  	(tag) =	ssettag $0x1  }
0x1: {  	s0 =	rddreg [dreg:$0x0]  }
0x2: {  	s5 =	rddreg [dreg:$0x1];
	s1 =	srdreg.scid  }
0x3: {  	s3 =	rddreg [dreg:$0x2];
	s2 =	stileid.u32  }
0x4: {  	s4 =	simm.s32 $0x0;
	s17 =	simm.s32 $0x1;
	s18 =	simm.s32 $0x3  }
0x5: {  	s19 =	simm.s32 $0x1400;
	s20 =	simm.s32 $0x80;
	s21 =	simm.s32 $0x6800  }
0x6: {  	s6 =	sand.u32 $0x1, s1;
	s1 =	rddreg [dreg:$0x3];
	s8 =	smul.u32 $0x13C00, s2  }
0x7: {  	s22 =	simm.s32 $0x2;
	[smem:$0x7FF] =	sst s4;
	s29 =	smul.u32 $0x4F000, s2  }
0x8: {  	s12 =	sadd.s32 $0x35A00, s5;
	s13 =	sadd.s32 $0x3FA00, s5;
	s7 =	smul.u32 $0x13C000, s6  }
0x9: {  	s31 =	sshll.u32 s2, $0x1;
	s30 =	sshll.u32 s6, $0x5;
	s6 =	ssub.s32 $0x2, s6  }
0xa: {  	_ =	strace $0x8000004A;
	s9 =	sshrl.u32 s6, $0x1;
	s7 =	sadd.s32 s8, s7  }
0xb: {  	s8 =	sshrl.u32 s29, $0x2;
	s15 =	ssub.s32 s6, s9;
	s7 =	sshrl.u32 s7, $0x3  }
0xc: {  	s14 =	sadd.s32 s7, s5;
	s7 =	sor.u32 s31, s30;
	s5 =	sadd.s32 s8, s3  }
0xd: {  	s15 =	smax.u32 s15, $0x1;
	s10 =	smul.u32 $0x1400, s7;
	s6 =	sadd.s32 $0x4000, s5  }
0xe: {  	s11 =	smul.u32 $0x280, s7;
	s7 =	sadd.s32 $0x8000, s5;
	s8 =	sadd.s32 $0xC000, s5  }
0xf: {  	s9 =	sadd.s32 $0x10000, s5;
	s14 =	sadd.s32 $0x7BA00, s14;
	s16 =	sshrl.u32 s10, $0x3  }
0x10: {  	s10 =	sadd.s32 s12, s11;
	s11 =	sadd.s32 s13, s11;
	s16 =	sadd.s32 $0x280, s16  }
0x11: {  	v0 =	vimm.f32 $0.0e+00;
	s12 =	sadd.s32 s12, s16;
	s13 =	sadd.s32 s13, s16;
	s16 =	simm.s32 $0x2800  }
.LBB2_1:
0x12: {  	s23 =	simm.s32 $0x0;
	s24 =	simm.s32 $0x200  }
.LBB2_2:
0x13: {  	p0 =	sne.s32 s24, $0xFE00;
	[tilespmem:s23+$0x2870] =	vst v0  }
0x14: {  	[tilespmem:s23+$0x2800] =	vst v0  }
0x15: {  	[tilespmem:s23+$0x2810] =	vst v0  }
.Ltmp0:
0x16: {  	[tilespmem:s23+$0x2820] =	vst v0;
	(pc) =	sbr.rel @p0 .LBB2_2-.Ltmp0, $4  }
0x17: {  	[tilespmem:s23+$0x2830] =	vst v0  }
0x18: {  	[tilespmem:s23+$0x2840] =	vst v0  }
0x19: {  	[tilespmem:s23+$0x2850] =	vst v0  }
0x1a: {  	[tilespmem:s23+$0x2860] =	vst v0;
	s23 =	sshra.s32 s24, $0x2;
	s24 =	sadd.s32 $0x200, s24  }
0x1b: {  	[tilespmem:s23+$0x2870] =	vst v0  }
0x1c: {  	[tilespmem:s23+$0x2800] =	vst v0  }
0x1d: {  	[tilespmem:s23+$0x2810] =	vst v0  }
0x1e: {  	[tilespmem:s23+$0x2820] =	vst v0  }
0x1f: {  	[tilespmem:s23+$0x2830] =	vst v0  }
0x20: {  	[tilespmem:s23+$0x2840] =	vst v0  }
0x21: {  	[tilespmem:s23+$0x2850] =	vst v0  }
0x22: {  	[tilespmem:s23+$0x2860] =	vst v0  }
0x23: {  	[spmem:s5] =	stream.linear.scatter [tilespmem:s16], [sflag:$0x1], $0x4000, $0x38;
	[tilespmem:$0x1E400] =	vst v63  }
0x24: {  	_ = 	snop  }
0x25: {  	[spmem:s6] =	stream.linear.scatter [tilespmem:s16], [sflag:$0x1], $0x4000, $0x38;
	[tilespmem:$0x1E400] =	vst v63  }
0x26: {  	_ = 	snop  }
0x27: {  	[spmem:s7] =	stream.linear.scatter [tilespmem:s16], [sflag:$0x1], $0x4000, $0x38;
	[tilespmem:$0x1E400] =	vst v63  }
0x28: {  	_ = 	snop  }
0x29: {  	[spmem:s8] =	stream.linear.scatter [tilespmem:s16], [sflag:$0x1], $0x4000, $0x38;
	[tilespmem:$0x1E400] =	vst v63  }
0x2a: {  	_ = 	snop  }
0x2b: {  	[spmem:s9] =	stream.linear.scatter [tilespmem:s16], [sflag:$0x1], $0x3C00, $0x38;
	[tilespmem:$0x1E400] =	vst v63  }
0x2c: {  	_ =	swait.ge [sflag:s17], $0x4000  }
0x2d: {  	[sflag:s17] =	ssyncset.done $0x0  }
0x2e: {  	[sflag:s17] =	ssyncadd.s32 $0xFFFFC000  }
0x2f: {  	_ =	swait.ge [sflag:s17], $0x4000  }
0x30: {  	[sflag:s17] =	ssyncset.done $0x0  }
0x31: {  	[sflag:s17] =	ssyncadd.s32 $0xFFFFC000  }
0x32: {  	_ =	swait.ge [sflag:s17], $0x4000  }
0x33: {  	[sflag:s17] =	ssyncset.done $0x0  }
0x34: {  	[sflag:s17] =	ssyncadd.s32 $0xFFFFC000  }
0x35: {  	_ =	swait.ge [sflag:s17], $0x4000  }
0x36: {  	[sflag:s17] =	ssyncset.done $0x0  }
0x37: {  	[sflag:s17] =	ssyncadd.s32 $0xFFFFC000  }
0x38: {  	_ =	swait.ge [sflag:s17], $0x3C00  }
0x39: {  	[sflag:s17] =	ssyncset.done $0x0  }
0x3a: {  	[sflag:s17] =	ssyncadd.s32 $0xFFFFC400  }
0x3b: {  	s26 =	simm.s32 $0x0;
	[bflag:$0x0] =	sbarrier.arrive $0xFFFF  }
0x3c: {  	[tilespmem:s26], [sflag:$0x3] =	stream.linear.gather [hbm4b:s10+s26], $0x1400, $0x38;
	[tilespmem:$0x1E400] =	vst v63  }
0x3d: {  	_ =	swait.ge [sflag:s18], $0x1400  }
0x3e: {  	[sflag:s18] =	ssyncset.done $0x0  }
0x3f: {  	[sflag:s18] =	ssyncadd.s32 $0xFFFFEC00  }
0x40: {  	[tilespmem:s19], [sflag:$0x3] =	stream.linear.gather [hbm4b:s11+s26], $0x1400, $0x38;
	[tilespmem:$0x1E400] =	vst v63  }
0x41: {  	_ =	swait.ge [sflag:s18], $0x1400  }
0x42: {  	[sflag:s18] =	ssyncset.done $0x0  }
0x43: {  	s28 =	simm.s32 $0x0;
	[sflag:s18] =	ssyncadd.s32 $0xFFFFEC00  }
0x44: {  	[tilespmem:s16], [sflag:$0x1] =	stream.indirect.gather [hbm4b:s0+s20], $0x80, s28, s20, $0xb8;
	[tilespmem:$0x1E400] =	vst v63  }
0x45: {  	s29 =	simm.s32 $0x80  }
0x46: {  	[tilespmem:s21], [sflag:$0x2] =	stream.indirect.gather [hbm4b:s0+s20], $0x80, s29, s20, $0xb8;
	[tilespmem:$0x1E400] =	vst v63  }
0x47: {  	_ =	swait.ge [sflag:s17], $0x4000  }
0x48: {  	[sflag:s17] =	ssyncset.done $0x0  }
0x49: {  	s30 =	simm.s32 $0x1400;
	[sflag:s17] =	ssyncadd.s32 $0xFFFFC000  }
0x4a: {  	[spmem:s3] =	stream.indirect.scatter.add.f32 [tilespmem:s16], [sflag:$0x3], $0x80, s30, s20, $0xb8;
	[tilespmem:$0x1E400] =	vst v63  }
0x4b: {  	_ =	swait.ge [sflag:s18], $0x4000  }
0x4c: {  	[sflag:s18] =	ssyncset.done $0x0  }
0x4d: {  	[sflag:s18] =	ssyncadd.s32 $0xFFFFC000  }
0x4e: {  	_ =	swait.ge [sflag:s22], $0x4000  }
0x4f: {  	[sflag:s22] =	ssyncset.done $0x0  }
0x50: {  	s31 =	simm.s32 $0x1480;
	[sflag:s22] =	ssyncadd.s32 $0xFFFFC000  }
0x51: {  	[spmem:s3] =	stream.indirect.scatter.add.f32 [tilespmem:s21], [sflag:$0x3], $0x80, s31, s20, $0xb8;
	[tilespmem:$0x1E400] =	vst v63  }
0x52: {  	_ =	swait.ge [sflag:s18], $0x4000  }
0x53: {  	s23 =	simm.s32 $0x400;
	s24 =	simm.s32 $0x800;
	[sflag:s18] =	ssyncset.done $0x0  }
.LBB2_4:
0x54: {  	s25 =	sshra.s32 s23, $0x2  }
0x55: {  	[sflag:s18] =	ssyncadd.s32 $0xFFFFC000;
	s23 =	smov.u32 s24;
	s26 =	sadd.s32 $0x400, s24  }
0x56: {  	[tilespmem:s16], [sflag:$0x1] =	stream.indirect.gather [hbm4b:s0+s20], $0x80, s25, s20, $0xb8;
	[tilespmem:$0x1E400] =	vst v63  }
0x57: {  	p0 =	sne.s32 s24, $0x4C00;
	s24 =	sadd.s32 $0x80, s25  }
0x58: {  	[tilespmem:s21], [sflag:$0x2] =	stream.indirect.gather [hbm4b:s0+s20], $0x80, s24, s20, $0xb8;
	[tilespmem:$0x1E400] =	vst v63  }
0x59: {  	_ =	swait.ge [sflag:s17], $0x4000  }
0x5a: {  	[sflag:s17] =	ssyncset.done $0x0  }
0x5b: {  	s24 =	sadd.s32 $0x1400, s25;
	[sflag:s17] =	ssyncadd.s32 $0xFFFFC000  }
0x5c: {  	[spmem:s3] =	stream.indirect.scatter.add.f32 [tilespmem:s16], [sflag:$0x3], $0x80, s24, s20, $0xb8;
	[tilespmem:$0x1E400] =	vst v63  }
0x5d: {  	_ =	swait.ge [sflag:s18], $0x4000  }
0x5e: {  	[sflag:s18] =	ssyncset.done $0x0  }
0x5f: {  	[sflag:s18] =	ssyncadd.s32 $0xFFFFC000  }
0x60: {  	_ =	swait.ge [sflag:s22], $0x4000  }
.Ltmp1:
0x61: {  	[sflag:s22] =	ssyncset.done $0x0;
	(pc) =	sbr.rel @p0 .LBB2_4-.Ltmp1, $4  }
0x62: {  	s24 =	sadd.s32 $0x1480, s25;
	[sflag:s22] =	ssyncadd.s32 $0xFFFFC000  }
0x63: {  	[spmem:s3] =	stream.indirect.scatter.add.f32 [tilespmem:s21], [sflag:$0x3], $0x80, s24, s20, $0xb8;
	[tilespmem:$0x1E400] =	vst v63  }
0x64: {  	_ =	swait.ge [sflag:s18], $0x4000  }
0x65: {  	s24 =	smov.u32 s26;
	[sflag:s18] =	ssyncset.done $0x0  }
0x66: {  	s23 =	sshra.s32 s23, $0x2;
	[sflag:s18] =	ssyncadd.s32 $0xFFFFC000  }
0x67: {  	[tilespmem:s16], [sflag:$0x1] =	stream.indirect.gather [hbm4b:s0+s20], $0x80, s23, s20, $0xb8;
	[tilespmem:$0x1E400] =	vst v63  }
0x68: {  	s24 =	sadd.s32 $0x80, s23  }
0x69: {  	[tilespmem:s21], [sflag:$0x2] =	stream.indirect.gather [hbm4b:s0+s20], $0x80, s24, s20, $0xb8;
	[tilespmem:$0x1E400] =	vst v63  }
0x6a: {  	_ =	swait.ge [sflag:s17], $0x4000  }
0x6b: {  	[sflag:s17] =	ssyncset.done $0x0  }
0x6c: {  	s25 =	sadd.s32 $0x1400, s23;
	[sflag:s17] =	ssyncadd.s32 $0xFFFFC000  }
0x6d: {  	[spmem:s3] =	stream.indirect.scatter.add.f32 [tilespmem:s16], [sflag:$0x3], $0x80, s25, s20, $0xb8;
	[tilespmem:$0x1E400] =	vst v63  }
0x6e: {  	_ =	swait.ge [sflag:s18], $0x4000  }
0x6f: {  	[sflag:s18] =	ssyncset.done $0x0  }
0x70: {  	[sflag:s18] =	ssyncadd.s32 $0xFFFFC000  }
0x71: {  	_ =	swait.ge [sflag:s22], $0x4000  }
0x72: {  	[sflag:s22] =	ssyncset.done $0x0  }
0x73: {  	s23 =	sadd.s32 $0x1480, s23;
	[sflag:s22] =	ssyncadd.s32 $0xFFFFC000  }
0x74: {  	[spmem:s3] =	stream.indirect.scatter.add.f32 [tilespmem:s21], [sflag:$0x3], $0x80, s23, s20, $0xb8;
	[tilespmem:$0x1E400] =	vst v63  }
0x75: {  	_ =	swait.ge [sflag:s18], $0x4000  }
0x76: {  	[sflag:s18] =	ssyncset.done $0x0  }
0x77: {  	s26 =	simm.s32 $0x0;
	[sflag:s18] =	ssyncadd.s32 $0xFFFFC000  }
0x78: {  	[tilespmem:s26], [sflag:$0x3] =	stream.linear.gather [hbm4b:s12+s26], $0x1400, $0x38;
	[tilespmem:$0x1E400] =	vst v63  }
0x79: {  	_ =	swait.ge [sflag:s18], $0x1400  }
0x7a: {  	[sflag:s18] =	ssyncset.done $0x0  }
0x7b: {  	[sflag:s18] =	ssyncadd.s32 $0xFFFFEC00  }
0x7c: {  	[tilespmem:s19], [sflag:$0x3] =	stream.linear.gather [hbm4b:s13+s26], $0x1400, $0x38;
	[tilespmem:$0x1E400] =	vst v63  }
0x7d: {  	_ =	swait.ge [sflag:s18], $0x1400  }
0x7e: {  	[sflag:s18] =	ssyncset.done $0x0  }
0x7f: {  	s28 =	simm.s32 $0x0;
	[sflag:s18] =	ssyncadd.s32 $0xFFFFEC00  }
0x80: {  	[tilespmem:s16], [sflag:$0x1] =	stream.indirect.gather [hbm4b:s0+s20], $0x80, s28, s20, $0xb8;
	[tilespmem:$0x1E400] =	vst v63  }
0x81: {  	s29 =	simm.s32 $0x80  }
0x82: {  	[tilespmem:s21], [sflag:$0x2] =	stream.indirect.gather [hbm4b:s0+s20], $0x80, s29, s20, $0xb8;
	[tilespmem:$0x1E400] =	vst v63  }
0x83: {  	_ =	swait.ge [sflag:s17], $0x4000  }
0x84: {  	[sflag:s17] =	ssyncset.done $0x0  }
0x85: {  	s30 =	simm.s32 $0x1400;
	[sflag:s17] =	ssyncadd.s32 $0xFFFFC000  }
0x86: {  	[spmem:s3] =	stream.indirect.scatter.add.f32 [tilespmem:s16], [sflag:$0x3], $0x80, s30, s20, $0xb8;
	[tilespmem:$0x1E400] =	vst v63  }
0x87: {  	_ =	swait.ge [sflag:s18], $0x4000  }
0x88: {  	[sflag:s18] =	ssyncset.done $0x0  }
0x89: {  	[sflag:s18] =	ssyncadd.s32 $0xFFFFC000  }
0x8a: {  	_ =	swait.ge [sflag:s22], $0x4000  }
0x8b: {  	[sflag:s22] =	ssyncset.done $0x0  }
0x8c: {  	s31 =	simm.s32 $0x1480;
	[sflag:s22] =	ssyncadd.s32 $0xFFFFC000  }
0x8d: {  	[spmem:s3] =	stream.indirect.scatter.add.f32 [tilespmem:s21], [sflag:$0x3], $0x80, s31, s20, $0xb8;
	[tilespmem:$0x1E400] =	vst v63  }
0x8e: {  	_ =	swait.ge [sflag:s18], $0x4000  }
0x8f: {  	s24 =	simm.s32 $0x800;
	s23 =	simm.s32 $0x400;
	[sflag:s18] =	ssyncset.done $0x0  }
.LBB2_6:
0x90: {  	s25 =	sshra.s32 s23, $0x2  }
0x91: {  	[sflag:s18] =	ssyncadd.s32 $0xFFFFC000;
	s23 =	smov.u32 s24;
	s26 =	sadd.s32 $0x400, s24  }
0x92: {  	[tilespmem:s16], [sflag:$0x1] =	stream.indirect.gather [hbm4b:s0+s20], $0x80, s25, s20, $0xb8;
	[tilespmem:$0x1E400] =	vst v63  }
0x93: {  	p0 =	sne.s32 s24, $0x4C00;
	s24 =	sadd.s32 $0x80, s25  }
0x94: {  	[tilespmem:s21], [sflag:$0x2] =	stream.indirect.gather [hbm4b:s0+s20], $0x80, s24, s20, $0xb8;
	[tilespmem:$0x1E400] =	vst v63  }
0x95: {  	_ =	swait.ge [sflag:s17], $0x4000  }
0x96: {  	[sflag:s17] =	ssyncset.done $0x0  }
0x97: {  	s24 =	sadd.s32 $0x1400, s25;
	[sflag:s17] =	ssyncadd.s32 $0xFFFFC000  }
0x98: {  	[spmem:s3] =	stream.indirect.scatter.add.f32 [tilespmem:s16], [sflag:$0x3], $0x80, s24, s20, $0xb8;
	[tilespmem:$0x1E400] =	vst v63  }
0x99: {  	_ =	swait.ge [sflag:s18], $0x4000  }
0x9a: {  	[sflag:s18] =	ssyncset.done $0x0  }
0x9b: {  	[sflag:s18] =	ssyncadd.s32 $0xFFFFC000  }
0x9c: {  	_ =	swait.ge [sflag:s22], $0x4000  }
.Ltmp2:
0x9d: {  	[sflag:s22] =	ssyncset.done $0x0;
	(pc) =	sbr.rel @p0 .LBB2_6-.Ltmp2, $4  }
0x9e: {  	s24 =	sadd.s32 $0x1480, s25;
	[sflag:s22] =	ssyncadd.s32 $0xFFFFC000  }
0x9f: {  	[spmem:s3] =	stream.indirect.scatter.add.f32 [tilespmem:s21], [sflag:$0x3], $0x80, s24, s20, $0xb8;
	[tilespmem:$0x1E400] =	vst v63  }
0xa0: {  	_ =	swait.ge [sflag:s18], $0x4000  }
0xa1: {  	s24 =	smov.u32 s26;
	[sflag:s18] =	ssyncset.done $0x0  }
0xa2: {  	s23 =	sshra.s32 s23, $0x2;
	[sflag:s18] =	ssyncadd.s32 $0xFFFFC000  }
0xa3: {  	[tilespmem:s16], [sflag:$0x1] =	stream.indirect.gather [hbm4b:s0+s20], $0x80, s23, s20, $0xb8;
	[tilespmem:$0x1E400] =	vst v63  }
0xa4: {  	s24 =	sadd.s32 $0x80, s23  }
0xa5: {  	[tilespmem:s21], [sflag:$0x2] =	stream.indirect.gather [hbm4b:s0+s20], $0x80, s24, s20, $0xb8;
	[tilespmem:$0x1E400] =	vst v63  }
0xa6: {  	_ =	swait.ge [sflag:s17], $0x4000  }
0xa7: {  	[sflag:s17] =	ssyncset.done $0x0  }
0xa8: {  	s29 =	sadd.s32 $0x1400, s23;
	[sflag:s17] =	ssyncadd.s32 $0xFFFFC000  }
0xa9: {  	[spmem:s3] =	stream.indirect.scatter.add.f32 [tilespmem:s16], [sflag:$0x3], $0x80, s29, s20, $0xb8;
	[tilespmem:$0x1E400] =	vst v63  }
0xaa: {  	_ =	swait.ge [sflag:s18], $0x4000  }
0xab: {  	[sflag:s18] =	ssyncset.done $0x0  }
0xac: {  	[sflag:s18] =	ssyncadd.s32 $0xFFFFC000  }
0xad: {  	_ =	swait.ge [sflag:s22], $0x4000  }
0xae: {  	[sflag:s22] =	ssyncset.done $0x0  }
0xaf: {  	s23 =	sadd.s32 $0x1480, s23;
	[sflag:s22] =	ssyncadd.s32 $0xFFFFC000  }
0xb0: {  	[spmem:s3] =	stream.indirect.scatter.add.f32 [tilespmem:s21], [sflag:$0x3], $0x80, s23, s20, $0xb8;
	[tilespmem:$0x1E400] =	vst v63  }
0xb1: {  	_ =	swait.ge [sflag:s18], $0x4000  }
0xb2: {  	s30 =	sshll.u32 s2, $0x6;
	s4 =	sadd.s32 $0x1, s4;
	[sflag:s18] =	ssyncset.done $0x0  }
0xb3: {  	s31 =	sshrl.u32 s5, $0x3;
	p0 =	sne.s32 s4, s15;
	[sflag:s18] =	ssyncadd.s32 $0xFFFFC000  }
.Ltmp3:
0xb4: {  	s23 =	sor.u32 $0x1C03, s30;
	[bflag:$0x0] =	sbarrier.arrive $0xFFFF;
	(pc) =	sbr.rel @p0 .LBB2_1-.Ltmp3, $4  }
0xb5: {  	[hbm:s14], [sflag:s23] =	dma.local [spmem:s31], $0x2780  }
0xb6: {  	_ =	swait.ge [sflag:s18], $0x2780  }
0xb7: {  	[sflag:s18] =	ssyncset.done $0x0  }
0xb8: {  	[sflag:s18] =	ssyncadd.s32 $0xFFFFD880  }
0xb9: {  	_ =	sfence.sel $0x180000  }
0xba: {  	[bflag:$0x0] =	sbarrier.arrive $0xFFFF  }
0xbb: {  	p0 =	sne.s32 s2, $0x0;
	_ =	strace $0x9000004A  }
0xbc: {  	s0 =	sadd.s32 @!p0 $0x100000, s1;
	[bflag:$0x2] =	sbarrier.arrive $0xFFFF  }
0xbd: {  	[sflag:s0] =	ssyncadd.tile.s32 @!p0 $0x1;
	_ =	shalt  }
.Lfunc_end2:
_tile_overlayer_lowered:
.L_overlay_start_2:
0xbe: {  	(tag) =	ssettag $0x2  }
0xbf: {  	s0 =	rddreg [dreg:$0x0];
	s2 =	stileid.u32  }
0xc0: {  	s1 =	rddreg [dreg:$0x1];
	p0 =	sne.s32 s2, $0x0  }
0xc1: {  	s3 =	rddreg [dreg:$0x2];
	[bflag:$0x3] =	sbarrier.arrive $0xFFFF;
	s2 =	simm.s32 @!p0 $0x1C03  }
0xc2: {  	[timem:s3], [sflag:s2] =	dma.local @!p0 [hbm:s0], s1  }
0xc3: {  	s0 =	simm.s32 @!p0 $0x3  }
0xc4: {  	_ =	swait.ge @!p0 [sflag:s0], s1  }
0xc5: {  	s1 =	ssub.s32 @!p0 $0x0, s1;
	[sflag:s0] =	ssyncset.done @!p0 $0x0  }
0xc6: {  	[sflag:s0] =	ssyncadd.s32 @!p0 s1  }
0xc7: {  	[bflag:$0x3] =	sbarrier.arrive $0xFFFF  }
0xc8: {  	_ =	shalt  }

</sc_bundles>
